<compile_context>
chip_gen: v7x
topology: tpu7x:2x2x1
jax: 0.10.2.dev20260603
libtpu: 0.0.44.dev20260713+nightly
codegen_flags: <defaults>
</compile_context>

<pallas_src>
import functools
import math

import jax
import jax.numpy as jnp
from jax import lax
from jax.experimental import pallas as pl
from jax.experimental.pallas import tpu as pltpu
from jax.experimental.pallas import tpu_sc as plsc

_VOCAB = 100000
_MAXLEN = 2048
_HID = 128
_BATCH = 64

_INFO = plsc.get_sparse_core_info()
_NC = _INFO.num_cores
_NS = _INFO.num_subcores
_NW = _NC * _NS
_TPW = _MAXLEN // _NW
_LANES = _INFO.num_lanes
_SCALE = math.sqrt(float(_HID))
_NBUF = 6


def _body(x_hbm, tok_hbm, pos_hbm, out_hbm, idx_v, gbuf, obuf, pos_v,
          gsems, ssems):
    wid = lax.axis_index("s") * _NC + lax.axis_index("c")
    t0 = wid * _TPW
    c0 = (wid // 2) * (2 * _TPW)
    off = (wid % 2) * _TPW

    pltpu.sync_copy(x_hbm.at[:, pl.ds(c0, 2 * _TPW)], idx_v)

    for s in range(_NBUF):
        pltpu.async_copy(tok_hbm.at[idx_v.at[s, pl.ds(off, _TPW)]],
                         gbuf.at[s], gsems[s])

    pltpu.sync_copy(pos_hbm.at[pl.ds(t0, _TPW)], pos_v)

    def group(i, carry):
        for s in range(0, _NBUF, 2):
            bs = [i * _NBUF + s, i * _NBUF + s + 1]
            for u, b in zip((s, s + 1), bs):
                pltpu.make_async_copy(
                    tok_hbm.at[idx_v.at[u, pl.ds(off, _TPW)]],
                    gbuf.at[u], gsems[u]).wait()

                @pl.when(i > 0)
                def _wait_store():
                    pltpu.make_async_copy(
                        obuf.at[u], out_hbm.at[b - _NBUF, pl.ds(t0, _TPW)],
                        ssems[u]).wait()

            def fma_row(r, c):
                pv = [pos_v[r, pl.ds(j * _LANES, _LANES)]
                      for j in range(_HID // _LANES)]
                for u in (s, s + 1):
                    for j in range(_HID // _LANES):
                        sl = pl.ds(j * _LANES, _LANES)
                        obuf[u, r, sl] = gbuf[u, r, sl] * _SCALE + pv[j]
                return c

            lax.fori_loop(0, _TPW, fma_row, 0)
            for u, b in zip((s, s + 1), bs):
                pltpu.async_copy(obuf.at[u], out_hbm.at[b, pl.ds(t0, _TPW)],
                                 ssems[u])
                @pl.when(b + _NBUF < _BATCH)
                def _next_gather():
                    pltpu.async_copy(
                        tok_hbm.at[idx_v.at[b + _NBUF, pl.ds(off, _TPW)]],
                        gbuf.at[u], gsems[u])
        return carry

    lax.fori_loop(0, _BATCH // _NBUF, group, 0)

    tail_start = (_BATCH // _NBUF) * _NBUF
    for b in range(tail_start, _BATCH):
        s = b % _NBUF
        pltpu.make_async_copy(tok_hbm.at[idx_v.at[s, pl.ds(off, _TPW)]],
                              gbuf.at[s], gsems[s]).wait()
        pltpu.make_async_copy(obuf.at[s],
                              out_hbm.at[b - _NBUF, pl.ds(t0, _TPW)],
                              ssems[s]).wait()

        def fma_row_t(r, c):
            for j in range(_HID // _LANES):
                sl = pl.ds(j * _LANES, _LANES)
                obuf[s, r, sl] = gbuf[s, r, sl] * _SCALE + pos_v[r, sl]
            return c

        lax.fori_loop(0, _TPW, fma_row_t, 0)
        pltpu.async_copy(obuf.at[s], out_hbm.at[b, pl.ds(t0, _TPW)],
                         ssems[s])
    for b in range(_BATCH - _NBUF, _BATCH):
        s = b % _NBUF
        pltpu.make_async_copy(obuf.at[s], out_hbm.at[b, pl.ds(t0, _TPW)],
                              ssems[s]).wait()


@jax.jit
def kernel(x, token_table, pos_table):
    x = x.astype(jnp.int32)
    mesh = plsc.VectorSubcoreMesh(core_axis_name="c", subcore_axis_name="s")
    f = functools.partial(
        pl.kernel,
        mesh=mesh,
        out_type=jax.ShapeDtypeStruct((_BATCH, _MAXLEN, _HID), jnp.float32),
        scratch_types=[
            pltpu.VMEM((_BATCH, 2 * _TPW), jnp.int32),
            pltpu.VMEM((_NBUF, _TPW, _HID), jnp.float32),
            pltpu.VMEM((_NBUF, _TPW, _HID), jnp.float32),
            pltpu.VMEM((_TPW, _HID), jnp.float32),
            [pltpu.SemaphoreType.DMA] * _NBUF,
            [pltpu.SemaphoreType.DMA] * _NBUF,
        ],
    )(_body)
    return f(x, token_table, pos_table)

# --- scband reference (transcript-rebuilt; emitter-appended) ---
"""Pipeline reference for scband-position-and-token-embedding-74380243632419 (READ-ONLY COPY).

The authoritative reference and input builder live on the scoring server;
editing this copy changes nothing except your own understanding.
"""

import jax, jax.numpy as jnp
import numpy as np

VOCAB = 100000
MAXLEN = 2048
HID = 128
BATCH = 64

def setup_inputs(seed: int = 0) -> dict:
    key = jax.random.key(seed)
    k1, k2, k3 = jax.random.split(key, 3)
    x = jax.random.randint(k1, (BATCH, MAXLEN), 0, VOCAB, dtype=jnp.int64)
    token_table = jax.random.normal(k2, (VOCAB, HID), dtype=jnp.float32) * 0.02
    pos_table = jax.random.normal(k3, (MAXLEN, HID), dtype=jnp.float32) * 0.02
    return {"x": x, "token_table": token_table, "pos_table": pos_table}

def reference(x, token_table, pos_table):
    # positions = pos_emb(range(maxlen)) -> full position table lookup
    positions = jnp.take(pos_table, jnp.arange(MAXLEN), axis=0)  # [MAXLEN, HID]
    # token embedding gather
    x_emb = jnp.take(token_table, x, axis=0)  # [B, MAXLEN, HID]
    scale = jnp.sqrt(jnp.asarray(float(HID), dtype=jnp.float32))
    return x_emb * scale + positions[None, :, :]

if __name__ == "__main__":
    import jax
    _d = setup_inputs()
    print(jax.jit(kernel)(*tuple(_d.values())))

</pallas_src>

<mosaic_0001>
#map = affine_map<(d0, d1) -> (0, 0)>
#map1 = affine_map<(d0, d1) -> (0, 0, 0)>
module attributes {stable_mosaic.version = 14 : i64} {
  func.func @_body(%arg0: i32, %arg1: i32, %arg2: memref<64x2048xi32, #tpu.memory_space<hbm>>, %arg3: memref<100000x128xf32, #tpu.memory_space<hbm>>, %arg4: memref<2048x128xf32, #tpu.memory_space<hbm>>, %arg5: memref<64x2048x128xf32, #tpu.memory_space<hbm>>, %arg6: memref<64x128xi32, #tpu.memory_space<vmem>>, %arg7: memref<6x64x128xf32, #tpu.memory_space<vmem>>, %arg8: memref<6x64x128xf32, #tpu.memory_space<vmem>>, %arg9: memref<64x128xf32, #tpu.memory_space<vmem>>, %arg10: memref<!tpu.dma_semaphore, #tpu.memory_space<semaphore_mem>>, %arg11: memref<!tpu.dma_semaphore, #tpu.memory_space<semaphore_mem>>, %arg12: memref<!tpu.dma_semaphore, #tpu.memory_space<semaphore_mem>>, %arg13: memref<!tpu.dma_semaphore, #tpu.memory_space<semaphore_mem>>, %arg14: memref<!tpu.dma_semaphore, #tpu.memory_space<semaphore_mem>>, %arg15: memref<!tpu.dma_semaphore, #tpu.memory_space<semaphore_mem>>, %arg16: memref<!tpu.dma_semaphore, #tpu.memory_space<semaphore_mem>>, %arg17: memref<!tpu.dma_semaphore, #tpu.memory_space<semaphore_mem>>, %arg18: memref<!tpu.dma_semaphore, #tpu.memory_space<semaphore_mem>>, %arg19: memref<!tpu.dma_semaphore, #tpu.memory_space<semaphore_mem>>, %arg20: memref<!tpu.dma_semaphore, #tpu.memory_space<semaphore_mem>>, %arg21: memref<!tpu.dma_semaphore, #tpu.memory_space<semaphore_mem>>) attributes {dimension_semantics = [#tpu.dimension_semantics<core_parallel>, #tpu.dimension_semantics<subcore_parallel>], iteration_bounds = array<i64: 2, 16>, scalar_prefetch = 0 : i64, scratch_operands = 16 : i64, tpu.core_type = #tpu.core_type<sc_vector_subcore>, window_params = [{transform_indices = #map}, {transform_indices = #map}, {transform_indices = #map}, {transform_indices = #map1}]} {
    %mul3A = arith.constant 2 : i32
    %mul3A_0 = arith.muli %arg1, %mul3A : i32
    %add3A = arith.addi %mul3A_0, %arg0 : i32
    %mul3A_1 = arith.constant 64 : i32
    %mul3A_2 = arith.muli %add3A, %mul3A_1 : i32
    %jit3A = arith.constant 2 : i32
    %div3A = arith.divsi %add3A, %jit3A : i32
    %sign3A = arith.constant 0 : i32
    %sign3A_3 = arith.cmpi sgt, %add3A, %sign3A : i32
    %sign3A_4 = arith.extui %sign3A_3 : i1 to i32
    %sign3A_5 = arith.constant 0 : i32
    %sign3A_6 = arith.cmpi slt, %add3A, %sign3A_5 : i32
    %sign3A_7 = arith.extui %sign3A_6 : i1 to i32
    %sign3A_8 = arith.subi %sign3A_4, %sign3A_7 : i32
    %sign3A_9 = arith.constant 0 : i32
    %sign3A_10 = arith.cmpi sgt, %jit3A, %sign3A_9 : i32
    %sign3A_11 = arith.extui %sign3A_10 : i1 to i32
    %sign3A_12 = arith.constant 0 : i32
    %sign3A_13 = arith.cmpi slt, %jit3A, %sign3A_12 : i32
    %sign3A_14 = arith.extui %sign3A_13 : i1 to i32
    %sign3A_15 = arith.subi %sign3A_11, %sign3A_14 : i32
    %ne3A = arith.cmpi ne, %sign3A_8, %sign3A_15 : i32
    %rem3A = arith.remsi %add3A, %jit3A : i32
    %ne3A_16 = arith.constant 0 : i32
    %ne3A_17 = arith.cmpi ne, %rem3A, %ne3A_16 : i32
    %and3A = arith.andi %ne3A, %ne3A_17 : i1
    %sub3A = arith.constant 1 : i32
    %sub3A_18 = arith.subi %div3A, %sub3A : i32
    %select_n3A = arith.select %and3A, %sub3A_18, %div3A : i32
    %mul3A_19 = arith.constant 128 : i32
    %mul3A_20 = arith.muli %select_n3A, %mul3A_19 : i32
    %jit3A_21 = arith.constant 2 : i32
    %eq3A = arith.constant 0 : i32
    %eq3A_22 = arith.cmpi eq, %jit3A_21, %eq3A : i32
    %jit3A_23 = arith.constant 1 : i32
    %select_n3A_24 = arith.select %eq3A_22, %jit3A_23, %jit3A_21 : i32
    %rem3A_25 = arith.remsi %add3A, %select_n3A_24 : i32
    %ne3A_26 = arith.constant 0 : i32
    %ne3A_27 = arith.cmpi ne, %rem3A_25, %ne3A_26 : i32
    %lt3A = arith.constant 0 : i32
    %lt3A_28 = arith.cmpi slt, %rem3A_25, %lt3A : i32
    %lt3A_29 = arith.constant 0 : i32
    %lt3A_30 = arith.cmpi slt, %select_n3A_24, %lt3A_29 : i32
    %ne3A_31 = arith.xori %lt3A_28, %lt3A_30 : i1
    %and3A_32 = arith.andi %ne3A_31, %ne3A_27 : i1
    %add3A_33 = arith.addi %rem3A_25, %select_n3A_24 : i32
    %select_n3A_34 = arith.select %and3A_32, %add3A_33, %rem3A_25 : i32
    %mul3A_35 = arith.constant 64 : i32
    %mul3A_36 = arith.muli %select_n3A_34, %mul3A_35 : i32
    "tpu.region"() ({
      %run_scoped3A = tpu.sem_alloc : memref<!tpu.dma_semaphore, #tpu.memory_space<semaphore_mem>>
      %dma_start3A_398 = arith.constant 0 : i32
      %dma_start3A_399 = tpu.memref_slice %arg2[%dma_start3A_398, %mul3A_20] : memref<64x2048xi32, #tpu.memory_space<hbm>> -> memref<64x128xi32, #tpu.memory_space<hbm>>
      %dma_start3A_400 = arith.constant 0 : i32
      %dma_start3A_401 = tpu.memref_slice %arg2[%dma_start3A_400, %mul3A_20] : memref<64x2048xi32, #tpu.memory_space<hbm>> -> memref<64x128xi32, #tpu.memory_space<hbm>>
      tpu.enqueue_dma source(%dma_start3A_401 : memref<64x128xi32, #tpu.memory_space<hbm>>) target(%arg6 : memref<64x128xi32, #tpu.memory_space<vmem>>) target_semaphore(%run_scoped3A : memref<!tpu.dma_semaphore, #tpu.memory_space<semaphore_mem>>)
      %dma_wait3A_402 = arith.constant 0 : i32
      %dma_wait3A_403 = tpu.memref_slice %arg2[%dma_wait3A_402, %mul3A_20] : memref<64x2048xi32, #tpu.memory_space<hbm>> -> memref<64x128xi32, #tpu.memory_space<hbm>>
      %dma_wait3A_404 = arith.constant 0 : i32
      %dma_wait3A_405 = tpu.memref_slice %arg2[%dma_wait3A_404, %mul3A_20] : memref<64x2048xi32, #tpu.memory_space<hbm>> -> memref<64x128xi32, #tpu.memory_space<hbm>>
      tpu.wait_dma2 semaphore(%run_scoped3A : memref<!tpu.dma_semaphore, #tpu.memory_space<semaphore_mem>>) src(%dma_wait3A_405 : memref<64x128xi32, #tpu.memory_space<hbm>>) dst(%arg6 : memref<64x128xi32, #tpu.memory_space<vmem>>)
      tpu.yield
    }) : () -> ()
    %dma_start3A = arith.constant 0 : i32
    %dma_start3A_37 = arith.constant 0 : i32
    %dma_start3A_38 = arith.constant 0 : i32
    %dma_start3A_39 = arith.constant 0 : i32
    %dma_start3A_40 = tpu.memref_slice %arg7[%dma_start3A_37, %dma_start3A_38, %dma_start3A_39] : memref<6x64x128xf32, #tpu.memory_space<vmem>> -> memref<1x64x128xf32, #tpu.memory_space<vmem>>
    %dma_start3A_41 = tpu.memref_squeeze %dma_start3A_40 : memref<1x64x128xf32, #tpu.memory_space<vmem>> -> memref<64x128xf32, #tpu.memory_space<vmem>>
    %dma_start3A_42 = tpu.memref_slice %arg6[%dma_start3A, %mul3A_36] : memref<64x128xi32, #tpu.memory_space<vmem>> -> memref<1x64xi32, #tpu.memory_space<vmem>>
    %dma_start3A_43 = tpu.memref_squeeze %dma_start3A_42 : memref<1x64xi32, #tpu.memory_space<vmem>> -> memref<64xi32, #tpu.memory_space<vmem>>
    %dma_start3A_44 = arith.constant 0 : i32
    %dma_start3A_45 = arith.constant 0 : i32
    %dma_start3A_46 = tpu.memref_slice %arg3[%dma_start3A_44, %dma_start3A_45] : memref<100000x128xf32, #tpu.memory_space<hbm>> -> memref<100000x128xf32, #tpu.memory_space<hbm>>
    tpu.enqueue_indirect_dma source(%dma_start3A_46 : memref<100000x128xf32, #tpu.memory_space<hbm>>) target(%dma_start3A_41 : memref<64x128xf32, #tpu.memory_space<vmem>>) offsets(%dma_start3A_43 : memref<64xi32, #tpu.memory_space<vmem>>) semaphore(%arg10 : memref<!tpu.dma_semaphore, #tpu.memory_space<semaphore_mem>>)
    %dma_start3A_47 = arith.constant 1 : i32
    %dma_start3A_48 = arith.constant 1 : i32
    %dma_start3A_49 = arith.constant 0 : i32
    %dma_start3A_50 = arith.constant 0 : i32
    %dma_start3A_51 = tpu.memref_slice %arg7[%dma_start3A_48, %dma_start3A_49, %dma_start3A_50] : memref<6x64x128xf32, #tpu.memory_space<vmem>> -> memref<1x64x128xf32, #tpu.memory_space<vmem>>
    %dma_start3A_52 = tpu.memref_squeeze %dma_start3A_51 : memref<1x64x128xf32, #tpu.memory_space<vmem>> -> memref<64x128xf32, #tpu.memory_space<vmem>>
    %dma_start3A_53 = tpu.memref_slice %arg6[%dma_start3A_47, %mul3A_36] : memref<64x128xi32, #tpu.memory_space<vmem>> -> memref<1x64xi32, #tpu.memory_space<vmem>>
    %dma_start3A_54 = tpu.memref_squeeze %dma_start3A_53 : memref<1x64xi32, #tpu.memory_space<vmem>> -> memref<64xi32, #tpu.memory_space<vmem>>
    %dma_start3A_55 = arith.constant 0 : i32
    %dma_start3A_56 = arith.constant 0 : i32
    %dma_start3A_57 = tpu.memref_slice %arg3[%dma_start3A_55, %dma_start3A_56] : memref<100000x128xf32, #tpu.memory_space<hbm>> -> memref<100000x128xf32, #tpu.memory_space<hbm>>
    tpu.enqueue_indirect_dma source(%dma_start3A_57 : memref<100000x128xf32, #tpu.memory_space<hbm>>) target(%dma_start3A_52 : memref<64x128xf32, #tpu.memory_space<vmem>>) offsets(%dma_start3A_54 : memref<64xi32, #tpu.memory_space<vmem>>) semaphore(%arg11 : memref<!tpu.dma_semaphore, #tpu.memory_space<semaphore_mem>>)
    %dma_start3A_58 = arith.constant 2 : i32
    %dma_start3A_59 = arith.constant 2 : i32
    %dma_start3A_60 = arith.constant 0 : i32
    %dma_start3A_61 = arith.constant 0 : i32
    %dma_start3A_62 = tpu.memref_slice %arg7[%dma_start3A_59, %dma_start3A_60, %dma_start3A_61] : memref<6x64x128xf32, #tpu.memory_space<vmem>> -> memref<1x64x128xf32, #tpu.memory_space<vmem>>
    %dma_start3A_63 = tpu.memref_squeeze %dma_start3A_62 : memref<1x64x128xf32, #tpu.memory_space<vmem>> -> memref<64x128xf32, #tpu.memory_space<vmem>>
    %dma_start3A_64 = tpu.memref_slice %arg6[%dma_start3A_58, %mul3A_36] : memref<64x128xi32, #tpu.memory_space<vmem>> -> memref<1x64xi32, #tpu.memory_space<vmem>>
    %dma_start3A_65 = tpu.memref_squeeze %dma_start3A_64 : memref<1x64xi32, #tpu.memory_space<vmem>> -> memref<64xi32, #tpu.memory_space<vmem>>
    %dma_start3A_66 = arith.constant 0 : i32
    %dma_start3A_67 = arith.constant 0 : i32
    %dma_start3A_68 = tpu.memref_slice %arg3[%dma_start3A_66, %dma_start3A_67] : memref<100000x128xf32, #tpu.memory_space<hbm>> -> memref<100000x128xf32, #tpu.memory_space<hbm>>
    tpu.enqueue_indirect_dma source(%dma_start3A_68 : memref<100000x128xf32, #tpu.memory_space<hbm>>) target(%dma_start3A_63 : memref<64x128xf32, #tpu.memory_space<vmem>>) offsets(%dma_start3A_65 : memref<64xi32, #tpu.memory_space<vmem>>) semaphore(%arg12 : memref<!tpu.dma_semaphore, #tpu.memory_space<semaphore_mem>>)
    %dma_start3A_69 = arith.constant 3 : i32
    %dma_start3A_70 = arith.constant 3 : i32
    %dma_start3A_71 = arith.constant 0 : i32
    %dma_start3A_72 = arith.constant 0 : i32
    %dma_start3A_73 = tpu.memref_slice %arg7[%dma_start3A_70, %dma_start3A_71, %dma_start3A_72] : memref<6x64x128xf32, #tpu.memory_space<vmem>> -> memref<1x64x128xf32, #tpu.memory_space<vmem>>
    %dma_start3A_74 = tpu.memref_squeeze %dma_start3A_73 : memref<1x64x128xf32, #tpu.memory_space<vmem>> -> memref<64x128xf32, #tpu.memory_space<vmem>>
    %dma_start3A_75 = tpu.memref_slice %arg6[%dma_start3A_69, %mul3A_36] : memref<64x128xi32, #tpu.memory_space<vmem>> -> memref<1x64xi32, #tpu.memory_space<vmem>>
    %dma_start3A_76 = tpu.memref_squeeze %dma_start3A_75 : memref<1x64xi32, #tpu.memory_space<vmem>> -> memref<64xi32, #tpu.memory_space<vmem>>
    %dma_start3A_77 = arith.constant 0 : i32
    %dma_start3A_78 = arith.constant 0 : i32
    %dma_start3A_79 = tpu.memref_slice %arg3[%dma_start3A_77, %dma_start3A_78] : memref<100000x128xf32, #tpu.memory_space<hbm>> -> memref<100000x128xf32, #tpu.memory_space<hbm>>
    tpu.enqueue_indirect_dma source(%dma_start3A_79 : memref<100000x128xf32, #tpu.memory_space<hbm>>) target(%dma_start3A_74 : memref<64x128xf32, #tpu.memory_space<vmem>>) offsets(%dma_start3A_76 : memref<64xi32, #tpu.memory_space<vmem>>) semaphore(%arg13 : memref<!tpu.dma_semaphore, #tpu.memory_space<semaphore_mem>>)
    %dma_start3A_80 = arith.constant 4 : i32
    %dma_start3A_81 = arith.constant 4 : i32
    %dma_start3A_82 = arith.constant 0 : i32
    %dma_start3A_83 = arith.constant 0 : i32
    %dma_start3A_84 = tpu.memref_slice %arg7[%dma_start3A_81, %dma_start3A_82, %dma_start3A_83] : memref<6x64x128xf32, #tpu.memory_space<vmem>> -> memref<1x64x128xf32, #tpu.memory_space<vmem>>
    %dma_start3A_85 = tpu.memref_squeeze %dma_start3A_84 : memref<1x64x128xf32, #tpu.memory_space<vmem>> -> memref<64x128xf32, #tpu.memory_space<vmem>>
    %dma_start3A_86 = tpu.memref_slice %arg6[%dma_start3A_80, %mul3A_36] : memref<64x128xi32, #tpu.memory_space<vmem>> -> memref<1x64xi32, #tpu.memory_space<vmem>>
    %dma_start3A_87 = tpu.memref_squeeze %dma_start3A_86 : memref<1x64xi32, #tpu.memory_space<vmem>> -> memref<64xi32, #tpu.memory_space<vmem>>
    %dma_start3A_88 = arith.constant 0 : i32
    %dma_start3A_89 = arith.constant 0 : i32
    %dma_start3A_90 = tpu.memref_slice %arg3[%dma_start3A_88, %dma_start3A_89] : memref<100000x128xf32, #tpu.memory_space<hbm>> -> memref<100000x128xf32, #tpu.memory_space<hbm>>
    tpu.enqueue_indirect_dma source(%dma_start3A_90 : memref<100000x128xf32, #tpu.memory_space<hbm>>) target(%dma_start3A_85 : memref<64x128xf32, #tpu.memory_space<vmem>>) offsets(%dma_start3A_87 : memref<64xi32, #tpu.memory_space<vmem>>) semaphore(%arg14 : memref<!tpu.dma_semaphore, #tpu.memory_space<semaphore_mem>>)
    %dma_start3A_91 = arith.constant 5 : i32
    %dma_start3A_92 = arith.constant 5 : i32
    %dma_start3A_93 = arith.constant 0 : i32
    %dma_start3A_94 = arith.constant 0 : i32
    %dma_start3A_95 = tpu.memref_slice %arg7[%dma_start3A_92, %dma_start3A_93, %dma_start3A_94] : memref<6x64x128xf32, #tpu.memory_space<vmem>> -> memref<1x64x128xf32, #tpu.memory_space<vmem>>
    %dma_start3A_96 = tpu.memref_squeeze %dma_start3A_95 : memref<1x64x128xf32, #tpu.memory_space<vmem>> -> memref<64x128xf32, #tpu.memory_space<vmem>>
    %dma_start3A_97 = tpu.memref_slice %arg6[%dma_start3A_91, %mul3A_36] : memref<64x128xi32, #tpu.memory_space<vmem>> -> memref<1x64xi32, #tpu.memory_space<vmem>>
    %dma_start3A_98 = tpu.memref_squeeze %dma_start3A_97 : memref<1x64xi32, #tpu.memory_space<vmem>> -> memref<64xi32, #tpu.memory_space<vmem>>
    %dma_start3A_99 = arith.constant 0 : i32
    %dma_start3A_100 = arith.constant 0 : i32
    %dma_start3A_101 = tpu.memref_slice %arg3[%dma_start3A_99, %dma_start3A_100] : memref<100000x128xf32, #tpu.memory_space<hbm>> -> memref<100000x128xf32, #tpu.memory_space<hbm>>
    tpu.enqueue_indirect_dma source(%dma_start3A_101 : memref<100000x128xf32, #tpu.memory_space<hbm>>) target(%dma_start3A_96 : memref<64x128xf32, #tpu.memory_space<vmem>>) offsets(%dma_start3A_98 : memref<64xi32, #tpu.memory_space<vmem>>) semaphore(%arg15 : memref<!tpu.dma_semaphore, #tpu.memory_space<semaphore_mem>>)
    "tpu.region"() ({
      %run_scoped3A = tpu.sem_alloc : memref<!tpu.dma_semaphore, #tpu.memory_space<semaphore_mem>>
      %dma_start3A_398 = arith.constant 0 : i32
      %dma_start3A_399 = tpu.memref_slice %arg4[%mul3A_2, %dma_start3A_398] : memref<2048x128xf32, #tpu.memory_space<hbm>> -> memref<64x128xf32, #tpu.memory_space<hbm>>
      %dma_start3A_400 = arith.constant 0 : i32
      %dma_start3A_401 = tpu.memref_slice %arg4[%mul3A_2, %dma_start3A_400] : memref<2048x128xf32, #tpu.memory_space<hbm>> -> memref<64x128xf32, #tpu.memory_space<hbm>>
      tpu.enqueue_dma source(%dma_start3A_401 : memref<64x128xf32, #tpu.memory_space<hbm>>) target(%arg9 : memref<64x128xf32, #tpu.memory_space<vmem>>) target_semaphore(%run_scoped3A : memref<!tpu.dma_semaphore, #tpu.memory_space<semaphore_mem>>)
      %dma_wait3A_402 = arith.constant 0 : i32
      %dma_wait3A_403 = tpu.memref_slice %arg4[%mul3A_2, %dma_wait3A_402] : memref<2048x128xf32, #tpu.memory_space<hbm>> -> memref<64x128xf32, #tpu.memory_space<hbm>>
      %dma_wait3A_404 = arith.constant 0 : i32
      %dma_wait3A_405 = tpu.memref_slice %arg4[%mul3A_2, %dma_wait3A_404] : memref<2048x128xf32, #tpu.memory_space<hbm>> -> memref<64x128xf32, #tpu.memory_space<hbm>>
      tpu.wait_dma2 semaphore(%run_scoped3A : memref<!tpu.dma_semaphore, #tpu.memory_space<semaphore_mem>>) src(%dma_wait3A_405 : memref<64x128xf32, #tpu.memory_space<hbm>>) dst(%arg9 : memref<64x128xf32, #tpu.memory_space<vmem>>)
      tpu.yield
    }) : () -> ()
    %scan3A = arith.constant 0 : i32
    %scan3A_102 = arith.constant 0 : i32
    %scan3A_103 = arith.constant 10 : i32
    %scan3A_104 = arith.addi %scan3A_102, %scan3A_103 : i32
    %scan3A_105 = arith.constant 1 : i32
    scf.for %scan3A_398 = %scan3A_102 to %scan3A_104 step %scan3A_105  : i32 {
      %mul3A_399 = arith.constant 6 : i32
      %mul3A_400 = arith.muli %scan3A_398, %mul3A_399 : i32
      %add3A_401 = arith.constant 0 : i32
      %add3A_402 = arith.addi %mul3A_400, %add3A_401 : i32
      %mul3A_403 = arith.constant 6 : i32
      %mul3A_404 = arith.muli %scan3A_398, %mul3A_403 : i32
      %add3A_405 = arith.constant 0 : i32
      %add3A_406 = arith.addi %mul3A_404, %add3A_405 : i32
      %add3A_407 = arith.constant 1 : i32
      %add3A_408 = arith.addi %add3A_406, %add3A_407 : i32
      %dma_wait3A_409 = arith.constant 0 : i32
      %dma_wait3A_410 = arith.constant 0 : i32
      %dma_wait3A_411 = arith.constant 0 : i32
      %dma_wait3A_412 = arith.constant 0 : i32
      %dma_wait3A_413 = tpu.memref_slice %arg7[%dma_wait3A_410, %dma_wait3A_411, %dma_wait3A_412] : memref<6x64x128xf32, #tpu.memory_space<vmem>> -> memref<1x64x128xf32, #tpu.memory_space<vmem>>
      %dma_wait3A_414 = tpu.memref_squeeze %dma_wait3A_413 : memref<1x64x128xf32, #tpu.memory_space<vmem>> -> memref<64x128xf32, #tpu.memory_space<vmem>>
      %dma_wait3A_415 = tpu.memref_slice %arg6[%dma_wait3A_409, %mul3A_36] : memref<64x128xi32, #tpu.memory_space<vmem>> -> memref<1x64xi32, #tpu.memory_space<vmem>>
      %dma_wait3A_416 = tpu.memref_squeeze %dma_wait3A_415 : memref<1x64xi32, #tpu.memory_space<vmem>> -> memref<64xi32, #tpu.memory_space<vmem>>
      %dma_wait3A_417 = arith.constant 0 : i32
      %dma_wait3A_418 = arith.constant 0 : i32
      %dma_wait3A_419 = tpu.memref_slice %arg3[%dma_wait3A_417, %dma_wait3A_418] : memref<100000x128xf32, #tpu.memory_space<hbm>> -> memref<100000x128xf32, #tpu.memory_space<hbm>>
      tpu.wait_indirect_dma semaphore(%arg10 : memref<!tpu.dma_semaphore, #tpu.memory_space<semaphore_mem>>) src(%dma_wait3A_419 : memref<100000x128xf32, #tpu.memory_space<hbm>>) dst(%dma_wait3A_414 : memref<64x128xf32, #tpu.memory_space<vmem>>)
      %gt3A = arith.constant 0 : i32
      %gt3A_420 = arith.cmpi sgt, %scan3A_398, %gt3A : i32
      %convert_element_type3A = arith.extui %gt3A_420 : i1 to i32
      %cond3A = arith.constant 0 : i32
      %cond3A_421 = arith.cmpi ne, %convert_element_type3A, %cond3A : i32
      scf.if %cond3A_421 {
        %sub3A_672 = arith.constant 6 : i32
        %sub3A_673 = arith.subi %add3A_402, %sub3A_672 : i32
        %dma_wait3A_674 = arith.constant 0 : i32
        %dma_wait3A_675 = arith.constant 0 : i32
        %dma_wait3A_676 = arith.constant 0 : i32
        %dma_wait3A_677 = tpu.memref_slice %arg8[%dma_wait3A_674, %dma_wait3A_675, %dma_wait3A_676] : memref<6x64x128xf32, #tpu.memory_space<vmem>> -> memref<1x64x128xf32, #tpu.memory_space<vmem>>
        %dma_wait3A_678 = tpu.memref_squeeze %dma_wait3A_677 : memref<1x64x128xf32, #tpu.memory_space<vmem>> -> memref<64x128xf32, #tpu.memory_space<vmem>>
        %dma_wait3A_679 = arith.constant 0 : i32
        %dma_wait3A_680 = tpu.memref_slice %arg5[%sub3A_673, %mul3A_2, %dma_wait3A_679] : memref<64x2048x128xf32, #tpu.memory_space<hbm>> -> memref<1x64x128xf32, #tpu.memory_space<hbm>>
        %dma_wait3A_681 = tpu.memref_squeeze %dma_wait3A_680 : memref<1x64x128xf32, #tpu.memory_space<hbm>> -> memref<64x128xf32, #tpu.memory_space<hbm>>
        %dma_wait3A_682 = arith.constant 0 : i32
        %dma_wait3A_683 = tpu.memref_slice %arg5[%sub3A_673, %mul3A_2, %dma_wait3A_682] : memref<64x2048x128xf32, #tpu.memory_space<hbm>> -> memref<1x64x128xf32, #tpu.memory_space<hbm>>
        %dma_wait3A_684 = tpu.memref_squeeze %dma_wait3A_683 : memref<1x64x128xf32, #tpu.memory_space<hbm>> -> memref<64x128xf32, #tpu.memory_space<hbm>>
        %dma_wait3A_685 = arith.constant 0 : i32
        %dma_wait3A_686 = arith.constant 0 : i32
        %dma_wait3A_687 = tpu.memref_slice %arg8[%dma_wait3A_674, %dma_wait3A_685, %dma_wait3A_686] : memref<6x64x128xf32, #tpu.memory_space<vmem>> -> memref<1x64x128xf32, #tpu.memory_space<vmem>>
        %dma_wait3A_688 = tpu.memref_squeeze %dma_wait3A_687 : memref<1x64x128xf32, #tpu.memory_space<vmem>> -> memref<64x128xf32, #tpu.memory_space<vmem>>
        tpu.wait_dma2 semaphore(%arg16 : memref<!tpu.dma_semaphore, #tpu.memory_space<semaphore_mem>>) src(%dma_wait3A_688 : memref<64x128xf32, #tpu.memory_space<vmem>>) dst(%dma_wait3A_684 : memref<64x128xf32, #tpu.memory_space<hbm>>)
      } else {
      }
      %dma_wait3A_422 = arith.constant 1 : i32
      %dma_wait3A_423 = arith.constant 1 : i32
      %dma_wait3A_424 = arith.constant 0 : i32
      %dma_wait3A_425 = arith.constant 0 : i32
      %dma_wait3A_426 = tpu.memref_slice %arg7[%dma_wait3A_423, %dma_wait3A_424, %dma_wait3A_425] : memref<6x64x128xf32, #tpu.memory_space<vmem>> -> memref<1x64x128xf32, #tpu.memory_space<vmem>>
      %dma_wait3A_427 = tpu.memref_squeeze %dma_wait3A_426 : memref<1x64x128xf32, #tpu.memory_space<vmem>> -> memref<64x128xf32, #tpu.memory_space<vmem>>
      %dma_wait3A_428 = tpu.memref_slice %arg6[%dma_wait3A_422, %mul3A_36] : memref<64x128xi32, #tpu.memory_space<vmem>> -> memref<1x64xi32, #tpu.memory_space<vmem>>
      %dma_wait3A_429 = tpu.memref_squeeze %dma_wait3A_428 : memref<1x64xi32, #tpu.memory_space<vmem>> -> memref<64xi32, #tpu.memory_space<vmem>>
      %dma_wait3A_430 = arith.constant 0 : i32
      %dma_wait3A_431 = arith.constant 0 : i32
      %dma_wait3A_432 = tpu.memref_slice %arg3[%dma_wait3A_430, %dma_wait3A_431] : memref<100000x128xf32, #tpu.memory_space<hbm>> -> memref<100000x128xf32, #tpu.memory_space<hbm>>
      tpu.wait_indirect_dma semaphore(%arg11 : memref<!tpu.dma_semaphore, #tpu.memory_space<semaphore_mem>>) src(%dma_wait3A_432 : memref<100000x128xf32, #tpu.memory_space<hbm>>) dst(%dma_wait3A_427 : memref<64x128xf32, #tpu.memory_space<vmem>>)
      %gt3A_433 = arith.constant 0 : i32
      %gt3A_434 = arith.cmpi sgt, %scan3A_398, %gt3A_433 : i32
      %convert_element_type3A_435 = arith.extui %gt3A_434 : i1 to i32
      %cond3A_436 = arith.constant 0 : i32
      %cond3A_437 = arith.cmpi ne, %convert_element_type3A_435, %cond3A_436 : i32
      scf.if %cond3A_437 {
        %sub3A_672 = arith.constant 6 : i32
        %sub3A_673 = arith.subi %add3A_408, %sub3A_672 : i32
        %dma_wait3A_674 = arith.constant 1 : i32
        %dma_wait3A_675 = arith.constant 0 : i32
        %dma_wait3A_676 = arith.constant 0 : i32
        %dma_wait3A_677 = tpu.memref_slice %arg8[%dma_wait3A_674, %dma_wait3A_675, %dma_wait3A_676] : memref<6x64x128xf32, #tpu.memory_space<vmem>> -> memref<1x64x128xf32, #tpu.memory_space<vmem>>
        %dma_wait3A_678 = tpu.memref_squeeze %dma_wait3A_677 : memref<1x64x128xf32, #tpu.memory_space<vmem>> -> memref<64x128xf32, #tpu.memory_space<vmem>>
        %dma_wait3A_679 = arith.constant 0 : i32
        %dma_wait3A_680 = tpu.memref_slice %arg5[%sub3A_673, %mul3A_2, %dma_wait3A_679] : memref<64x2048x128xf32, #tpu.memory_space<hbm>> -> memref<1x64x128xf32, #tpu.memory_space<hbm>>
        %dma_wait3A_681 = tpu.memref_squeeze %dma_wait3A_680 : memref<1x64x128xf32, #tpu.memory_space<hbm>> -> memref<64x128xf32, #tpu.memory_space<hbm>>
        %dma_wait3A_682 = arith.constant 0 : i32
        %dma_wait3A_683 = tpu.memref_slice %arg5[%sub3A_673, %mul3A_2, %dma_wait3A_682] : memref<64x2048x128xf32, #tpu.memory_space<hbm>> -> memref<1x64x128xf32, #tpu.memory_space<hbm>>
        %dma_wait3A_684 = tpu.memref_squeeze %dma_wait3A_683 : memref<1x64x128xf32, #tpu.memory_space<hbm>> -> memref<64x128xf32, #tpu.memory_space<hbm>>
        %dma_wait3A_685 = arith.constant 0 : i32
        %dma_wait3A_686 = arith.constant 0 : i32
        %dma_wait3A_687 = tpu.memref_slice %arg8[%dma_wait3A_674, %dma_wait3A_685, %dma_wait3A_686] : memref<6x64x128xf32, #tpu.memory_space<vmem>> -> memref<1x64x128xf32, #tpu.memory_space<vmem>>
        %dma_wait3A_688 = tpu.memref_squeeze %dma_wait3A_687 : memref<1x64x128xf32, #tpu.memory_space<vmem>> -> memref<64x128xf32, #tpu.memory_space<vmem>>
        tpu.wait_dma2 semaphore(%arg17 : memref<!tpu.dma_semaphore, #tpu.memory_space<semaphore_mem>>) src(%dma_wait3A_688 : memref<64x128xf32, #tpu.memory_space<vmem>>) dst(%dma_wait3A_684 : memref<64x128xf32, #tpu.memory_space<hbm>>)
      } else {
      }
      %scan3A_438 = arith.constant 0 : i32
      %scan3A_439 = arith.constant 0 : i32
      %scan3A_440 = arith.constant 64 : i32
      %scan3A_441 = arith.addi %scan3A_439, %scan3A_440 : i32
      %scan3A_442 = arith.constant 1 : i32
      scf.for %scan3A_672 = %scan3A_439 to %scan3A_441 step %scan3A_442  : i32 {
        %get3A = arith.index_cast %scan3A_672 : i32 to index
        %get3A_673 = arith.constant 0 : index
        %get3A_674 = tpu.vector_load %arg9[%get3A, %get3A_673] {strides = array<i32>} : memref<64x128xf32, #tpu.memory_space<vmem>>, vector<1x16xf32>,
        %get3A_675 = vector.shape_cast %get3A_674 : vector<1x16xf32> to vector<16xf32>
        %get3A_676 = arith.index_cast %scan3A_672 : i32 to index
        %get3A_677 = arith.constant 16 : index
        %get3A_678 = tpu.vector_load %arg9[%get3A_676, %get3A_677] {strides = array<i32>} : memref<64x128xf32, #tpu.memory_space<vmem>>, vector<1x16xf32>,
        %get3A_679 = vector.shape_cast %get3A_678 : vector<1x16xf32> to vector<16xf32>
        %get3A_680 = arith.index_cast %scan3A_672 : i32 to index
        %get3A_681 = arith.constant 32 : index
        %get3A_682 = tpu.vector_load %arg9[%get3A_680, %get3A_681] {strides = array<i32>} : memref<64x128xf32, #tpu.memory_space<vmem>>, vector<1x16xf32>,
        %get3A_683 = vector.shape_cast %get3A_682 : vector<1x16xf32> to vector<16xf32>
        %get3A_684 = arith.index_cast %scan3A_672 : i32 to index
        %get3A_685 = arith.constant 48 : index
        %get3A_686 = tpu.vector_load %arg9[%get3A_684, %get3A_685] {strides = array<i32>} : memref<64x128xf32, #tpu.memory_space<vmem>>, vector<1x16xf32>,
        %get3A_687 = vector.shape_cast %get3A_686 : vector<1x16xf32> to vector<16xf32>
        %get3A_688 = arith.index_cast %scan3A_672 : i32 to index
        %get3A_689 = arith.constant 64 : index
        %get3A_690 = tpu.vector_load %arg9[%get3A_688, %get3A_689] {strides = array<i32>} : memref<64x128xf32, #tpu.memory_space<vmem>>, vector<1x16xf32>,
        %get3A_691 = vector.shape_cast %get3A_690 : vector<1x16xf32> to vector<16xf32>
        %get3A_692 = arith.index_cast %scan3A_672 : i32 to index
        %get3A_693 = arith.constant 80 : index
        %get3A_694 = tpu.vector_load %arg9[%get3A_692, %get3A_693] {strides = array<i32>} : memref<64x128xf32, #tpu.memory_space<vmem>>, vector<1x16xf32>,
        %get3A_695 = vector.shape_cast %get3A_694 : vector<1x16xf32> to vector<16xf32>
        %get3A_696 = arith.index_cast %scan3A_672 : i32 to index
        %get3A_697 = arith.constant 96 : index
        %get3A_698 = tpu.vector_load %arg9[%get3A_696, %get3A_697] {strides = array<i32>} : memref<64x128xf32, #tpu.memory_space<vmem>>, vector<1x16xf32>,
        %get3A_699 = vector.shape_cast %get3A_698 : vector<1x16xf32> to vector<16xf32>
        %get3A_700 = arith.index_cast %scan3A_672 : i32 to index
        %get3A_701 = arith.constant 112 : index
        %get3A_702 = tpu.vector_load %arg9[%get3A_700, %get3A_701] {strides = array<i32>} : memref<64x128xf32, #tpu.memory_space<vmem>>, vector<1x16xf32>,
        %get3A_703 = vector.shape_cast %get3A_702 : vector<1x16xf32> to vector<16xf32>
        %get3A_704 = arith.constant 0 : i32
        %get3A_705 = arith.index_cast %get3A_704 : i32 to index
        %get3A_706 = arith.index_cast %scan3A_672 : i32 to index
        %get3A_707 = arith.constant 0 : index
        %get3A_708 = tpu.vector_load %arg7[%get3A_705, %get3A_706, %get3A_707] {strides = array<i32>} : memref<6x64x128xf32, #tpu.memory_space<vmem>>, vector<1x1x16xf32>,
        %get3A_709 = vector.shape_cast %get3A_708 : vector<1x1x16xf32> to vector<16xf32>
        %mul3A_710 = arith.constant 11.3137083 : f32
        %mul3A_711 = vector.broadcast %mul3A_710 : f32 to vector<16xf32>
        %mul3A_712 = arith.mulf %get3A_709, %mul3A_711 : vector<16xf32>
        %add3A_713 = arith.addf %mul3A_712, %get3A_675 : vector<16xf32>
        %swap3A = arith.constant 0 : i32
        %swap3A_714 = arith.index_cast %swap3A : i32 to index
        %swap3A_715 = arith.index_cast %scan3A_672 : i32 to index
        %swap3A_716 = arith.constant 0 : index
        %swap3A_717 = tpu.vector_load %arg8[%swap3A_714, %swap3A_715, %swap3A_716] {strides = array<i32>} : memref<6x64x128xf32, #tpu.memory_space<vmem>>, vector<1x1x16xf32>,
        %swap3A_718 = vector.shape_cast %swap3A_717 : vector<1x1x16xf32> to vector<16xf32>
        %swap3A_719 = vector.shape_cast %add3A_713 : vector<16xf32> to vector<1x1x16xf32>
        tpu.vector_store %arg8[%swap3A_714, %swap3A_715, %swap3A_716], %swap3A_719 {strides = array<i32>} : memref<6x64x128xf32, #tpu.memory_space<vmem>>, vector<1x1x16xf32>,
        %get3A_720 = arith.constant 0 : i32
        %get3A_721 = arith.index_cast %get3A_720 : i32 to index
        %get3A_722 = arith.index_cast %scan3A_672 : i32 to index
        %get3A_723 = arith.constant 16 : index
        %get3A_724 = tpu.vector_load %arg7[%get3A_721, %get3A_722, %get3A_723] {strides = array<i32>} : memref<6x64x128xf32, #tpu.memory_space<vmem>>, vector<1x1x16xf32>,
        %get3A_725 = vector.shape_cast %get3A_724 : vector<1x1x16xf32> to vector<16xf32>
        %mul3A_726 = arith.constant 11.3137083 : f32
        %mul3A_727 = vector.broadcast %mul3A_726 : f32 to vector<16xf32>
        %mul3A_728 = arith.mulf %get3A_725, %mul3A_727 : vector<16xf32>
        %add3A_729 = arith.addf %mul3A_728, %get3A_679 : vector<16xf32>
        %swap3A_730 = arith.constant 0 : i32
        %swap3A_731 = arith.index_cast %swap3A_730 : i32 to index
        %swap3A_732 = arith.index_cast %scan3A_672 : i32 to index
        %swap3A_733 = arith.constant 16 : index
        %swap3A_734 = tpu.vector_load %arg8[%swap3A_731, %swap3A_732, %swap3A_733] {strides = array<i32>} : memref<6x64x128xf32, #tpu.memory_space<vmem>>, vector<1x1x16xf32>,
        %swap3A_735 = vector.shape_cast %swap3A_734 : vector<1x1x16xf32> to vector<16xf32>
        %swap3A_736 = vector.shape_cast %add3A_729 : vector<16xf32> to vector<1x1x16xf32>
        tpu.vector_store %arg8[%swap3A_731, %swap3A_732, %swap3A_733], %swap3A_736 {strides = array<i32>} : memref<6x64x128xf32, #tpu.memory_space<vmem>>, vector<1x1x16xf32>,
        %get3A_737 = arith.constant 0 : i32
        %get3A_738 = arith.index_cast %get3A_737 : i32 to index
        %get3A_739 = arith.index_cast %scan3A_672 : i32 to index
        %get3A_740 = arith.constant 32 : index
        %get3A_741 = tpu.vector_load %arg7[%get3A_738, %get3A_739, %get3A_740] {strides = array<i32>} : memref<6x64x128xf32, #tpu.memory_space<vmem>>, vector<1x1x16xf32>,
        %get3A_742 = vector.shape_cast %get3A_741 : vector<1x1x16xf32> to vector<16xf32>
        %mul3A_743 = arith.constant 11.3137083 : f32
        %mul3A_744 = vector.broadcast %mul3A_743 : f32 to vector<16xf32>
        %mul3A_745 = arith.mulf %get3A_742, %mul3A_744 : vector<16xf32>
        %add3A_746 = arith.addf %mul3A_745, %get3A_683 : vector<16xf32>
        %swap3A_747 = arith.constant 0 : i32
        %swap3A_748 = arith.index_cast %swap3A_747 : i32 to index
        %swap3A_749 = arith.index_cast %scan3A_672 : i32 to index
        %swap3A_750 = arith.constant 32 : index
        %swap3A_751 = tpu.vector_load %arg8[%swap3A_748, %swap3A_749, %swap3A_750] {strides = array<i32>} : memref<6x64x128xf32, #tpu.memory_space<vmem>>, vector<1x1x16xf32>,
        %swap3A_752 = vector.shape_cast %swap3A_751 : vector<1x1x16xf32> to vector<16xf32>
        %swap3A_753 = vector.shape_cast %add3A_746 : vector<16xf32> to vector<1x1x16xf32>
        tpu.vector_store %arg8[%swap3A_748, %swap3A_749, %swap3A_750], %swap3A_753 {strides = array<i32>} : memref<6x64x128xf32, #tpu.memory_space<vmem>>, vector<1x1x16xf32>,
        %get3A_754 = arith.constant 0 : i32
        %get3A_755 = arith.index_cast %get3A_754 : i32 to index
        %get3A_756 = arith.index_cast %scan3A_672 : i32 to index
        %get3A_757 = arith.constant 48 : index
        %get3A_758 = tpu.vector_load %arg7[%get3A_755, %get3A_756, %get3A_757] {strides = array<i32>} : memref<6x64x128xf32, #tpu.memory_space<vmem>>, vector<1x1x16xf32>,
        %get3A_759 = vector.shape_cast %get3A_758 : vector<1x1x16xf32> to vector<16xf32>
        %mul3A_760 = arith.constant 11.3137083 : f32
        %mul3A_761 = vector.broadcast %mul3A_760 : f32 to vector<16xf32>
        %mul3A_762 = arith.mulf %get3A_759, %mul3A_761 : vector<16xf32>
        %add3A_763 = arith.addf %mul3A_762, %get3A_687 : vector<16xf32>
        %swap3A_764 = arith.constant 0 : i32
        %swap3A_765 = arith.index_cast %swap3A_764 : i32 to index
        %swap3A_766 = arith.index_cast %scan3A_672 : i32 to index
        %swap3A_767 = arith.constant 48 : index
        %swap3A_768 = tpu.vector_load %arg8[%swap3A_765, %swap3A_766, %swap3A_767] {strides = array<i32>} : memref<6x64x128xf32, #tpu.memory_space<vmem>>, vector<1x1x16xf32>,
        %swap3A_769 = vector.shape_cast %swap3A_768 : vector<1x1x16xf32> to vector<16xf32>
        %swap3A_770 = vector.shape_cast %add3A_763 : vector<16xf32> to vector<1x1x16xf32>
        tpu.vector_store %arg8[%swap3A_765, %swap3A_766, %swap3A_767], %swap3A_770 {strides = array<i32>} : memref<6x64x128xf32, #tpu.memory_space<vmem>>, vector<1x1x16xf32>,
        %get3A_771 = arith.constant 0 : i32
        %get3A_772 = arith.index_cast %get3A_771 : i32 to index
        %get3A_773 = arith.index_cast %scan3A_672 : i32 to index
        %get3A_774 = arith.constant 64 : index
        %get3A_775 = tpu.vector_load %arg7[%get3A_772, %get3A_773, %get3A_774] {strides = array<i32>} : memref<6x64x128xf32, #tpu.memory_space<vmem>>, vector<1x1x16xf32>,
        %get3A_776 = vector.shape_cast %get3A_775 : vector<1x1x16xf32> to vector<16xf32>
        %mul3A_777 = arith.constant 11.3137083 : f32
        %mul3A_778 = vector.broadcast %mul3A_777 : f32 to vector<16xf32>
        %mul3A_779 = arith.mulf %get3A_776, %mul3A_778 : vector<16xf32>
        %add3A_780 = arith.addf %mul3A_779, %get3A_691 : vector<16xf32>
        %swap3A_781 = arith.constant 0 : i32
        %swap3A_782 = arith.index_cast %swap3A_781 : i32 to index
        %swap3A_783 = arith.index_cast %scan3A_672 : i32 to index
        %swap3A_784 = arith.constant 64 : index
        %swap3A_785 = tpu.vector_load %arg8[%swap3A_782, %swap3A_783, %swap3A_784] {strides = array<i32>} : memref<6x64x128xf32, #tpu.memory_space<vmem>>, vector<1x1x16xf32>,
        %swap3A_786 = vector.shape_cast %swap3A_785 : vector<1x1x16xf32> to vector<16xf32>
        %swap3A_787 = vector.shape_cast %add3A_780 : vector<16xf32> to vector<1x1x16xf32>
        tpu.vector_store %arg8[%swap3A_782, %swap3A_783, %swap3A_784], %swap3A_787 {strides = array<i32>} : memref<6x64x128xf32, #tpu.memory_space<vmem>>, vector<1x1x16xf32>,
        %get3A_788 = arith.constant 0 : i32
        %get3A_789 = arith.index_cast %get3A_788 : i32 to index
        %get3A_790 = arith.index_cast %scan3A_672 : i32 to index
        %get3A_791 = arith.constant 80 : index
        %get3A_792 = tpu.vector_load %arg7[%get3A_789, %get3A_790, %get3A_791] {strides = array<i32>} : memref<6x64x128xf32, #tpu.memory_space<vmem>>, vector<1x1x16xf32>,
        %get3A_793 = vector.shape_cast %get3A_792 : vector<1x1x16xf32> to vector<16xf32>
        %mul3A_794 = arith.constant 11.3137083 : f32
        %mul3A_795 = vector.broadcast %mul3A_794 : f32 to vector<16xf32>
        %mul3A_796 = arith.mulf %get3A_793, %mul3A_795 : vector<16xf32>
        %add3A_797 = arith.addf %mul3A_796, %get3A_695 : vector<16xf32>
        %swap3A_798 = arith.constant 0 : i32
        %swap3A_799 = arith.index_cast %swap3A_798 : i32 to index
        %swap3A_800 = arith.index_cast %scan3A_672 : i32 to index
        %swap3A_801 = arith.constant 80 : index
        %swap3A_802 = tpu.vector_load %arg8[%swap3A_799, %swap3A_800, %swap3A_801] {strides = array<i32>} : memref<6x64x128xf32, #tpu.memory_space<vmem>>, vector<1x1x16xf32>,
        %swap3A_803 = vector.shape_cast %swap3A_802 : vector<1x1x16xf32> to vector<16xf32>
        %swap3A_804 = vector.shape_cast %add3A_797 : vector<16xf32> to vector<1x1x16xf32>
        tpu.vector_store %arg8[%swap3A_799, %swap3A_800, %swap3A_801], %swap3A_804 {strides = array<i32>} : memref<6x64x128xf32, #tpu.memory_space<vmem>>, vector<1x1x16xf32>,
        %get3A_805 = arith.constant 0 : i32
        %get3A_806 = arith.index_cast %get3A_805 : i32 to index
        %get3A_807 = arith.index_cast %scan3A_672 : i32 to index
        %get3A_808 = arith.constant 96 : index
        %get3A_809 = tpu.vector_load %arg7[%get3A_806, %get3A_807, %get3A_808] {strides = array<i32>} : memref<6x64x128xf32, #tpu.memory_space<vmem>>, vector<1x1x16xf32>,
        %get3A_810 = vector.shape_cast %get3A_809 : vector<1x1x16xf32> to vector<16xf32>
        %mul3A_811 = arith.constant 11.3137083 : f32
        %mul3A_812 = vector.broadcast %mul3A_811 : f32 to vector<16xf32>
        %mul3A_813 = arith.mulf %get3A_810, %mul3A_812 : vector<16xf32>
        %add3A_814 = arith.addf %mul3A_813, %get3A_699 : vector<16xf32>
        %swap3A_815 = arith.constant 0 : i32
        %swap3A_816 = arith.index_cast %swap3A_815 : i32 to index
        %swap3A_817 = arith.index_cast %scan3A_672 : i32 to index
        %swap3A_818 = arith.constant 96 : index
        %swap3A_819 = tpu.vector_load %arg8[%swap3A_816, %swap3A_817, %swap3A_818] {strides = array<i32>} : memref<6x64x128xf32, #tpu.memory_space<vmem>>, vector<1x1x16xf32>,
        %swap3A_820 = vector.shape_cast %swap3A_819 : vector<1x1x16xf32> to vector<16xf32>
        %swap3A_821 = vector.shape_cast %add3A_814 : vector<16xf32> to vector<1x1x16xf32>
        tpu.vector_store %arg8[%swap3A_816, %swap3A_817, %swap3A_818], %swap3A_821 {strides = array<i32>} : memref<6x64x128xf32, #tpu.memory_space<vmem>>, vector<1x1x16xf32>,
        %get3A_822 = arith.constant 0 : i32
        %get3A_823 = arith.index_cast %get3A_822 : i32 to index
        %get3A_824 = arith.index_cast %scan3A_672 : i32 to index
        %get3A_825 = arith.constant 112 : index
        %get3A_826 = tpu.vector_load %arg7[%get3A_823, %get3A_824, %get3A_825] {strides = array<i32>} : memref<6x64x128xf32, #tpu.memory_space<vmem>>, vector<1x1x16xf32>,
        %get3A_827 = vector.shape_cast %get3A_826 : vector<1x1x16xf32> to vector<16xf32>
        %mul3A_828 = arith.constant 11.3137083 : f32
        %mul3A_829 = vector.broadcast %mul3A_828 : f32 to vector<16xf32>
        %mul3A_830 = arith.mulf %get3A_827, %mul3A_829 : vector<16xf32>
        %add3A_831 = arith.addf %mul3A_830, %get3A_703 : vector<16xf32>
        %swap3A_832 = arith.constant 0 : i32
        %swap3A_833 = arith.index_cast %swap3A_832 : i32 to index
        %swap3A_834 = arith.index_cast %scan3A_672 : i32 to index
        %swap3A_835 = arith.constant 112 : index
        %swap3A_836 = tpu.vector_load %arg8[%swap3A_833, %swap3A_834, %swap3A_835] {strides = array<i32>} : memref<6x64x128xf32, #tpu.memory_space<vmem>>, vector<1x1x16xf32>,
        %swap3A_837 = vector.shape_cast %swap3A_836 : vector<1x1x16xf32> to vector<16xf32>
        %swap3A_838 = vector.shape_cast %add3A_831 : vector<16xf32> to vector<1x1x16xf32>
        tpu.vector_store %arg8[%swap3A_833, %swap3A_834, %swap3A_835], %swap3A_838 {strides = array<i32>} : memref<6x64x128xf32, #tpu.memory_space<vmem>>, vector<1x1x16xf32>,
        %get3A_839 = arith.constant 1 : i32
        %get3A_840 = arith.index_cast %get3A_839 : i32 to index
        %get3A_841 = arith.index_cast %scan3A_672 : i32 to index
        %get3A_842 = arith.constant 0 : index
        %get3A_843 = tpu.vector_load %arg7[%get3A_840, %get3A_841, %get3A_842] {strides = array<i32>} : memref<6x64x128xf32, #tpu.memory_space<vmem>>, vector<1x1x16xf32>,
        %get3A_844 = vector.shape_cast %get3A_843 : vector<1x1x16xf32> to vector<16xf32>
        %mul3A_845 = arith.constant 11.3137083 : f32
        %mul3A_846 = vector.broadcast %mul3A_845 : f32 to vector<16xf32>
        %mul3A_847 = arith.mulf %get3A_844, %mul3A_846 : vector<16xf32>
        %add3A_848 = arith.addf %mul3A_847, %get3A_675 : vector<16xf32>
        %swap3A_849 = arith.constant 1 : i32
        %swap3A_850 = arith.index_cast %swap3A_849 : i32 to index
        %swap3A_851 = arith.index_cast %scan3A_672 : i32 to index
        %swap3A_852 = arith.constant 0 : index
        %swap3A_853 = tpu.vector_load %arg8[%swap3A_850, %swap3A_851, %swap3A_852] {strides = array<i32>} : memref<6x64x128xf32, #tpu.memory_space<vmem>>, vector<1x1x16xf32>,
        %swap3A_854 = vector.shape_cast %swap3A_853 : vector<1x1x16xf32> to vector<16xf32>
        %swap3A_855 = vector.shape_cast %add3A_848 : vector<16xf32> to vector<1x1x16xf32>
        tpu.vector_store %arg8[%swap3A_850, %swap3A_851, %swap3A_852], %swap3A_855 {strides = array<i32>} : memref<6x64x128xf32, #tpu.memory_space<vmem>>, vector<1x1x16xf32>,
        %get3A_856 = arith.constant 1 : i32
        %get3A_857 = arith.index_cast %get3A_856 : i32 to index
        %get3A_858 = arith.index_cast %scan3A_672 : i32 to index
        %get3A_859 = arith.constant 16 : index
        %get3A_860 = tpu.vector_load %arg7[%get3A_857, %get3A_858, %get3A_859] {strides = array<i32>} : memref<6x64x128xf32, #tpu.memory_space<vmem>>, vector<1x1x16xf32>,
        %get3A_861 = vector.shape_cast %get3A_860 : vector<1x1x16xf32> to vector<16xf32>
        %mul3A_862 = arith.constant 11.3137083 : f32
        %mul3A_863 = vector.broadcast %mul3A_862 : f32 to vector<16xf32>
        %mul3A_864 = arith.mulf %get3A_861, %mul3A_863 : vector<16xf32>
        %add3A_865 = arith.addf %mul3A_864, %get3A_679 : vector<16xf32>
        %swap3A_866 = arith.constant 1 : i32
        %swap3A_867 = arith.index_cast %swap3A_866 : i32 to index
        %swap3A_868 = arith.index_cast %scan3A_672 : i32 to index
        %swap3A_869 = arith.constant 16 : index
        %swap3A_870 = tpu.vector_load %arg8[%swap3A_867, %swap3A_868, %swap3A_869] {strides = array<i32>} : memref<6x64x128xf32, #tpu.memory_space<vmem>>, vector<1x1x16xf32>,
        %swap3A_871 = vector.shape_cast %swap3A_870 : vector<1x1x16xf32> to vector<16xf32>
        %swap3A_872 = vector.shape_cast %add3A_865 : vector<16xf32> to vector<1x1x16xf32>
        tpu.vector_store %arg8[%swap3A_867, %swap3A_868, %swap3A_869], %swap3A_872 {strides = array<i32>} : memref<6x64x128xf32, #tpu.memory_space<vmem>>, vector<1x1x16xf32>,
        %get3A_873 = arith.constant 1 : i32
        %get3A_874 = arith.index_cast %get3A_873 : i32 to index
        %get3A_875 = arith.index_cast %scan3A_672 : i32 to index
        %get3A_876 = arith.constant 32 : index
        %get3A_877 = tpu.vector_load %arg7[%get3A_874, %get3A_875, %get3A_876] {strides = array<i32>} : memref<6x64x128xf32, #tpu.memory_space<vmem>>, vector<1x1x16xf32>,
        %get3A_878 = vector.shape_cast %get3A_877 : vector<1x1x16xf32> to vector<16xf32>
        %mul3A_879 = arith.constant 11.3137083 : f32
        %mul3A_880 = vector.broadcast %mul3A_879 : f32 to vector<16xf32>
        %mul3A_881 = arith.mulf %get3A_878, %mul3A_880 : vector<16xf32>
        %add3A_882 = arith.addf %mul3A_881, %get3A_683 : vector<16xf32>
        %swap3A_883 = arith.constant 1 : i32
        %swap3A_884 = arith.index_cast %swap3A_883 : i32 to index
        %swap3A_885 = arith.index_cast %scan3A_672 : i32 to index
        %swap3A_886 = arith.constant 32 : index
        %swap3A_887 = tpu.vector_load %arg8[%swap3A_884, %swap3A_885, %swap3A_886] {strides = array<i32>} : memref<6x64x128xf32, #tpu.memory_space<vmem>>, vector<1x1x16xf32>,
        %swap3A_888 = vector.shape_cast %swap3A_887 : vector<1x1x16xf32> to vector<16xf32>
        %swap3A_889 = vector.shape_cast %add3A_882 : vector<16xf32> to vector<1x1x16xf32>
        tpu.vector_store %arg8[%swap3A_884, %swap3A_885, %swap3A_886], %swap3A_889 {strides = array<i32>} : memref<6x64x128xf32, #tpu.memory_space<vmem>>, vector<1x1x16xf32>,
        %get3A_890 = arith.constant 1 : i32
        %get3A_891 = arith.index_cast %get3A_890 : i32 to index
        %get3A_892 = arith.index_cast %scan3A_672 : i32 to index
        %get3A_893 = arith.constant 48 : index
        %get3A_894 = tpu.vector_load %arg7[%get3A_891, %get3A_892, %get3A_893] {strides = array<i32>} : memref<6x64x128xf32, #tpu.memory_space<vmem>>, vector<1x1x16xf32>,
        %get3A_895 = vector.shape_cast %get3A_894 : vector<1x1x16xf32> to vector<16xf32>
        %mul3A_896 = arith.constant 11.3137083 : f32
        %mul3A_897 = vector.broadcast %mul3A_896 : f32 to vector<16xf32>
        %mul3A_898 = arith.mulf %get3A_895, %mul3A_897 : vector<16xf32>
        %add3A_899 = arith.addf %mul3A_898, %get3A_687 : vector<16xf32>
        %swap3A_900 = arith.constant 1 : i32
        %swap3A_901 = arith.index_cast %swap3A_900 : i32 to index
        %swap3A_902 = arith.index_cast %scan3A_672 : i32 to index
        %swap3A_903 = arith.constant 48 : index
        %swap3A_904 = tpu.vector_load %arg8[%swap3A_901, %swap3A_902, %swap3A_903] {strides = array<i32>} : memref<6x64x128xf32, #tpu.memory_space<vmem>>, vector<1x1x16xf32>,
        %swap3A_905 = vector.shape_cast %swap3A_904 : vector<1x1x16xf32> to vector<16xf32>
        %swap3A_906 = vector.shape_cast %add3A_899 : vector<16xf32> to vector<1x1x16xf32>
        tpu.vector_store %arg8[%swap3A_901, %swap3A_902, %swap3A_903], %swap3A_906 {strides = array<i32>} : memref<6x64x128xf32, #tpu.memory_space<vmem>>, vector<1x1x16xf32>,
        %get3A_907 = arith.constant 1 : i32
        %get3A_908 = arith.index_cast %get3A_907 : i32 to index
        %get3A_909 = arith.index_cast %scan3A_672 : i32 to index
        %get3A_910 = arith.constant 64 : index
        %get3A_911 = tpu.vector_load %arg7[%get3A_908, %get3A_909, %get3A_910] {strides = array<i32>} : memref<6x64x128xf32, #tpu.memory_space<vmem>>, vector<1x1x16xf32>,
        %get3A_912 = vector.shape_cast %get3A_911 : vector<1x1x16xf32> to vector<16xf32>
        %mul3A_913 = arith.constant 11.3137083 : f32
        %mul3A_914 = vector.broadcast %mul3A_913 : f32 to vector<16xf32>
        %mul3A_915 = arith.mulf %get3A_912, %mul3A_914 : vector<16xf32>
        %add3A_916 = arith.addf %mul3A_915, %get3A_691 : vector<16xf32>
        %swap3A_917 = arith.constant 1 : i32
        %swap3A_918 = arith.index_cast %swap3A_917 : i32 to index
        %swap3A_919 = arith.index_cast %scan3A_672 : i32 to index
        %swap3A_920 = arith.constant 64 : index
        %swap3A_921 = tpu.vector_load %arg8[%swap3A_918, %swap3A_919, %swap3A_920] {strides = array<i32>} : memref<6x64x128xf32, #tpu.memory_space<vmem>>, vector<1x1x16xf32>,
        %swap3A_922 = vector.shape_cast %swap3A_921 : vector<1x1x16xf32> to vector<16xf32>
        %swap3A_923 = vector.shape_cast %add3A_916 : vector<16xf32> to vector<1x1x16xf32>
        tpu.vector_store %arg8[%swap3A_918, %swap3A_919, %swap3A_920], %swap3A_923 {strides = array<i32>} : memref<6x64x128xf32, #tpu.memory_space<vmem>>, vector<1x1x16xf32>,
        %get3A_924 = arith.constant 1 : i32
        %get3A_925 = arith.index_cast %get3A_924 : i32 to index
        %get3A_926 = arith.index_cast %scan3A_672 : i32 to index
        %get3A_927 = arith.constant 80 : index
        %get3A_928 = tpu.vector_load %arg7[%get3A_925, %get3A_926, %get3A_927] {strides = array<i32>} : memref<6x64x128xf32, #tpu.memory_space<vmem>>, vector<1x1x16xf32>,
        %get3A_929 = vector.shape_cast %get3A_928 : vector<1x1x16xf32> to vector<16xf32>
        %mul3A_930 = arith.constant 11.3137083 : f32
        %mul3A_931 = vector.broadcast %mul3A_930 : f32 to vector<16xf32>
        %mul3A_932 = arith.mulf %get3A_929, %mul3A_931 : vector<16xf32>
        %add3A_933 = arith.addf %mul3A_932, %get3A_695 : vector<16xf32>
        %swap3A_934 = arith.constant 1 : i32
        %swap3A_935 = arith.index_cast %swap3A_934 : i32 to index
        %swap3A_936 = arith.index_cast %scan3A_672 : i32 to index
        %swap3A_937 = arith.constant 80 : index
        %swap3A_938 = tpu.vector_load %arg8[%swap3A_935, %swap3A_936, %swap3A_937] {strides = array<i32>} : memref<6x64x128xf32, #tpu.memory_space<vmem>>, vector<1x1x16xf32>,
        %swap3A_939 = vector.shape_cast %swap3A_938 : vector<1x1x16xf32> to vector<16xf32>
        %swap3A_940 = vector.shape_cast %add3A_933 : vector<16xf32> to vector<1x1x16xf32>
        tpu.vector_store %arg8[%swap3A_935, %swap3A_936, %swap3A_937], %swap3A_940 {strides = array<i32>} : memref<6x64x128xf32, #tpu.memory_space<vmem>>, vector<1x1x16xf32>,
        %get3A_941 = arith.constant 1 : i32
        %get3A_942 = arith.index_cast %get3A_941 : i32 to index
        %get3A_943 = arith.index_cast %scan3A_672 : i32 to index
        %get3A_944 = arith.constant 96 : index
        %get3A_945 = tpu.vector_load %arg7[%get3A_942, %get3A_943, %get3A_944] {strides = array<i32>} : memref<6x64x128xf32, #tpu.memory_space<vmem>>, vector<1x1x16xf32>,
        %get3A_946 = vector.shape_cast %get3A_945 : vector<1x1x16xf32> to vector<16xf32>
        %mul3A_947 = arith.constant 11.3137083 : f32
        %mul3A_948 = vector.broadcast %mul3A_947 : f32 to vector<16xf32>
        %mul3A_949 = arith.mulf %get3A_946, %mul3A_948 : vector<16xf32>
        %add3A_950 = arith.addf %mul3A_949, %get3A_699 : vector<16xf32>
        %swap3A_951 = arith.constant 1 : i32
        %swap3A_952 = arith.index_cast %swap3A_951 : i32 to index
        %swap3A_953 = arith.index_cast %scan3A_672 : i32 to index
        %swap3A_954 = arith.constant 96 : index
        %swap3A_955 = tpu.vector_load %arg8[%swap3A_952, %swap3A_953, %swap3A_954] {strides = array<i32>} : memref<6x64x128xf32, #tpu.memory_space<vmem>>, vector<1x1x16xf32>,
        %swap3A_956 = vector.shape_cast %swap3A_955 : vector<1x1x16xf32> to vector<16xf32>
        %swap3A_957 = vector.shape_cast %add3A_950 : vector<16xf32> to vector<1x1x16xf32>
        tpu.vector_store %arg8[%swap3A_952, %swap3A_953, %swap3A_954], %swap3A_957 {strides = array<i32>} : memref<6x64x128xf32, #tpu.memory_space<vmem>>, vector<1x1x16xf32>,
        %get3A_958 = arith.constant 1 : i32
        %get3A_959 = arith.index_cast %get3A_958 : i32 to index
        %get3A_960 = arith.index_cast %scan3A_672 : i32 to index
        %get3A_961 = arith.constant 112 : index
        %get3A_962 = tpu.vector_load %arg7[%get3A_959, %get3A_960, %get3A_961] {strides = array<i32>} : memref<6x64x128xf32, #tpu.memory_space<vmem>>, vector<1x1x16xf32>,
        %get3A_963 = vector.shape_cast %get3A_962 : vector<1x1x16xf32> to vector<16xf32>
        %mul3A_964 = arith.constant 11.3137083 : f32
        %mul3A_965 = vector.broadcast %mul3A_964 : f32 to vector<16xf32>
        %mul3A_966 = arith.mulf %get3A_963, %mul3A_965 : vector<16xf32>
        %add3A_967 = arith.addf %mul3A_966, %get3A_703 : vector<16xf32>
        %swap3A_968 = arith.constant 1 : i32
        %swap3A_969 = arith.index_cast %swap3A_968 : i32 to index
        %swap3A_970 = arith.index_cast %scan3A_672 : i32 to index
        %swap3A_971 = arith.constant 112 : index
        %swap3A_972 = tpu.vector_load %arg8[%swap3A_969, %swap3A_970, %swap3A_971] {strides = array<i32>} : memref<6x64x128xf32, #tpu.memory_space<vmem>>, vector<1x1x16xf32>,
        %swap3A_973 = vector.shape_cast %swap3A_972 : vector<1x1x16xf32> to vector<16xf32>
        %swap3A_974 = vector.shape_cast %add3A_967 : vector<16xf32> to vector<1x1x16xf32>
        tpu.vector_store %arg8[%swap3A_969, %swap3A_970, %swap3A_971], %swap3A_974 {strides = array<i32>} : memref<6x64x128xf32, #tpu.memory_space<vmem>>, vector<1x1x16xf32>,
      }
      %scan3A_443 = arith.constant 64 : i32
      %dma_start3A_444 = arith.constant 0 : i32
      %dma_start3A_445 = arith.constant 0 : i32
      %dma_start3A_446 = arith.constant 0 : i32
      %dma_start3A_447 = tpu.memref_slice %arg8[%dma_start3A_444, %dma_start3A_445, %dma_start3A_446] : memref<6x64x128xf32, #tpu.memory_space<vmem>> -> memref<1x64x128xf32, #tpu.memory_space<vmem>>
      %dma_start3A_448 = tpu.memref_squeeze %dma_start3A_447 : memref<1x64x128xf32, #tpu.memory_space<vmem>> -> memref<64x128xf32, #tpu.memory_space<vmem>>
      %dma_start3A_449 = arith.constant 0 : i32
      %dma_start3A_450 = tpu.memref_slice %arg5[%add3A_402, %mul3A_2, %dma_start3A_449] : memref<64x2048x128xf32, #tpu.memory_space<hbm>> -> memref<1x64x128xf32, #tpu.memory_space<hbm>>
      %dma_start3A_451 = tpu.memref_squeeze %dma_start3A_450 : memref<1x64x128xf32, #tpu.memory_space<hbm>> -> memref<64x128xf32, #tpu.memory_space<hbm>>
      %dma_start3A_452 = arith.constant 0 : i32
      %dma_start3A_453 = tpu.memref_slice %arg5[%add3A_402, %mul3A_2, %dma_start3A_452] : memref<64x2048x128xf32, #tpu.memory_space<hbm>> -> memref<1x64x128xf32, #tpu.memory_space<hbm>>
      %dma_start3A_454 = tpu.memref_squeeze %dma_start3A_453 : memref<1x64x128xf32, #tpu.memory_space<hbm>> -> memref<64x128xf32, #tpu.memory_space<hbm>>
      %dma_start3A_455 = arith.constant 0 : i32
      %dma_start3A_456 = arith.constant 0 : i32
      %dma_start3A_457 = tpu.memref_slice %arg8[%dma_start3A_444, %dma_start3A_455, %dma_start3A_456] : memref<6x64x128xf32, #tpu.memory_space<vmem>> -> memref<1x64x128xf32, #tpu.memory_space<vmem>>
      %dma_start3A_458 = tpu.memref_squeeze %dma_start3A_457 : memref<1x64x128xf32, #tpu.memory_space<vmem>> -> memref<64x128xf32, #tpu.memory_space<vmem>>
      tpu.enqueue_dma source(%dma_start3A_458 : memref<64x128xf32, #tpu.memory_space<vmem>>) target(%dma_start3A_454 : memref<64x128xf32, #tpu.memory_space<hbm>>) target_semaphore(%arg16 : memref<!tpu.dma_semaphore, #tpu.memory_space<semaphore_mem>>)
      %add3A_459 = arith.constant 6 : i32
      %add3A_460 = arith.addi %add3A_402, %add3A_459 : i32
      %lt3A_461 = arith.constant 64 : i32
      %lt3A_462 = arith.cmpi slt, %add3A_460, %lt3A_461 : i32
      %convert_element_type3A_463 = arith.extui %lt3A_462 : i1 to i32
      %cond3A_464 = arith.constant 0 : i32
      %cond3A_465 = arith.cmpi ne, %convert_element_type3A_463, %cond3A_464 : i32
      scf.if %cond3A_465 {
        %add3A_672 = arith.constant 6 : i32
        %add3A_673 = arith.addi %add3A_402, %add3A_672 : i32
        %dma_start3A_674 = arith.constant 0 : i32
        %dma_start3A_675 = arith.constant 0 : i32
        %dma_start3A_676 = arith.constant 0 : i32
        %dma_start3A_677 = tpu.memref_slice %arg7[%dma_start3A_674, %dma_start3A_675, %dma_start3A_676] : memref<6x64x128xf32, #tpu.memory_space<vmem>> -> memref<1x64x128xf32, #tpu.memory_space<vmem>>
        %dma_start3A_678 = tpu.memref_squeeze %dma_start3A_677 : memref<1x64x128xf32, #tpu.memory_space<vmem>> -> memref<64x128xf32, #tpu.memory_space<vmem>>
        %dma_start3A_679 = tpu.memref_slice %arg6[%add3A_673, %mul3A_36] : memref<64x128xi32, #tpu.memory_space<vmem>> -> memref<1x64xi32, #tpu.memory_space<vmem>>
        %dma_start3A_680 = tpu.memref_squeeze %dma_start3A_679 : memref<1x64xi32, #tpu.memory_space<vmem>> -> memref<64xi32, #tpu.memory_space<vmem>>
        %dma_start3A_681 = arith.constant 0 : i32
        %dma_start3A_682 = arith.constant 0 : i32
        %dma_start3A_683 = tpu.memref_slice %arg3[%dma_start3A_681, %dma_start3A_682] : memref<100000x128xf32, #tpu.memory_space<hbm>> -> memref<100000x128xf32, #tpu.memory_space<hbm>>
        tpu.enqueue_indirect_dma source(%dma_start3A_683 : memref<100000x128xf32, #tpu.memory_space<hbm>>) target(%dma_start3A_678 : memref<64x128xf32, #tpu.memory_space<vmem>>) offsets(%dma_start3A_680 : memref<64xi32, #tpu.memory_space<vmem>>) semaphore(%arg10 : memref<!tpu.dma_semaphore, #tpu.memory_space<semaphore_mem>>)
      } else {
      }
      %dma_start3A_466 = arith.constant 1 : i32
      %dma_start3A_467 = arith.constant 0 : i32
      %dma_start3A_468 = arith.constant 0 : i32
      %dma_start3A_469 = tpu.memref_slice %arg8[%dma_start3A_466, %dma_start3A_467, %dma_start3A_468] : memref<6x64x128xf32, #tpu.memory_space<vmem>> -> memref<1x64x128xf32, #tpu.memory_space<vmem>>
      %dma_start3A_470 = tpu.memref_squeeze %dma_start3A_469 : memref<1x64x128xf32, #tpu.memory_space<vmem>> -> memref<64x128xf32, #tpu.memory_space<vmem>>
      %dma_start3A_471 = arith.constant 0 : i32
      %dma_start3A_472 = tpu.memref_slice %arg5[%add3A_408, %mul3A_2, %dma_start3A_471] : memref<64x2048x128xf32, #tpu.memory_space<hbm>> -> memref<1x64x128xf32, #tpu.memory_space<hbm>>
      %dma_start3A_473 = tpu.memref_squeeze %dma_start3A_472 : memref<1x64x128xf32, #tpu.memory_space<hbm>> -> memref<64x128xf32, #tpu.memory_space<hbm>>
      %dma_start3A_474 = arith.constant 0 : i32
      %dma_start3A_475 = tpu.memref_slice %arg5[%add3A_408, %mul3A_2, %dma_start3A_474] : memref<64x2048x128xf32, #tpu.memory_space<hbm>> -> memref<1x64x128xf32, #tpu.memory_space<hbm>>
      %dma_start3A_476 = tpu.memref_squeeze %dma_start3A_475 : memref<1x64x128xf32, #tpu.memory_space<hbm>> -> memref<64x128xf32, #tpu.memory_space<hbm>>
      %dma_start3A_477 = arith.constant 0 : i32
      %dma_start3A_478 = arith.constant 0 : i32
      %dma_start3A_479 = tpu.memref_slice %arg8[%dma_start3A_466, %dma_start3A_477, %dma_start3A_478] : memref<6x64x128xf32, #tpu.memory_space<vmem>> -> memref<1x64x128xf32, #tpu.memory_space<vmem>>
      %dma_start3A_480 = tpu.memref_squeeze %dma_start3A_479 : memref<1x64x128xf32, #tpu.memory_space<vmem>> -> memref<64x128xf32, #tpu.memory_space<vmem>>
      tpu.enqueue_dma source(%dma_start3A_480 : memref<64x128xf32, #tpu.memory_space<vmem>>) target(%dma_start3A_476 : memref<64x128xf32, #tpu.memory_space<hbm>>) target_semaphore(%arg17 : memref<!tpu.dma_semaphore, #tpu.memory_space<semaphore_mem>>)
      %add3A_481 = arith.constant 6 : i32
      %add3A_482 = arith.addi %add3A_408, %add3A_481 : i32
      %lt3A_483 = arith.constant 64 : i32
      %lt3A_484 = arith.cmpi slt, %add3A_482, %lt3A_483 : i32
      %convert_element_type3A_485 = arith.extui %lt3A_484 : i1 to i32
      %cond3A_486 = arith.constant 0 : i32
      %cond3A_487 = arith.cmpi ne, %convert_element_type3A_485, %cond3A_486 : i32
      scf.if %cond3A_487 {
        %add3A_672 = arith.constant 6 : i32
        %add3A_673 = arith.addi %add3A_408, %add3A_672 : i32
        %dma_start3A_674 = arith.constant 1 : i32
        %dma_start3A_675 = arith.constant 0 : i32
        %dma_start3A_676 = arith.constant 0 : i32
        %dma_start3A_677 = tpu.memref_slice %arg7[%dma_start3A_674, %dma_start3A_675, %dma_start3A_676] : memref<6x64x128xf32, #tpu.memory_space<vmem>> -> memref<1x64x128xf32, #tpu.memory_space<vmem>>
        %dma_start3A_678 = tpu.memref_squeeze %dma_start3A_677 : memref<1x64x128xf32, #tpu.memory_space<vmem>> -> memref<64x128xf32, #tpu.memory_space<vmem>>
        %dma_start3A_679 = tpu.memref_slice %arg6[%add3A_673, %mul3A_36] : memref<64x128xi32, #tpu.memory_space<vmem>> -> memref<1x64xi32, #tpu.memory_space<vmem>>
        %dma_start3A_680 = tpu.memref_squeeze %dma_start3A_679 : memref<1x64xi32, #tpu.memory_space<vmem>> -> memref<64xi32, #tpu.memory_space<vmem>>
        %dma_start3A_681 = arith.constant 0 : i32
        %dma_start3A_682 = arith.constant 0 : i32
        %dma_start3A_683 = tpu.memref_slice %arg3[%dma_start3A_681, %dma_start3A_682] : memref<100000x128xf32, #tpu.memory_space<hbm>> -> memref<100000x128xf32, #tpu.memory_space<hbm>>
        tpu.enqueue_indirect_dma source(%dma_start3A_683 : memref<100000x128xf32, #tpu.memory_space<hbm>>) target(%dma_start3A_678 : memref<64x128xf32, #tpu.memory_space<vmem>>) offsets(%dma_start3A_680 : memref<64xi32, #tpu.memory_space<vmem>>) semaphore(%arg11 : memref<!tpu.dma_semaphore, #tpu.memory_space<semaphore_mem>>)
      } else {
      }
      %mul3A_488 = arith.constant 6 : i32
      %mul3A_489 = arith.muli %scan3A_398, %mul3A_488 : i32
      %add3A_490 = arith.constant 2 : i32
      %add3A_491 = arith.addi %mul3A_489, %add3A_490 : i32
      %mul3A_492 = arith.constant 6 : i32
      %mul3A_493 = arith.muli %scan3A_398, %mul3A_492 : i32
      %add3A_494 = arith.constant 2 : i32
      %add3A_495 = arith.addi %mul3A_493, %add3A_494 : i32
      %add3A_496 = arith.constant 1 : i32
      %add3A_497 = arith.addi %add3A_495, %add3A_496 : i32
      %dma_wait3A_498 = arith.constant 2 : i32
      %dma_wait3A_499 = arith.constant 2 : i32
      %dma_wait3A_500 = arith.constant 0 : i32
      %dma_wait3A_501 = arith.constant 0 : i32
      %dma_wait3A_502 = tpu.memref_slice %arg7[%dma_wait3A_499, %dma_wait3A_500, %dma_wait3A_501] : memref<6x64x128xf32, #tpu.memory_space<vmem>> -> memref<1x64x128xf32, #tpu.memory_space<vmem>>
      %dma_wait3A_503 = tpu.memref_squeeze %dma_wait3A_502 : memref<1x64x128xf32, #tpu.memory_space<vmem>> -> memref<64x128xf32, #tpu.memory_space<vmem>>
      %dma_wait3A_504 = tpu.memref_slice %arg6[%dma_wait3A_498, %mul3A_36] : memref<64x128xi32, #tpu.memory_space<vmem>> -> memref<1x64xi32, #tpu.memory_space<vmem>>
      %dma_wait3A_505 = tpu.memref_squeeze %dma_wait3A_504 : memref<1x64xi32, #tpu.memory_space<vmem>> -> memref<64xi32, #tpu.memory_space<vmem>>
      %dma_wait3A_506 = arith.constant 0 : i32
      %dma_wait3A_507 = arith.constant 0 : i32
      %dma_wait3A_508 = tpu.memref_slice %arg3[%dma_wait3A_506, %dma_wait3A_507] : memref<100000x128xf32, #tpu.memory_space<hbm>> -> memref<100000x128xf32, #tpu.memory_space<hbm>>
      tpu.wait_indirect_dma semaphore(%arg12 : memref<!tpu.dma_semaphore, #tpu.memory_space<semaphore_mem>>) src(%dma_wait3A_508 : memref<100000x128xf32, #tpu.memory_space<hbm>>) dst(%dma_wait3A_503 : memref<64x128xf32, #tpu.memory_space<vmem>>)
      %gt3A_509 = arith.constant 0 : i32
      %gt3A_510 = arith.cmpi sgt, %scan3A_398, %gt3A_509 : i32
      %convert_element_type3A_511 = arith.extui %gt3A_510 : i1 to i32
      %cond3A_512 = arith.constant 0 : i32
      %cond3A_513 = arith.cmpi ne, %convert_element_type3A_511, %cond3A_512 : i32
      scf.if %cond3A_513 {
        %sub3A_672 = arith.constant 6 : i32
        %sub3A_673 = arith.subi %add3A_491, %sub3A_672 : i32
        %dma_wait3A_674 = arith.constant 2 : i32
        %dma_wait3A_675 = arith.constant 0 : i32
        %dma_wait3A_676 = arith.constant 0 : i32
        %dma_wait3A_677 = tpu.memref_slice %arg8[%dma_wait3A_674, %dma_wait3A_675, %dma_wait3A_676] : memref<6x64x128xf32, #tpu.memory_space<vmem>> -> memref<1x64x128xf32, #tpu.memory_space<vmem>>
        %dma_wait3A_678 = tpu.memref_squeeze %dma_wait3A_677 : memref<1x64x128xf32, #tpu.memory_space<vmem>> -> memref<64x128xf32, #tpu.memory_space<vmem>>
        %dma_wait3A_679 = arith.constant 0 : i32
        %dma_wait3A_680 = tpu.memref_slice %arg5[%sub3A_673, %mul3A_2, %dma_wait3A_679] : memref<64x2048x128xf32, #tpu.memory_space<hbm>> -> memref<1x64x128xf32, #tpu.memory_space<hbm>>
        %dma_wait3A_681 = tpu.memref_squeeze %dma_wait3A_680 : memref<1x64x128xf32, #tpu.memory_space<hbm>> -> memref<64x128xf32, #tpu.memory_space<hbm>>
        %dma_wait3A_682 = arith.constant 0 : i32
        %dma_wait3A_683 = tpu.memref_slice %arg5[%sub3A_673, %mul3A_2, %dma_wait3A_682] : memref<64x2048x128xf32, #tpu.memory_space<hbm>> -> memref<1x64x128xf32, #tpu.memory_space<hbm>>
        %dma_wait3A_684 = tpu.memref_squeeze %dma_wait3A_683 : memref<1x64x128xf32, #tpu.memory_space<hbm>> -> memref<64x128xf32, #tpu.memory_space<hbm>>
        %dma_wait3A_685 = arith.constant 0 : i32
        %dma_wait3A_686 = arith.constant 0 : i32
        %dma_wait3A_687 = tpu.memref_slice %arg8[%dma_wait3A_674, %dma_wait3A_685, %dma_wait3A_686] : memref<6x64x128xf32, #tpu.memory_space<vmem>> -> memref<1x64x128xf32, #tpu.memory_space<vmem>>
        %dma_wait3A_688 = tpu.memref_squeeze %dma_wait3A_687 : memref<1x64x128xf32, #tpu.memory_space<vmem>> -> memref<64x128xf32, #tpu.memory_space<vmem>>
        tpu.wait_dma2 semaphore(%arg18 : memref<!tpu.dma_semaphore, #tpu.memory_space<semaphore_mem>>) src(%dma_wait3A_688 : memref<64x128xf32, #tpu.memory_space<vmem>>) dst(%dma_wait3A_684 : memref<64x128xf32, #tpu.memory_space<hbm>>)
      } else {
      }
      %dma_wait3A_514 = arith.constant 3 : i32
      %dma_wait3A_515 = arith.constant 3 : i32
      %dma_wait3A_516 = arith.constant 0 : i32
      %dma_wait3A_517 = arith.constant 0 : i32
      %dma_wait3A_518 = tpu.memref_slice %arg7[%dma_wait3A_515, %dma_wait3A_516, %dma_wait3A_517] : memref<6x64x128xf32, #tpu.memory_space<vmem>> -> memref<1x64x128xf32, #tpu.memory_space<vmem>>
      %dma_wait3A_519 = tpu.memref_squeeze %dma_wait3A_518 : memref<1x64x128xf32, #tpu.memory_space<vmem>> -> memref<64x128xf32, #tpu.memory_space<vmem>>
      %dma_wait3A_520 = tpu.memref_slice %arg6[%dma_wait3A_514, %mul3A_36] : memref<64x128xi32, #tpu.memory_space<vmem>> -> memref<1x64xi32, #tpu.memory_space<vmem>>
      %dma_wait3A_521 = tpu.memref_squeeze %dma_wait3A_520 : memref<1x64xi32, #tpu.memory_space<vmem>> -> memref<64xi32, #tpu.memory_space<vmem>>
      %dma_wait3A_522 = arith.constant 0 : i32
      %dma_wait3A_523 = arith.constant 0 : i32
      %dma_wait3A_524 = tpu.memref_slice %arg3[%dma_wait3A_522, %dma_wait3A_523] : memref<100000x128xf32, #tpu.memory_space<hbm>> -> memref<100000x128xf32, #tpu.memory_space<hbm>>
      tpu.wait_indirect_dma semaphore(%arg13 : memref<!tpu.dma_semaphore, #tpu.memory_space<semaphore_mem>>) src(%dma_wait3A_524 : memref<100000x128xf32, #tpu.memory_space<hbm>>) dst(%dma_wait3A_519 : memref<64x128xf32, #tpu.memory_space<vmem>>)
      %gt3A_525 = arith.constant 0 : i32
      %gt3A_526 = arith.cmpi sgt, %scan3A_398, %gt3A_525 : i32
      %convert_element_type3A_527 = arith.extui %gt3A_526 : i1 to i32
      %cond3A_528 = arith.constant 0 : i32
      %cond3A_529 = arith.cmpi ne, %convert_element_type3A_527, %cond3A_528 : i32
      scf.if %cond3A_529 {
        %sub3A_672 = arith.constant 6 : i32
        %sub3A_673 = arith.subi %add3A_497, %sub3A_672 : i32
        %dma_wait3A_674 = arith.constant 3 : i32
        %dma_wait3A_675 = arith.constant 0 : i32
        %dma_wait3A_676 = arith.constant 0 : i32
        %dma_wait3A_677 = tpu.memref_slice %arg8[%dma_wait3A_674, %dma_wait3A_675, %dma_wait3A_676] : memref<6x64x128xf32, #tpu.memory_space<vmem>> -> memref<1x64x128xf32, #tpu.memory_space<vmem>>
        %dma_wait3A_678 = tpu.memref_squeeze %dma_wait3A_677 : memref<1x64x128xf32, #tpu.memory_space<vmem>> -> memref<64x128xf32, #tpu.memory_space<vmem>>
        %dma_wait3A_679 = arith.constant 0 : i32
        %dma_wait3A_680 = tpu.memref_slice %arg5[%sub3A_673, %mul3A_2, %dma_wait3A_679] : memref<64x2048x128xf32, #tpu.memory_space<hbm>> -> memref<1x64x128xf32, #tpu.memory_space<hbm>>
        %dma_wait3A_681 = tpu.memref_squeeze %dma_wait3A_680 : memref<1x64x128xf32, #tpu.memory_space<hbm>> -> memref<64x128xf32, #tpu.memory_space<hbm>>
        %dma_wait3A_682 = arith.constant 0 : i32
        %dma_wait3A_683 = tpu.memref_slice %arg5[%sub3A_673, %mul3A_2, %dma_wait3A_682] : memref<64x2048x128xf32, #tpu.memory_space<hbm>> -> memref<1x64x128xf32, #tpu.memory_space<hbm>>
        %dma_wait3A_684 = tpu.memref_squeeze %dma_wait3A_683 : memref<1x64x128xf32, #tpu.memory_space<hbm>> -> memref<64x128xf32, #tpu.memory_space<hbm>>
        %dma_wait3A_685 = arith.constant 0 : i32
        %dma_wait3A_686 = arith.constant 0 : i32
        %dma_wait3A_687 = tpu.memref_slice %arg8[%dma_wait3A_674, %dma_wait3A_685, %dma_wait3A_686] : memref<6x64x128xf32, #tpu.memory_space<vmem>> -> memref<1x64x128xf32, #tpu.memory_space<vmem>>
        %dma_wait3A_688 = tpu.memref_squeeze %dma_wait3A_687 : memref<1x64x128xf32, #tpu.memory_space<vmem>> -> memref<64x128xf32, #tpu.memory_space<vmem>>
        tpu.wait_dma2 semaphore(%arg19 : memref<!tpu.dma_semaphore, #tpu.memory_space<semaphore_mem>>) src(%dma_wait3A_688 : memref<64x128xf32, #tpu.memory_space<vmem>>) dst(%dma_wait3A_684 : memref<64x128xf32, #tpu.memory_space<hbm>>)
      } else {
      }
      %scan3A_530 = arith.constant 0 : i32
      %scan3A_531 = arith.constant 0 : i32
      %scan3A_532 = arith.constant 64 : i32
      %scan3A_533 = arith.addi %scan3A_531, %scan3A_532 : i32
      %scan3A_534 = arith.constant 1 : i32
      scf.for %scan3A_672 = %scan3A_531 to %scan3A_533 step %scan3A_534  : i32 {
        %get3A = arith.index_cast %scan3A_672 : i32 to index
        %get3A_673 = arith.constant 0 : index
        %get3A_674 = tpu.vector_load %arg9[%get3A, %get3A_673] {strides = array<i32>} : memref<64x128xf32, #tpu.memory_space<vmem>>, vector<1x16xf32>,
        %get3A_675 = vector.shape_cast %get3A_674 : vector<1x16xf32> to vector<16xf32>
        %get3A_676 = arith.index_cast %scan3A_672 : i32 to index
        %get3A_677 = arith.constant 16 : index
        %get3A_678 = tpu.vector_load %arg9[%get3A_676, %get3A_677] {strides = array<i32>} : memref<64x128xf32, #tpu.memory_space<vmem>>, vector<1x16xf32>,
        %get3A_679 = vector.shape_cast %get3A_678 : vector<1x16xf32> to vector<16xf32>
        %get3A_680 = arith.index_cast %scan3A_672 : i32 to index
        %get3A_681 = arith.constant 32 : index
        %get3A_682 = tpu.vector_load %arg9[%get3A_680, %get3A_681] {strides = array<i32>} : memref<64x128xf32, #tpu.memory_space<vmem>>, vector<1x16xf32>,
        %get3A_683 = vector.shape_cast %get3A_682 : vector<1x16xf32> to vector<16xf32>
        %get3A_684 = arith.index_cast %scan3A_672 : i32 to index
        %get3A_685 = arith.constant 48 : index
        %get3A_686 = tpu.vector_load %arg9[%get3A_684, %get3A_685] {strides = array<i32>} : memref<64x128xf32, #tpu.memory_space<vmem>>, vector<1x16xf32>,
        %get3A_687 = vector.shape_cast %get3A_686 : vector<1x16xf32> to vector<16xf32>
        %get3A_688 = arith.index_cast %scan3A_672 : i32 to index
        %get3A_689 = arith.constant 64 : index
        %get3A_690 = tpu.vector_load %arg9[%get3A_688, %get3A_689] {strides = array<i32>} : memref<64x128xf32, #tpu.memory_space<vmem>>, vector<1x16xf32>,
        %get3A_691 = vector.shape_cast %get3A_690 : vector<1x16xf32> to vector<16xf32>
        %get3A_692 = arith.index_cast %scan3A_672 : i32 to index
        %get3A_693 = arith.constant 80 : index
        %get3A_694 = tpu.vector_load %arg9[%get3A_692, %get3A_693] {strides = array<i32>} : memref<64x128xf32, #tpu.memory_space<vmem>>, vector<1x16xf32>,
        %get3A_695 = vector.shape_cast %get3A_694 : vector<1x16xf32> to vector<16xf32>
        %get3A_696 = arith.index_cast %scan3A_672 : i32 to index
        %get3A_697 = arith.constant 96 : index
        %get3A_698 = tpu.vector_load %arg9[%get3A_696, %get3A_697] {strides = array<i32>} : memref<64x128xf32, #tpu.memory_space<vmem>>, vector<1x16xf32>,
        %get3A_699 = vector.shape_cast %get3A_698 : vector<1x16xf32> to vector<16xf32>
        %get3A_700 = arith.index_cast %scan3A_672 : i32 to index
        %get3A_701 = arith.constant 112 : index
        %get3A_702 = tpu.vector_load %arg9[%get3A_700, %get3A_701] {strides = array<i32>} : memref<64x128xf32, #tpu.memory_space<vmem>>, vector<1x16xf32>,
        %get3A_703 = vector.shape_cast %get3A_702 : vector<1x16xf32> to vector<16xf32>
        %get3A_704 = arith.constant 2 : i32
        %get3A_705 = arith.index_cast %get3A_704 : i32 to index
        %get3A_706 = arith.index_cast %scan3A_672 : i32 to index
        %get3A_707 = arith.constant 0 : index
        %get3A_708 = tpu.vector_load %arg7[%get3A_705, %get3A_706, %get3A_707] {strides = array<i32>} : memref<6x64x128xf32, #tpu.memory_space<vmem>>, vector<1x1x16xf32>,
        %get3A_709 = vector.shape_cast %get3A_708 : vector<1x1x16xf32> to vector<16xf32>
        %mul3A_710 = arith.constant 11.3137083 : f32
        %mul3A_711 = vector.broadcast %mul3A_710 : f32 to vector<16xf32>
        %mul3A_712 = arith.mulf %get3A_709, %mul3A_711 : vector<16xf32>
        %add3A_713 = arith.addf %mul3A_712, %get3A_675 : vector<16xf32>
        %swap3A = arith.constant 2 : i32
        %swap3A_714 = arith.index_cast %swap3A : i32 to index
        %swap3A_715 = arith.index_cast %scan3A_672 : i32 to index
        %swap3A_716 = arith.constant 0 : index
        %swap3A_717 = tpu.vector_load %arg8[%swap3A_714, %swap3A_715, %swap3A_716] {strides = array<i32>} : memref<6x64x128xf32, #tpu.memory_space<vmem>>, vector<1x1x16xf32>,
        %swap3A_718 = vector.shape_cast %swap3A_717 : vector<1x1x16xf32> to vector<16xf32>
        %swap3A_719 = vector.shape_cast %add3A_713 : vector<16xf32> to vector<1x1x16xf32>
        tpu.vector_store %arg8[%swap3A_714, %swap3A_715, %swap3A_716], %swap3A_719 {strides = array<i32>} : memref<6x64x128xf32, #tpu.memory_space<vmem>>, vector<1x1x16xf32>,
        %get3A_720 = arith.constant 2 : i32
        %get3A_721 = arith.index_cast %get3A_720 : i32 to index
        %get3A_722 = arith.index_cast %scan3A_672 : i32 to index
        %get3A_723 = arith.constant 16 : index
        %get3A_724 = tpu.vector_load %arg7[%get3A_721, %get3A_722, %get3A_723] {strides = array<i32>} : memref<6x64x128xf32, #tpu.memory_space<vmem>>, vector<1x1x16xf32>,
        %get3A_725 = vector.shape_cast %get3A_724 : vector<1x1x16xf32> to vector<16xf32>
        %mul3A_726 = arith.constant 11.3137083 : f32
        %mul3A_727 = vector.broadcast %mul3A_726 : f32 to vector<16xf32>
        %mul3A_728 = arith.mulf %get3A_725, %mul3A_727 : vector<16xf32>
        %add3A_729 = arith.addf %mul3A_728, %get3A_679 : vector<16xf32>
        %swap3A_730 = arith.constant 2 : i32
        %swap3A_731 = arith.index_cast %swap3A_730 : i32 to index
        %swap3A_732 = arith.index_cast %scan3A_672 : i32 to index
        %swap3A_733 = arith.constant 16 : index
        %swap3A_734 = tpu.vector_load %arg8[%swap3A_731, %swap3A_732, %swap3A_733] {strides = array<i32>} : memref<6x64x128xf32, #tpu.memory_space<vmem>>, vector<1x1x16xf32>,
        %swap3A_735 = vector.shape_cast %swap3A_734 : vector<1x1x16xf32> to vector<16xf32>
        %swap3A_736 = vector.shape_cast %add3A_729 : vector<16xf32> to vector<1x1x16xf32>
        tpu.vector_store %arg8[%swap3A_731, %swap3A_732, %swap3A_733], %swap3A_736 {strides = array<i32>} : memref<6x64x128xf32, #tpu.memory_space<vmem>>, vector<1x1x16xf32>,
        %get3A_737 = arith.constant 2 : i32
        %get3A_738 = arith.index_cast %get3A_737 : i32 to index
        %get3A_739 = arith.index_cast %scan3A_672 : i32 to index
        %get3A_740 = arith.constant 32 : index
        %get3A_741 = tpu.vector_load %arg7[%get3A_738, %get3A_739, %get3A_740] {strides = array<i32>} : memref<6x64x128xf32, #tpu.memory_space<vmem>>, vector<1x1x16xf32>,
        %get3A_742 = vector.shape_cast %get3A_741 : vector<1x1x16xf32> to vector<16xf32>
        %mul3A_743 = arith.constant 11.3137083 : f32
        %mul3A_744 = vector.broadcast %mul3A_743 : f32 to vector<16xf32>
        %mul3A_745 = arith.mulf %get3A_742, %mul3A_744 : vector<16xf32>
        %add3A_746 = arith.addf %mul3A_745, %get3A_683 : vector<16xf32>
        %swap3A_747 = arith.constant 2 : i32
        %swap3A_748 = arith.index_cast %swap3A_747 : i32 to index
        %swap3A_749 = arith.index_cast %scan3A_672 : i32 to index
        %swap3A_750 = arith.constant 32 : index
        %swap3A_751 = tpu.vector_load %arg8[%swap3A_748, %swap3A_749, %swap3A_750] {strides = array<i32>} : memref<6x64x128xf32, #tpu.memory_space<vmem>>, vector<1x1x16xf32>,
        %swap3A_752 = vector.shape_cast %swap3A_751 : vector<1x1x16xf32> to vector<16xf32>
        %swap3A_753 = vector.shape_cast %add3A_746 : vector<16xf32> to vector<1x1x16xf32>
        tpu.vector_store %arg8[%swap3A_748, %swap3A_749, %swap3A_750], %swap3A_753 {strides = array<i32>} : memref<6x64x128xf32, #tpu.memory_space<vmem>>, vector<1x1x16xf32>,
        %get3A_754 = arith.constant 2 : i32
        %get3A_755 = arith.index_cast %get3A_754 : i32 to index
        %get3A_756 = arith.index_cast %scan3A_672 : i32 to index
        %get3A_757 = arith.constant 48 : index
        %get3A_758 = tpu.vector_load %arg7[%get3A_755, %get3A_756, %get3A_757] {strides = array<i32>} : memref<6x64x128xf32, #tpu.memory_space<vmem>>, vector<1x1x16xf32>,
        %get3A_759 = vector.shape_cast %get3A_758 : vector<1x1x16xf32> to vector<16xf32>
        %mul3A_760 = arith.constant 11.3137083 : f32
        %mul3A_761 = vector.broadcast %mul3A_760 : f32 to vector<16xf32>
        %mul3A_762 = arith.mulf %get3A_759, %mul3A_761 : vector<16xf32>
        %add3A_763 = arith.addf %mul3A_762, %get3A_687 : vector<16xf32>
        %swap3A_764 = arith.constant 2 : i32
        %swap3A_765 = arith.index_cast %swap3A_764 : i32 to index
        %swap3A_766 = arith.index_cast %scan3A_672 : i32 to index
        %swap3A_767 = arith.constant 48 : index
        %swap3A_768 = tpu.vector_load %arg8[%swap3A_765, %swap3A_766, %swap3A_767] {strides = array<i32>} : memref<6x64x128xf32, #tpu.memory_space<vmem>>, vector<1x1x16xf32>,
        %swap3A_769 = vector.shape_cast %swap3A_768 : vector<1x1x16xf32> to vector<16xf32>
        %swap3A_770 = vector.shape_cast %add3A_763 : vector<16xf32> to vector<1x1x16xf32>
        tpu.vector_store %arg8[%swap3A_765, %swap3A_766, %swap3A_767], %swap3A_770 {strides = array<i32>} : memref<6x64x128xf32, #tpu.memory_space<vmem>>, vector<1x1x16xf32>,
        %get3A_771 = arith.constant 2 : i32
        %get3A_772 = arith.index_cast %get3A_771 : i32 to index
        %get3A_773 = arith.index_cast %scan3A_672 : i32 to index
        %get3A_774 = arith.constant 64 : index
        %get3A_775 = tpu.vector_load %arg7[%get3A_772, %get3A_773, %get3A_774] {strides = array<i32>} : memref<6x64x128xf32, #tpu.memory_space<vmem>>, vector<1x1x16xf32>,
        %get3A_776 = vector.shape_cast %get3A_775 : vector<1x1x16xf32> to vector<16xf32>
        %mul3A_777 = arith.constant 11.3137083 : f32
        %mul3A_778 = vector.broadcast %mul3A_777 : f32 to vector<16xf32>
        %mul3A_779 = arith.mulf %get3A_776, %mul3A_778 : vector<16xf32>
        %add3A_780 = arith.addf %mul3A_779, %get3A_691 : vector<16xf32>
        %swap3A_781 = arith.constant 2 : i32
        %swap3A_782 = arith.index_cast %swap3A_781 : i32 to index
        %swap3A_783 = arith.index_cast %scan3A_672 : i32 to index
        %swap3A_784 = arith.constant 64 : index
        %swap3A_785 = tpu.vector_load %arg8[%swap3A_782, %swap3A_783, %swap3A_784] {strides = array<i32>} : memref<6x64x128xf32, #tpu.memory_space<vmem>>, vector<1x1x16xf32>,
        %swap3A_786 = vector.shape_cast %swap3A_785 : vector<1x1x16xf32> to vector<16xf32>
        %swap3A_787 = vector.shape_cast %add3A_780 : vector<16xf32> to vector<1x1x16xf32>
        tpu.vector_store %arg8[%swap3A_782, %swap3A_783, %swap3A_784], %swap3A_787 {strides = array<i32>} : memref<6x64x128xf32, #tpu.memory_space<vmem>>, vector<1x1x16xf32>,
        %get3A_788 = arith.constant 2 : i32
        %get3A_789 = arith.index_cast %get3A_788 : i32 to index
        %get3A_790 = arith.index_cast %scan3A_672 : i32 to index
        %get3A_791 = arith.constant 80 : index
        %get3A_792 = tpu.vector_load %arg7[%get3A_789, %get3A_790, %get3A_791] {strides = array<i32>} : memref<6x64x128xf32, #tpu.memory_space<vmem>>, vector<1x1x16xf32>,
        %get3A_793 = vector.shape_cast %get3A_792 : vector<1x1x16xf32> to vector<16xf32>
        %mul3A_794 = arith.constant 11.3137083 : f32
        %mul3A_795 = vector.broadcast %mul3A_794 : f32 to vector<16xf32>
        %mul3A_796 = arith.mulf %get3A_793, %mul3A_795 : vector<16xf32>
        %add3A_797 = arith.addf %mul3A_796, %get3A_695 : vector<16xf32>
        %swap3A_798 = arith.constant 2 : i32
        %swap3A_799 = arith.index_cast %swap3A_798 : i32 to index
        %swap3A_800 = arith.index_cast %scan3A_672 : i32 to index
        %swap3A_801 = arith.constant 80 : index
        %swap3A_802 = tpu.vector_load %arg8[%swap3A_799, %swap3A_800, %swap3A_801] {strides = array<i32>} : memref<6x64x128xf32, #tpu.memory_space<vmem>>, vector<1x1x16xf32>,
        %swap3A_803 = vector.shape_cast %swap3A_802 : vector<1x1x16xf32> to vector<16xf32>
        %swap3A_804 = vector.shape_cast %add3A_797 : vector<16xf32> to vector<1x1x16xf32>
        tpu.vector_store %arg8[%swap3A_799, %swap3A_800, %swap3A_801], %swap3A_804 {strides = array<i32>} : memref<6x64x128xf32, #tpu.memory_space<vmem>>, vector<1x1x16xf32>,
        %get3A_805 = arith.constant 2 : i32
        %get3A_806 = arith.index_cast %get3A_805 : i32 to index
        %get3A_807 = arith.index_cast %scan3A_672 : i32 to index
        %get3A_808 = arith.constant 96 : index
        %get3A_809 = tpu.vector_load %arg7[%get3A_806, %get3A_807, %get3A_808] {strides = array<i32>} : memref<6x64x128xf32, #tpu.memory_space<vmem>>, vector<1x1x16xf32>,
        %get3A_810 = vector.shape_cast %get3A_809 : vector<1x1x16xf32> to vector<16xf32>
        %mul3A_811 = arith.constant 11.3137083 : f32
        %mul3A_812 = vector.broadcast %mul3A_811 : f32 to vector<16xf32>
        %mul3A_813 = arith.mulf %get3A_810, %mul3A_812 : vector<16xf32>
        %add3A_814 = arith.addf %mul3A_813, %get3A_699 : vector<16xf32>
        %swap3A_815 = arith.constant 2 : i32
        %swap3A_816 = arith.index_cast %swap3A_815 : i32 to index
        %swap3A_817 = arith.index_cast %scan3A_672 : i32 to index
        %swap3A_818 = arith.constant 96 : index
        %swap3A_819 = tpu.vector_load %arg8[%swap3A_816, %swap3A_817, %swap3A_818] {strides = array<i32>} : memref<6x64x128xf32, #tpu.memory_space<vmem>>, vector<1x1x16xf32>,
        %swap3A_820 = vector.shape_cast %swap3A_819 : vector<1x1x16xf32> to vector<16xf32>
        %swap3A_821 = vector.shape_cast %add3A_814 : vector<16xf32> to vector<1x1x16xf32>
        tpu.vector_store %arg8[%swap3A_816, %swap3A_817, %swap3A_818], %swap3A_821 {strides = array<i32>} : memref<6x64x128xf32, #tpu.memory_space<vmem>>, vector<1x1x16xf32>,
        %get3A_822 = arith.constant 2 : i32
        %get3A_823 = arith.index_cast %get3A_822 : i32 to index
        %get3A_824 = arith.index_cast %scan3A_672 : i32 to index
        %get3A_825 = arith.constant 112 : index
        %get3A_826 = tpu.vector_load %arg7[%get3A_823, %get3A_824, %get3A_825] {strides = array<i32>} : memref<6x64x128xf32, #tpu.memory_space<vmem>>, vector<1x1x16xf32>,
        %get3A_827 = vector.shape_cast %get3A_826 : vector<1x1x16xf32> to vector<16xf32>
        %mul3A_828 = arith.constant 11.3137083 : f32
        %mul3A_829 = vector.broadcast %mul3A_828 : f32 to vector<16xf32>
        %mul3A_830 = arith.mulf %get3A_827, %mul3A_829 : vector<16xf32>
        %add3A_831 = arith.addf %mul3A_830, %get3A_703 : vector<16xf32>
        %swap3A_832 = arith.constant 2 : i32
        %swap3A_833 = arith.index_cast %swap3A_832 : i32 to index
        %swap3A_834 = arith.index_cast %scan3A_672 : i32 to index
        %swap3A_835 = arith.constant 112 : index
        %swap3A_836 = tpu.vector_load %arg8[%swap3A_833, %swap3A_834, %swap3A_835] {strides = array<i32>} : memref<6x64x128xf32, #tpu.memory_space<vmem>>, vector<1x1x16xf32>,
        %swap3A_837 = vector.shape_cast %swap3A_836 : vector<1x1x16xf32> to vector<16xf32>
        %swap3A_838 = vector.shape_cast %add3A_831 : vector<16xf32> to vector<1x1x16xf32>
        tpu.vector_store %arg8[%swap3A_833, %swap3A_834, %swap3A_835], %swap3A_838 {strides = array<i32>} : memref<6x64x128xf32, #tpu.memory_space<vmem>>, vector<1x1x16xf32>,
        %get3A_839 = arith.constant 3 : i32
        %get3A_840 = arith.index_cast %get3A_839 : i32 to index
        %get3A_841 = arith.index_cast %scan3A_672 : i32 to index
        %get3A_842 = arith.constant 0 : index
        %get3A_843 = tpu.vector_load %arg7[%get3A_840, %get3A_841, %get3A_842] {strides = array<i32>} : memref<6x64x128xf32, #tpu.memory_space<vmem>>, vector<1x1x16xf32>,
        %get3A_844 = vector.shape_cast %get3A_843 : vector<1x1x16xf32> to vector<16xf32>
        %mul3A_845 = arith.constant 11.3137083 : f32
        %mul3A_846 = vector.broadcast %mul3A_845 : f32 to vector<16xf32>
        %mul3A_847 = arith.mulf %get3A_844, %mul3A_846 : vector<16xf32>
        %add3A_848 = arith.addf %mul3A_847, %get3A_675 : vector<16xf32>
        %swap3A_849 = arith.constant 3 : i32
        %swap3A_850 = arith.index_cast %swap3A_849 : i32 to index
        %swap3A_851 = arith.index_cast %scan3A_672 : i32 to index
        %swap3A_852 = arith.constant 0 : index
        %swap3A_853 = tpu.vector_load %arg8[%swap3A_850, %swap3A_851, %swap3A_852] {strides = array<i32>} : memref<6x64x128xf32, #tpu.memory_space<vmem>>, vector<1x1x16xf32>,
        %swap3A_854 = vector.shape_cast %swap3A_853 : vector<1x1x16xf32> to vector<16xf32>
        %swap3A_855 = vector.shape_cast %add3A_848 : vector<16xf32> to vector<1x1x16xf32>
        tpu.vector_store %arg8[%swap3A_850, %swap3A_851, %swap3A_852], %swap3A_855 {strides = array<i32>} : memref<6x64x128xf32, #tpu.memory_space<vmem>>, vector<1x1x16xf32>,
        %get3A_856 = arith.constant 3 : i32
        %get3A_857 = arith.index_cast %get3A_856 : i32 to index
        %get3A_858 = arith.index_cast %scan3A_672 : i32 to index
        %get3A_859 = arith.constant 16 : index
        %get3A_860 = tpu.vector_load %arg7[%get3A_857, %get3A_858, %get3A_859] {strides = array<i32>} : memref<6x64x128xf32, #tpu.memory_space<vmem>>, vector<1x1x16xf32>,
        %get3A_861 = vector.shape_cast %get3A_860 : vector<1x1x16xf32> to vector<16xf32>
        %mul3A_862 = arith.constant 11.3137083 : f32
        %mul3A_863 = vector.broadcast %mul3A_862 : f32 to vector<16xf32>
        %mul3A_864 = arith.mulf %get3A_861, %mul3A_863 : vector<16xf32>
        %add3A_865 = arith.addf %mul3A_864, %get3A_679 : vector<16xf32>
        %swap3A_866 = arith.constant 3 : i32
        %swap3A_867 = arith.index_cast %swap3A_866 : i32 to index
        %swap3A_868 = arith.index_cast %scan3A_672 : i32 to index
        %swap3A_869 = arith.constant 16 : index
        %swap3A_870 = tpu.vector_load %arg8[%swap3A_867, %swap3A_868, %swap3A_869] {strides = array<i32>} : memref<6x64x128xf32, #tpu.memory_space<vmem>>, vector<1x1x16xf32>,
        %swap3A_871 = vector.shape_cast %swap3A_870 : vector<1x1x16xf32> to vector<16xf32>
        %swap3A_872 = vector.shape_cast %add3A_865 : vector<16xf32> to vector<1x1x16xf32>
        tpu.vector_store %arg8[%swap3A_867, %swap3A_868, %swap3A_869], %swap3A_872 {strides = array<i32>} : memref<6x64x128xf32, #tpu.memory_space<vmem>>, vector<1x1x16xf32>,
        %get3A_873 = arith.constant 3 : i32
        %get3A_874 = arith.index_cast %get3A_873 : i32 to index
        %get3A_875 = arith.index_cast %scan3A_672 : i32 to index
        %get3A_876 = arith.constant 32 : index
        %get3A_877 = tpu.vector_load %arg7[%get3A_874, %get3A_875, %get3A_876] {strides = array<i32>} : memref<6x64x128xf32, #tpu.memory_space<vmem>>, vector<1x1x16xf32>,
        %get3A_878 = vector.shape_cast %get3A_877 : vector<1x1x16xf32> to vector<16xf32>
        %mul3A_879 = arith.constant 11.3137083 : f32
        %mul3A_880 = vector.broadcast %mul3A_879 : f32 to vector<16xf32>
        %mul3A_881 = arith.mulf %get3A_878, %mul3A_880 : vector<16xf32>
        %add3A_882 = arith.addf %mul3A_881, %get3A_683 : vector<16xf32>
        %swap3A_883 = arith.constant 3 : i32
        %swap3A_884 = arith.index_cast %swap3A_883 : i32 to index
        %swap3A_885 = arith.index_cast %scan3A_672 : i32 to index
        %swap3A_886 = arith.constant 32 : index
        %swap3A_887 = tpu.vector_load %arg8[%swap3A_884, %swap3A_885, %swap3A_886] {strides = array<i32>} : memref<6x64x128xf32, #tpu.memory_space<vmem>>, vector<1x1x16xf32>,
        %swap3A_888 = vector.shape_cast %swap3A_887 : vector<1x1x16xf32> to vector<16xf32>
        %swap3A_889 = vector.shape_cast %add3A_882 : vector<16xf32> to vector<1x1x16xf32>
        tpu.vector_store %arg8[%swap3A_884, %swap3A_885, %swap3A_886], %swap3A_889 {strides = array<i32>} : memref<6x64x128xf32, #tpu.memory_space<vmem>>, vector<1x1x16xf32>,
        %get3A_890 = arith.constant 3 : i32
        %get3A_891 = arith.index_cast %get3A_890 : i32 to index
        %get3A_892 = arith.index_cast %scan3A_672 : i32 to index
        %get3A_893 = arith.constant 48 : index
        %get3A_894 = tpu.vector_load %arg7[%get3A_891, %get3A_892, %get3A_893] {strides = array<i32>} : memref<6x64x128xf32, #tpu.memory_space<vmem>>, vector<1x1x16xf32>,
        %get3A_895 = vector.shape_cast %get3A_894 : vector<1x1x16xf32> to vector<16xf32>
        %mul3A_896 = arith.constant 11.3137083 : f32
        %mul3A_897 = vector.broadcast %mul3A_896 : f32 to vector<16xf32>
        %mul3A_898 = arith.mulf %get3A_895, %mul3A_897 : vector<16xf32>
        %add3A_899 = arith.addf %mul3A_898, %get3A_687 : vector<16xf32>
        %swap3A_900 = arith.constant 3 : i32
        %swap3A_901 = arith.index_cast %swap3A_900 : i32 to index
        %swap3A_902 = arith.index_cast %scan3A_672 : i32 to index
        %swap3A_903 = arith.constant 48 : index
        %swap3A_904 = tpu.vector_load %arg8[%swap3A_901, %swap3A_902, %swap3A_903] {strides = array<i32>} : memref<6x64x128xf32, #tpu.memory_space<vmem>>, vector<1x1x16xf32>,
        %swap3A_905 = vector.shape_cast %swap3A_904 : vector<1x1x16xf32> to vector<16xf32>
        %swap3A_906 = vector.shape_cast %add3A_899 : vector<16xf32> to vector<1x1x16xf32>
        tpu.vector_store %arg8[%swap3A_901, %swap3A_902, %swap3A_903], %swap3A_906 {strides = array<i32>} : memref<6x64x128xf32, #tpu.memory_space<vmem>>, vector<1x1x16xf32>,
        %get3A_907 = arith.constant 3 : i32
        %get3A_908 = arith.index_cast %get3A_907 : i32 to index
        %get3A_909 = arith.index_cast %scan3A_672 : i32 to index
        %get3A_910 = arith.constant 64 : index
        %get3A_911 = tpu.vector_load %arg7[%get3A_908, %get3A_909, %get3A_910] {strides = array<i32>} : memref<6x64x128xf32, #tpu.memory_space<vmem>>, vector<1x1x16xf32>,
        %get3A_912 = vector.shape_cast %get3A_911 : vector<1x1x16xf32> to vector<16xf32>
        %mul3A_913 = arith.constant 11.3137083 : f32
        %mul3A_914 = vector.broadcast %mul3A_913 : f32 to vector<16xf32>
        %mul3A_915 = arith.mulf %get3A_912, %mul3A_914 : vector<16xf32>
        %add3A_916 = arith.addf %mul3A_915, %get3A_691 : vector<16xf32>
        %swap3A_917 = arith.constant 3 : i32
        %swap3A_918 = arith.index_cast %swap3A_917 : i32 to index
        %swap3A_919 = arith.index_cast %scan3A_672 : i32 to index
        %swap3A_920 = arith.constant 64 : index
        %swap3A_921 = tpu.vector_load %arg8[%swap3A_918, %swap3A_919, %swap3A_920] {strides = array<i32>} : memref<6x64x128xf32, #tpu.memory_space<vmem>>, vector<1x1x16xf32>,
        %swap3A_922 = vector.shape_cast %swap3A_921 : vector<1x1x16xf32> to vector<16xf32>
        %swap3A_923 = vector.shape_cast %add3A_916 : vector<16xf32> to vector<1x1x16xf32>
        tpu.vector_store %arg8[%swap3A_918, %swap3A_919, %swap3A_920], %swap3A_923 {strides = array<i32>} : memref<6x64x128xf32, #tpu.memory_space<vmem>>, vector<1x1x16xf32>,
        %get3A_924 = arith.constant 3 : i32
        %get3A_925 = arith.index_cast %get3A_924 : i32 to index
        %get3A_926 = arith.index_cast %scan3A_672 : i32 to index
        %get3A_927 = arith.constant 80 : index
        %get3A_928 = tpu.vector_load %arg7[%get3A_925, %get3A_926, %get3A_927] {strides = array<i32>} : memref<6x64x128xf32, #tpu.memory_space<vmem>>, vector<1x1x16xf32>,
        %get3A_929 = vector.shape_cast %get3A_928 : vector<1x1x16xf32> to vector<16xf32>
        %mul3A_930 = arith.constant 11.3137083 : f32
        %mul3A_931 = vector.broadcast %mul3A_930 : f32 to vector<16xf32>
        %mul3A_932 = arith.mulf %get3A_929, %mul3A_931 : vector<16xf32>
        %add3A_933 = arith.addf %mul3A_932, %get3A_695 : vector<16xf32>
        %swap3A_934 = arith.constant 3 : i32
        %swap3A_935 = arith.index_cast %swap3A_934 : i32 to index
        %swap3A_936 = arith.index_cast %scan3A_672 : i32 to index
        %swap3A_937 = arith.constant 80 : index
        %swap3A_938 = tpu.vector_load %arg8[%swap3A_935, %swap3A_936, %swap3A_937] {strides = array<i32>} : memref<6x64x128xf32, #tpu.memory_space<vmem>>, vector<1x1x16xf32>,
        %swap3A_939 = vector.shape_cast %swap3A_938 : vector<1x1x16xf32> to vector<16xf32>
        %swap3A_940 = vector.shape_cast %add3A_933 : vector<16xf32> to vector<1x1x16xf32>
        tpu.vector_store %arg8[%swap3A_935, %swap3A_936, %swap3A_937], %swap3A_940 {strides = array<i32>} : memref<6x64x128xf32, #tpu.memory_space<vmem>>, vector<1x1x16xf32>,
        %get3A_941 = arith.constant 3 : i32
        %get3A_942 = arith.index_cast %get3A_941 : i32 to index
        %get3A_943 = arith.index_cast %scan3A_672 : i32 to index
        %get3A_944 = arith.constant 96 : index
        %get3A_945 = tpu.vector_load %arg7[%get3A_942, %get3A_943, %get3A_944] {strides = array<i32>} : memref<6x64x128xf32, #tpu.memory_space<vmem>>, vector<1x1x16xf32>,
        %get3A_946 = vector.shape_cast %get3A_945 : vector<1x1x16xf32> to vector<16xf32>
        %mul3A_947 = arith.constant 11.3137083 : f32
        %mul3A_948 = vector.broadcast %mul3A_947 : f32 to vector<16xf32>
        %mul3A_949 = arith.mulf %get3A_946, %mul3A_948 : vector<16xf32>
        %add3A_950 = arith.addf %mul3A_949, %get3A_699 : vector<16xf32>
        %swap3A_951 = arith.constant 3 : i32
        %swap3A_952 = arith.index_cast %swap3A_951 : i32 to index
        %swap3A_953 = arith.index_cast %scan3A_672 : i32 to index
        %swap3A_954 = arith.constant 96 : index
        %swap3A_955 = tpu.vector_load %arg8[%swap3A_952, %swap3A_953, %swap3A_954] {strides = array<i32>} : memref<6x64x128xf32, #tpu.memory_space<vmem>>, vector<1x1x16xf32>,
        %swap3A_956 = vector.shape_cast %swap3A_955 : vector<1x1x16xf32> to vector<16xf32>
        %swap3A_957 = vector.shape_cast %add3A_950 : vector<16xf32> to vector<1x1x16xf32>
        tpu.vector_store %arg8[%swap3A_952, %swap3A_953, %swap3A_954], %swap3A_957 {strides = array<i32>} : memref<6x64x128xf32, #tpu.memory_space<vmem>>, vector<1x1x16xf32>,
        %get3A_958 = arith.constant 3 : i32
        %get3A_959 = arith.index_cast %get3A_958 : i32 to index
        %get3A_960 = arith.index_cast %scan3A_672 : i32 to index
        %get3A_961 = arith.constant 112 : index
        %get3A_962 = tpu.vector_load %arg7[%get3A_959, %get3A_960, %get3A_961] {strides = array<i32>} : memref<6x64x128xf32, #tpu.memory_space<vmem>>, vector<1x1x16xf32>,
        %get3A_963 = vector.shape_cast %get3A_962 : vector<1x1x16xf32> to vector<16xf32>
        %mul3A_964 = arith.constant 11.3137083 : f32
        %mul3A_965 = vector.broadcast %mul3A_964 : f32 to vector<16xf32>
        %mul3A_966 = arith.mulf %get3A_963, %mul3A_965 : vector<16xf32>
        %add3A_967 = arith.addf %mul3A_966, %get3A_703 : vector<16xf32>
        %swap3A_968 = arith.constant 3 : i32
        %swap3A_969 = arith.index_cast %swap3A_968 : i32 to index
        %swap3A_970 = arith.index_cast %scan3A_672 : i32 to index
        %swap3A_971 = arith.constant 112 : index
        %swap3A_972 = tpu.vector_load %arg8[%swap3A_969, %swap3A_970, %swap3A_971] {strides = array<i32>} : memref<6x64x128xf32, #tpu.memory_space<vmem>>, vector<1x1x16xf32>,
        %swap3A_973 = vector.shape_cast %swap3A_972 : vector<1x1x16xf32> to vector<16xf32>
        %swap3A_974 = vector.shape_cast %add3A_967 : vector<16xf32> to vector<1x1x16xf32>
        tpu.vector_store %arg8[%swap3A_969, %swap3A_970, %swap3A_971], %swap3A_974 {strides = array<i32>} : memref<6x64x128xf32, #tpu.memory_space<vmem>>, vector<1x1x16xf32>,
      }
      %scan3A_535 = arith.constant 64 : i32
      %dma_start3A_536 = arith.constant 2 : i32
      %dma_start3A_537 = arith.constant 0 : i32
      %dma_start3A_538 = arith.constant 0 : i32
      %dma_start3A_539 = tpu.memref_slice %arg8[%dma_start3A_536, %dma_start3A_537, %dma_start3A_538] : memref<6x64x128xf32, #tpu.memory_space<vmem>> -> memref<1x64x128xf32, #tpu.memory_space<vmem>>
      %dma_start3A_540 = tpu.memref_squeeze %dma_start3A_539 : memref<1x64x128xf32, #tpu.memory_space<vmem>> -> memref<64x128xf32, #tpu.memory_space<vmem>>
      %dma_start3A_541 = arith.constant 0 : i32
      %dma_start3A_542 = tpu.memref_slice %arg5[%add3A_491, %mul3A_2, %dma_start3A_541] : memref<64x2048x128xf32, #tpu.memory_space<hbm>> -> memref<1x64x128xf32, #tpu.memory_space<hbm>>
      %dma_start3A_543 = tpu.memref_squeeze %dma_start3A_542 : memref<1x64x128xf32, #tpu.memory_space<hbm>> -> memref<64x128xf32, #tpu.memory_space<hbm>>
      %dma_start3A_544 = arith.constant 0 : i32
      %dma_start3A_545 = tpu.memref_slice %arg5[%add3A_491, %mul3A_2, %dma_start3A_544] : memref<64x2048x128xf32, #tpu.memory_space<hbm>> -> memref<1x64x128xf32, #tpu.memory_space<hbm>>
      %dma_start3A_546 = tpu.memref_squeeze %dma_start3A_545 : memref<1x64x128xf32, #tpu.memory_space<hbm>> -> memref<64x128xf32, #tpu.memory_space<hbm>>
      %dma_start3A_547 = arith.constant 0 : i32
      %dma_start3A_548 = arith.constant 0 : i32
      %dma_start3A_549 = tpu.memref_slice %arg8[%dma_start3A_536, %dma_start3A_547, %dma_start3A_548] : memref<6x64x128xf32, #tpu.memory_space<vmem>> -> memref<1x64x128xf32, #tpu.memory_space<vmem>>
      %dma_start3A_550 = tpu.memref_squeeze %dma_start3A_549 : memref<1x64x128xf32, #tpu.memory_space<vmem>> -> memref<64x128xf32, #tpu.memory_space<vmem>>
      tpu.enqueue_dma source(%dma_start3A_550 : memref<64x128xf32, #tpu.memory_space<vmem>>) target(%dma_start3A_546 : memref<64x128xf32, #tpu.memory_space<hbm>>) target_semaphore(%arg18 : memref<!tpu.dma_semaphore, #tpu.memory_space<semaphore_mem>>)
      %add3A_551 = arith.constant 6 : i32
      %add3A_552 = arith.addi %add3A_491, %add3A_551 : i32
      %lt3A_553 = arith.constant 64 : i32
      %lt3A_554 = arith.cmpi slt, %add3A_552, %lt3A_553 : i32
      %convert_element_type3A_555 = arith.extui %lt3A_554 : i1 to i32
      %cond3A_556 = arith.constant 0 : i32
      %cond3A_557 = arith.cmpi ne, %convert_element_type3A_555, %cond3A_556 : i32
      scf.if %cond3A_557 {
        %add3A_672 = arith.constant 6 : i32
        %add3A_673 = arith.addi %add3A_491, %add3A_672 : i32
        %dma_start3A_674 = arith.constant 2 : i32
        %dma_start3A_675 = arith.constant 0 : i32
        %dma_start3A_676 = arith.constant 0 : i32
        %dma_start3A_677 = tpu.memref_slice %arg7[%dma_start3A_674, %dma_start3A_675, %dma_start3A_676] : memref<6x64x128xf32, #tpu.memory_space<vmem>> -> memref<1x64x128xf32, #tpu.memory_space<vmem>>
        %dma_start3A_678 = tpu.memref_squeeze %dma_start3A_677 : memref<1x64x128xf32, #tpu.memory_space<vmem>> -> memref<64x128xf32, #tpu.memory_space<vmem>>
        %dma_start3A_679 = tpu.memref_slice %arg6[%add3A_673, %mul3A_36] : memref<64x128xi32, #tpu.memory_space<vmem>> -> memref<1x64xi32, #tpu.memory_space<vmem>>
        %dma_start3A_680 = tpu.memref_squeeze %dma_start3A_679 : memref<1x64xi32, #tpu.memory_space<vmem>> -> memref<64xi32, #tpu.memory_space<vmem>>
        %dma_start3A_681 = arith.constant 0 : i32
        %dma_start3A_682 = arith.constant 0 : i32
        %dma_start3A_683 = tpu.memref_slice %arg3[%dma_start3A_681, %dma_start3A_682] : memref<100000x128xf32, #tpu.memory_space<hbm>> -> memref<100000x128xf32, #tpu.memory_space<hbm>>
        tpu.enqueue_indirect_dma source(%dma_start3A_683 : memref<100000x128xf32, #tpu.memory_space<hbm>>) target(%dma_start3A_678 : memref<64x128xf32, #tpu.memory_space<vmem>>) offsets(%dma_start3A_680 : memref<64xi32, #tpu.memory_space<vmem>>) semaphore(%arg12 : memref<!tpu.dma_semaphore, #tpu.memory_space<semaphore_mem>>)
      } else {
      }
      %dma_start3A_558 = arith.constant 3 : i32
      %dma_start3A_559 = arith.constant 0 : i32
      %dma_start3A_560 = arith.constant 0 : i32
      %dma_start3A_561 = tpu.memref_slice %arg8[%dma_start3A_558, %dma_start3A_559, %dma_start3A_560] : memref<6x64x128xf32, #tpu.memory_space<vmem>> -> memref<1x64x128xf32, #tpu.memory_space<vmem>>
      %dma_start3A_562 = tpu.memref_squeeze %dma_start3A_561 : memref<1x64x128xf32, #tpu.memory_space<vmem>> -> memref<64x128xf32, #tpu.memory_space<vmem>>
      %dma_start3A_563 = arith.constant 0 : i32
      %dma_start3A_564 = tpu.memref_slice %arg5[%add3A_497, %mul3A_2, %dma_start3A_563] : memref<64x2048x128xf32, #tpu.memory_space<hbm>> -> memref<1x64x128xf32, #tpu.memory_space<hbm>>
      %dma_start3A_565 = tpu.memref_squeeze %dma_start3A_564 : memref<1x64x128xf32, #tpu.memory_space<hbm>> -> memref<64x128xf32, #tpu.memory_space<hbm>>
      %dma_start3A_566 = arith.constant 0 : i32
      %dma_start3A_567 = tpu.memref_slice %arg5[%add3A_497, %mul3A_2, %dma_start3A_566] : memref<64x2048x128xf32, #tpu.memory_space<hbm>> -> memref<1x64x128xf32, #tpu.memory_space<hbm>>
      %dma_start3A_568 = tpu.memref_squeeze %dma_start3A_567 : memref<1x64x128xf32, #tpu.memory_space<hbm>> -> memref<64x128xf32, #tpu.memory_space<hbm>>
      %dma_start3A_569 = arith.constant 0 : i32
      %dma_start3A_570 = arith.constant 0 : i32
      %dma_start3A_571 = tpu.memref_slice %arg8[%dma_start3A_558, %dma_start3A_569, %dma_start3A_570] : memref<6x64x128xf32, #tpu.memory_space<vmem>> -> memref<1x64x128xf32, #tpu.memory_space<vmem>>
      %dma_start3A_572 = tpu.memref_squeeze %dma_start3A_571 : memref<1x64x128xf32, #tpu.memory_space<vmem>> -> memref<64x128xf32, #tpu.memory_space<vmem>>
      tpu.enqueue_dma source(%dma_start3A_572 : memref<64x128xf32, #tpu.memory_space<vmem>>) target(%dma_start3A_568 : memref<64x128xf32, #tpu.memory_space<hbm>>) target_semaphore(%arg19 : memref<!tpu.dma_semaphore, #tpu.memory_space<semaphore_mem>>)
      %add3A_573 = arith.constant 6 : i32
      %add3A_574 = arith.addi %add3A_497, %add3A_573 : i32
      %lt3A_575 = arith.constant 64 : i32
      %lt3A_576 = arith.cmpi slt, %add3A_574, %lt3A_575 : i32
      %convert_element_type3A_577 = arith.extui %lt3A_576 : i1 to i32
      %cond3A_578 = arith.constant 0 : i32
      %cond3A_579 = arith.cmpi ne, %convert_element_type3A_577, %cond3A_578 : i32
      scf.if %cond3A_579 {
        %add3A_672 = arith.constant 6 : i32
        %add3A_673 = arith.addi %add3A_497, %add3A_672 : i32
        %dma_start3A_674 = arith.constant 3 : i32
        %dma_start3A_675 = arith.constant 0 : i32
        %dma_start3A_676 = arith.constant 0 : i32
        %dma_start3A_677 = tpu.memref_slice %arg7[%dma_start3A_674, %dma_start3A_675, %dma_start3A_676] : memref<6x64x128xf32, #tpu.memory_space<vmem>> -> memref<1x64x128xf32, #tpu.memory_space<vmem>>
        %dma_start3A_678 = tpu.memref_squeeze %dma_start3A_677 : memref<1x64x128xf32, #tpu.memory_space<vmem>> -> memref<64x128xf32, #tpu.memory_space<vmem>>
        %dma_start3A_679 = tpu.memref_slice %arg6[%add3A_673, %mul3A_36] : memref<64x128xi32, #tpu.memory_space<vmem>> -> memref<1x64xi32, #tpu.memory_space<vmem>>
        %dma_start3A_680 = tpu.memref_squeeze %dma_start3A_679 : memref<1x64xi32, #tpu.memory_space<vmem>> -> memref<64xi32, #tpu.memory_space<vmem>>
        %dma_start3A_681 = arith.constant 0 : i32
        %dma_start3A_682 = arith.constant 0 : i32
        %dma_start3A_683 = tpu.memref_slice %arg3[%dma_start3A_681, %dma_start3A_682] : memref<100000x128xf32, #tpu.memory_space<hbm>> -> memref<100000x128xf32, #tpu.memory_space<hbm>>
        tpu.enqueue_indirect_dma source(%dma_start3A_683 : memref<100000x128xf32, #tpu.memory_space<hbm>>) target(%dma_start3A_678 : memref<64x128xf32, #tpu.memory_space<vmem>>) offsets(%dma_start3A_680 : memref<64xi32, #tpu.memory_space<vmem>>) semaphore(%arg13 : memref<!tpu.dma_semaphore, #tpu.memory_space<semaphore_mem>>)
      } else {
      }
      %mul3A_580 = arith.constant 6 : i32
      %mul3A_581 = arith.muli %scan3A_398, %mul3A_580 : i32
      %add3A_582 = arith.constant 4 : i32
      %add3A_583 = arith.addi %mul3A_581, %add3A_582 : i32
      %mul3A_584 = arith.constant 6 : i32
      %mul3A_585 = arith.muli %scan3A_398, %mul3A_584 : i32
      %add3A_586 = arith.constant 4 : i32
      %add3A_587 = arith.addi %mul3A_585, %add3A_586 : i32
      %add3A_588 = arith.constant 1 : i32
      %add3A_589 = arith.addi %add3A_587, %add3A_588 : i32
      %dma_wait3A_590 = arith.constant 4 : i32
      %dma_wait3A_591 = arith.constant 4 : i32
      %dma_wait3A_592 = arith.constant 0 : i32
      %dma_wait3A_593 = arith.constant 0 : i32
      %dma_wait3A_594 = tpu.memref_slice %arg7[%dma_wait3A_591, %dma_wait3A_592, %dma_wait3A_593] : memref<6x64x128xf32, #tpu.memory_space<vmem>> -> memref<1x64x128xf32, #tpu.memory_space<vmem>>
      %dma_wait3A_595 = tpu.memref_squeeze %dma_wait3A_594 : memref<1x64x128xf32, #tpu.memory_space<vmem>> -> memref<64x128xf32, #tpu.memory_space<vmem>>
      %dma_wait3A_596 = tpu.memref_slice %arg6[%dma_wait3A_590, %mul3A_36] : memref<64x128xi32, #tpu.memory_space<vmem>> -> memref<1x64xi32, #tpu.memory_space<vmem>>
      %dma_wait3A_597 = tpu.memref_squeeze %dma_wait3A_596 : memref<1x64xi32, #tpu.memory_space<vmem>> -> memref<64xi32, #tpu.memory_space<vmem>>
      %dma_wait3A_598 = arith.constant 0 : i32
      %dma_wait3A_599 = arith.constant 0 : i32
      %dma_wait3A_600 = tpu.memref_slice %arg3[%dma_wait3A_598, %dma_wait3A_599] : memref<100000x128xf32, #tpu.memory_space<hbm>> -> memref<100000x128xf32, #tpu.memory_space<hbm>>
      tpu.wait_indirect_dma semaphore(%arg14 : memref<!tpu.dma_semaphore, #tpu.memory_space<semaphore_mem>>) src(%dma_wait3A_600 : memref<100000x128xf32, #tpu.memory_space<hbm>>) dst(%dma_wait3A_595 : memref<64x128xf32, #tpu.memory_space<vmem>>)
      %gt3A_601 = arith.constant 0 : i32
      %gt3A_602 = arith.cmpi sgt, %scan3A_398, %gt3A_601 : i32
      %convert_element_type3A_603 = arith.extui %gt3A_602 : i1 to i32
      %cond3A_604 = arith.constant 0 : i32
      %cond3A_605 = arith.cmpi ne, %convert_element_type3A_603, %cond3A_604 : i32
      scf.if %cond3A_605 {
        %sub3A_672 = arith.constant 6 : i32
        %sub3A_673 = arith.subi %add3A_583, %sub3A_672 : i32
        %dma_wait3A_674 = arith.constant 4 : i32
        %dma_wait3A_675 = arith.constant 0 : i32
        %dma_wait3A_676 = arith.constant 0 : i32
        %dma_wait3A_677 = tpu.memref_slice %arg8[%dma_wait3A_674, %dma_wait3A_675, %dma_wait3A_676] : memref<6x64x128xf32, #tpu.memory_space<vmem>> -> memref<1x64x128xf32, #tpu.memory_space<vmem>>
        %dma_wait3A_678 = tpu.memref_squeeze %dma_wait3A_677 : memref<1x64x128xf32, #tpu.memory_space<vmem>> -> memref<64x128xf32, #tpu.memory_space<vmem>>
        %dma_wait3A_679 = arith.constant 0 : i32
        %dma_wait3A_680 = tpu.memref_slice %arg5[%sub3A_673, %mul3A_2, %dma_wait3A_679] : memref<64x2048x128xf32, #tpu.memory_space<hbm>> -> memref<1x64x128xf32, #tpu.memory_space<hbm>>
        %dma_wait3A_681 = tpu.memref_squeeze %dma_wait3A_680 : memref<1x64x128xf32, #tpu.memory_space<hbm>> -> memref<64x128xf32, #tpu.memory_space<hbm>>
        %dma_wait3A_682 = arith.constant 0 : i32
        %dma_wait3A_683 = tpu.memref_slice %arg5[%sub3A_673, %mul3A_2, %dma_wait3A_682] : memref<64x2048x128xf32, #tpu.memory_space<hbm>> -> memref<1x64x128xf32, #tpu.memory_space<hbm>>
        %dma_wait3A_684 = tpu.memref_squeeze %dma_wait3A_683 : memref<1x64x128xf32, #tpu.memory_space<hbm>> -> memref<64x128xf32, #tpu.memory_space<hbm>>
        %dma_wait3A_685 = arith.constant 0 : i32
        %dma_wait3A_686 = arith.constant 0 : i32
        %dma_wait3A_687 = tpu.memref_slice %arg8[%dma_wait3A_674, %dma_wait3A_685, %dma_wait3A_686] : memref<6x64x128xf32, #tpu.memory_space<vmem>> -> memref<1x64x128xf32, #tpu.memory_space<vmem>>
        %dma_wait3A_688 = tpu.memref_squeeze %dma_wait3A_687 : memref<1x64x128xf32, #tpu.memory_space<vmem>> -> memref<64x128xf32, #tpu.memory_space<vmem>>
        tpu.wait_dma2 semaphore(%arg20 : memref<!tpu.dma_semaphore, #tpu.memory_space<semaphore_mem>>) src(%dma_wait3A_688 : memref<64x128xf32, #tpu.memory_space<vmem>>) dst(%dma_wait3A_684 : memref<64x128xf32, #tpu.memory_space<hbm>>)
      } else {
      }
      %dma_wait3A_606 = arith.constant 5 : i32
      %dma_wait3A_607 = arith.constant 5 : i32
      %dma_wait3A_608 = arith.constant 0 : i32
      %dma_wait3A_609 = arith.constant 0 : i32
      %dma_wait3A_610 = tpu.memref_slice %arg7[%dma_wait3A_607, %dma_wait3A_608, %dma_wait3A_609] : memref<6x64x128xf32, #tpu.memory_space<vmem>> -> memref<1x64x128xf32, #tpu.memory_space<vmem>>
      %dma_wait3A_611 = tpu.memref_squeeze %dma_wait3A_610 : memref<1x64x128xf32, #tpu.memory_space<vmem>> -> memref<64x128xf32, #tpu.memory_space<vmem>>
      %dma_wait3A_612 = tpu.memref_slice %arg6[%dma_wait3A_606, %mul3A_36] : memref<64x128xi32, #tpu.memory_space<vmem>> -> memref<1x64xi32, #tpu.memory_space<vmem>>
      %dma_wait3A_613 = tpu.memref_squeeze %dma_wait3A_612 : memref<1x64xi32, #tpu.memory_space<vmem>> -> memref<64xi32, #tpu.memory_space<vmem>>
      %dma_wait3A_614 = arith.constant 0 : i32
      %dma_wait3A_615 = arith.constant 0 : i32
      %dma_wait3A_616 = tpu.memref_slice %arg3[%dma_wait3A_614, %dma_wait3A_615] : memref<100000x128xf32, #tpu.memory_space<hbm>> -> memref<100000x128xf32, #tpu.memory_space<hbm>>
      tpu.wait_indirect_dma semaphore(%arg15 : memref<!tpu.dma_semaphore, #tpu.memory_space<semaphore_mem>>) src(%dma_wait3A_616 : memref<100000x128xf32, #tpu.memory_space<hbm>>) dst(%dma_wait3A_611 : memref<64x128xf32, #tpu.memory_space<vmem>>)
      %gt3A_617 = arith.constant 0 : i32
      %gt3A_618 = arith.cmpi sgt, %scan3A_398, %gt3A_617 : i32
      %convert_element_type3A_619 = arith.extui %gt3A_618 : i1 to i32
      %cond3A_620 = arith.constant 0 : i32
      %cond3A_621 = arith.cmpi ne, %convert_element_type3A_619, %cond3A_620 : i32
      scf.if %cond3A_621 {
        %sub3A_672 = arith.constant 6 : i32
        %sub3A_673 = arith.subi %add3A_589, %sub3A_672 : i32
        %dma_wait3A_674 = arith.constant 5 : i32
        %dma_wait3A_675 = arith.constant 0 : i32
        %dma_wait3A_676 = arith.constant 0 : i32
        %dma_wait3A_677 = tpu.memref_slice %arg8[%dma_wait3A_674, %dma_wait3A_675, %dma_wait3A_676] : memref<6x64x128xf32, #tpu.memory_space<vmem>> -> memref<1x64x128xf32, #tpu.memory_space<vmem>>
        %dma_wait3A_678 = tpu.memref_squeeze %dma_wait3A_677 : memref<1x64x128xf32, #tpu.memory_space<vmem>> -> memref<64x128xf32, #tpu.memory_space<vmem>>
        %dma_wait3A_679 = arith.constant 0 : i32
        %dma_wait3A_680 = tpu.memref_slice %arg5[%sub3A_673, %mul3A_2, %dma_wait3A_679] : memref<64x2048x128xf32, #tpu.memory_space<hbm>> -> memref<1x64x128xf32, #tpu.memory_space<hbm>>
        %dma_wait3A_681 = tpu.memref_squeeze %dma_wait3A_680 : memref<1x64x128xf32, #tpu.memory_space<hbm>> -> memref<64x128xf32, #tpu.memory_space<hbm>>
        %dma_wait3A_682 = arith.constant 0 : i32
        %dma_wait3A_683 = tpu.memref_slice %arg5[%sub3A_673, %mul3A_2, %dma_wait3A_682] : memref<64x2048x128xf32, #tpu.memory_space<hbm>> -> memref<1x64x128xf32, #tpu.memory_space<hbm>>
        %dma_wait3A_684 = tpu.memref_squeeze %dma_wait3A_683 : memref<1x64x128xf32, #tpu.memory_space<hbm>> -> memref<64x128xf32, #tpu.memory_space<hbm>>
        %dma_wait3A_685 = arith.constant 0 : i32
        %dma_wait3A_686 = arith.constant 0 : i32
        %dma_wait3A_687 = tpu.memref_slice %arg8[%dma_wait3A_674, %dma_wait3A_685, %dma_wait3A_686] : memref<6x64x128xf32, #tpu.memory_space<vmem>> -> memref<1x64x128xf32, #tpu.memory_space<vmem>>
        %dma_wait3A_688 = tpu.memref_squeeze %dma_wait3A_687 : memref<1x64x128xf32, #tpu.memory_space<vmem>> -> memref<64x128xf32, #tpu.memory_space<vmem>>
        tpu.wait_dma2 semaphore(%arg21 : memref<!tpu.dma_semaphore, #tpu.memory_space<semaphore_mem>>) src(%dma_wait3A_688 : memref<64x128xf32, #tpu.memory_space<vmem>>) dst(%dma_wait3A_684 : memref<64x128xf32, #tpu.memory_space<hbm>>)
      } else {
      }
      %scan3A_622 = arith.constant 0 : i32
      %scan3A_623 = arith.constant 0 : i32
      %scan3A_624 = arith.constant 64 : i32
      %scan3A_625 = arith.addi %scan3A_623, %scan3A_624 : i32
      %scan3A_626 = arith.constant 1 : i32
      scf.for %scan3A_672 = %scan3A_623 to %scan3A_625 step %scan3A_626  : i32 {
        %get3A = arith.index_cast %scan3A_672 : i32 to index
        %get3A_673 = arith.constant 0 : index
        %get3A_674 = tpu.vector_load %arg9[%get3A, %get3A_673] {strides = array<i32>} : memref<64x128xf32, #tpu.memory_space<vmem>>, vector<1x16xf32>,
        %get3A_675 = vector.shape_cast %get3A_674 : vector<1x16xf32> to vector<16xf32>
        %get3A_676 = arith.index_cast %scan3A_672 : i32 to index
        %get3A_677 = arith.constant 16 : index
        %get3A_678 = tpu.vector_load %arg9[%get3A_676, %get3A_677] {strides = array<i32>} : memref<64x128xf32, #tpu.memory_space<vmem>>, vector<1x16xf32>,
        %get3A_679 = vector.shape_cast %get3A_678 : vector<1x16xf32> to vector<16xf32>
        %get3A_680 = arith.index_cast %scan3A_672 : i32 to index
        %get3A_681 = arith.constant 32 : index
        %get3A_682 = tpu.vector_load %arg9[%get3A_680, %get3A_681] {strides = array<i32>} : memref<64x128xf32, #tpu.memory_space<vmem>>, vector<1x16xf32>,
        %get3A_683 = vector.shape_cast %get3A_682 : vector<1x16xf32> to vector<16xf32>
        %get3A_684 = arith.index_cast %scan3A_672 : i32 to index
        %get3A_685 = arith.constant 48 : index
        %get3A_686 = tpu.vector_load %arg9[%get3A_684, %get3A_685] {strides = array<i32>} : memref<64x128xf32, #tpu.memory_space<vmem>>, vector<1x16xf32>,
        %get3A_687 = vector.shape_cast %get3A_686 : vector<1x16xf32> to vector<16xf32>
        %get3A_688 = arith.index_cast %scan3A_672 : i32 to index
        %get3A_689 = arith.constant 64 : index
        %get3A_690 = tpu.vector_load %arg9[%get3A_688, %get3A_689] {strides = array<i32>} : memref<64x128xf32, #tpu.memory_space<vmem>>, vector<1x16xf32>,
        %get3A_691 = vector.shape_cast %get3A_690 : vector<1x16xf32> to vector<16xf32>
        %get3A_692 = arith.index_cast %scan3A_672 : i32 to index
        %get3A_693 = arith.constant 80 : index
        %get3A_694 = tpu.vector_load %arg9[%get3A_692, %get3A_693] {strides = array<i32>} : memref<64x128xf32, #tpu.memory_space<vmem>>, vector<1x16xf32>,
        %get3A_695 = vector.shape_cast %get3A_694 : vector<1x16xf32> to vector<16xf32>
        %get3A_696 = arith.index_cast %scan3A_672 : i32 to index
        %get3A_697 = arith.constant 96 : index
        %get3A_698 = tpu.vector_load %arg9[%get3A_696, %get3A_697] {strides = array<i32>} : memref<64x128xf32, #tpu.memory_space<vmem>>, vector<1x16xf32>,
        %get3A_699 = vector.shape_cast %get3A_698 : vector<1x16xf32> to vector<16xf32>
        %get3A_700 = arith.index_cast %scan3A_672 : i32 to index
        %get3A_701 = arith.constant 112 : index
        %get3A_702 = tpu.vector_load %arg9[%get3A_700, %get3A_701] {strides = array<i32>} : memref<64x128xf32, #tpu.memory_space<vmem>>, vector<1x16xf32>,
        %get3A_703 = vector.shape_cast %get3A_702 : vector<1x16xf32> to vector<16xf32>
        %get3A_704 = arith.constant 4 : i32
        %get3A_705 = arith.index_cast %get3A_704 : i32 to index
        %get3A_706 = arith.index_cast %scan3A_672 : i32 to index
        %get3A_707 = arith.constant 0 : index
        %get3A_708 = tpu.vector_load %arg7[%get3A_705, %get3A_706, %get3A_707] {strides = array<i32>} : memref<6x64x128xf32, #tpu.memory_space<vmem>>, vector<1x1x16xf32>,
        %get3A_709 = vector.shape_cast %get3A_708 : vector<1x1x16xf32> to vector<16xf32>
        %mul3A_710 = arith.constant 11.3137083 : f32
        %mul3A_711 = vector.broadcast %mul3A_710 : f32 to vector<16xf32>
        %mul3A_712 = arith.mulf %get3A_709, %mul3A_711 : vector<16xf32>
        %add3A_713 = arith.addf %mul3A_712, %get3A_675 : vector<16xf32>
        %swap3A = arith.constant 4 : i32
        %swap3A_714 = arith.index_cast %swap3A : i32 to index
        %swap3A_715 = arith.index_cast %scan3A_672 : i32 to index
        %swap3A_716 = arith.constant 0 : index
        %swap3A_717 = tpu.vector_load %arg8[%swap3A_714, %swap3A_715, %swap3A_716] {strides = array<i32>} : memref<6x64x128xf32, #tpu.memory_space<vmem>>, vector<1x1x16xf32>,
        %swap3A_718 = vector.shape_cast %swap3A_717 : vector<1x1x16xf32> to vector<16xf32>
        %swap3A_719 = vector.shape_cast %add3A_713 : vector<16xf32> to vector<1x1x16xf32>
        tpu.vector_store %arg8[%swap3A_714, %swap3A_715, %swap3A_716], %swap3A_719 {strides = array<i32>} : memref<6x64x128xf32, #tpu.memory_space<vmem>>, vector<1x1x16xf32>,
        %get3A_720 = arith.constant 4 : i32
        %get3A_721 = arith.index_cast %get3A_720 : i32 to index
        %get3A_722 = arith.index_cast %scan3A_672 : i32 to index
        %get3A_723 = arith.constant 16 : index
        %get3A_724 = tpu.vector_load %arg7[%get3A_721, %get3A_722, %get3A_723] {strides = array<i32>} : memref<6x64x128xf32, #tpu.memory_space<vmem>>, vector<1x1x16xf32>,
        %get3A_725 = vector.shape_cast %get3A_724 : vector<1x1x16xf32> to vector<16xf32>
        %mul3A_726 = arith.constant 11.3137083 : f32
        %mul3A_727 = vector.broadcast %mul3A_726 : f32 to vector<16xf32>
        %mul3A_728 = arith.mulf %get3A_725, %mul3A_727 : vector<16xf32>
        %add3A_729 = arith.addf %mul3A_728, %get3A_679 : vector<16xf32>
        %swap3A_730 = arith.constant 4 : i32
        %swap3A_731 = arith.index_cast %swap3A_730 : i32 to index
        %swap3A_732 = arith.index_cast %scan3A_672 : i32 to index
        %swap3A_733 = arith.constant 16 : index
        %swap3A_734 = tpu.vector_load %arg8[%swap3A_731, %swap3A_732, %swap3A_733] {strides = array<i32>} : memref<6x64x128xf32, #tpu.memory_space<vmem>>, vector<1x1x16xf32>,
        %swap3A_735 = vector.shape_cast %swap3A_734 : vector<1x1x16xf32> to vector<16xf32>
        %swap3A_736 = vector.shape_cast %add3A_729 : vector<16xf32> to vector<1x1x16xf32>
        tpu.vector_store %arg8[%swap3A_731, %swap3A_732, %swap3A_733], %swap3A_736 {strides = array<i32>} : memref<6x64x128xf32, #tpu.memory_space<vmem>>, vector<1x1x16xf32>,
        %get3A_737 = arith.constant 4 : i32
        %get3A_738 = arith.index_cast %get3A_737 : i32 to index
        %get3A_739 = arith.index_cast %scan3A_672 : i32 to index
        %get3A_740 = arith.constant 32 : index
        %get3A_741 = tpu.vector_load %arg7[%get3A_738, %get3A_739, %get3A_740] {strides = array<i32>} : memref<6x64x128xf32, #tpu.memory_space<vmem>>, vector<1x1x16xf32>,
        %get3A_742 = vector.shape_cast %get3A_741 : vector<1x1x16xf32> to vector<16xf32>
        %mul3A_743 = arith.constant 11.3137083 : f32
        %mul3A_744 = vector.broadcast %mul3A_743 : f32 to vector<16xf32>
        %mul3A_745 = arith.mulf %get3A_742, %mul3A_744 : vector<16xf32>
        %add3A_746 = arith.addf %mul3A_745, %get3A_683 : vector<16xf32>
        %swap3A_747 = arith.constant 4 : i32
        %swap3A_748 = arith.index_cast %swap3A_747 : i32 to index
        %swap3A_749 = arith.index_cast %scan3A_672 : i32 to index
        %swap3A_750 = arith.constant 32 : index
        %swap3A_751 = tpu.vector_load %arg8[%swap3A_748, %swap3A_749, %swap3A_750] {strides = array<i32>} : memref<6x64x128xf32, #tpu.memory_space<vmem>>, vector<1x1x16xf32>,
        %swap3A_752 = vector.shape_cast %swap3A_751 : vector<1x1x16xf32> to vector<16xf32>
        %swap3A_753 = vector.shape_cast %add3A_746 : vector<16xf32> to vector<1x1x16xf32>
        tpu.vector_store %arg8[%swap3A_748, %swap3A_749, %swap3A_750], %swap3A_753 {strides = array<i32>} : memref<6x64x128xf32, #tpu.memory_space<vmem>>, vector<1x1x16xf32>,
        %get3A_754 = arith.constant 4 : i32
        %get3A_755 = arith.index_cast %get3A_754 : i32 to index
        %get3A_756 = arith.index_cast %scan3A_672 : i32 to index
        %get3A_757 = arith.constant 48 : index
        %get3A_758 = tpu.vector_load %arg7[%get3A_755, %get3A_756, %get3A_757] {strides = array<i32>} : memref<6x64x128xf32, #tpu.memory_space<vmem>>, vector<1x1x16xf32>,
        %get3A_759 = vector.shape_cast %get3A_758 : vector<1x1x16xf32> to vector<16xf32>
        %mul3A_760 = arith.constant 11.3137083 : f32
        %mul3A_761 = vector.broadcast %mul3A_760 : f32 to vector<16xf32>
        %mul3A_762 = arith.mulf %get3A_759, %mul3A_761 : vector<16xf32>
        %add3A_763 = arith.addf %mul3A_762, %get3A_687 : vector<16xf32>
        %swap3A_764 = arith.constant 4 : i32
        %swap3A_765 = arith.index_cast %swap3A_764 : i32 to index
        %swap3A_766 = arith.index_cast %scan3A_672 : i32 to index
        %swap3A_767 = arith.constant 48 : index
        %swap3A_768 = tpu.vector_load %arg8[%swap3A_765, %swap3A_766, %swap3A_767] {strides = array<i32>} : memref<6x64x128xf32, #tpu.memory_space<vmem>>, vector<1x1x16xf32>,
        %swap3A_769 = vector.shape_cast %swap3A_768 : vector<1x1x16xf32> to vector<16xf32>
        %swap3A_770 = vector.shape_cast %add3A_763 : vector<16xf32> to vector<1x1x16xf32>
        tpu.vector_store %arg8[%swap3A_765, %swap3A_766, %swap3A_767], %swap3A_770 {strides = array<i32>} : memref<6x64x128xf32, #tpu.memory_space<vmem>>, vector<1x1x16xf32>,
        %get3A_771 = arith.constant 4 : i32
        %get3A_772 = arith.index_cast %get3A_771 : i32 to index
        %get3A_773 = arith.index_cast %scan3A_672 : i32 to index
        %get3A_774 = arith.constant 64 : index
        %get3A_775 = tpu.vector_load %arg7[%get3A_772, %get3A_773, %get3A_774] {strides = array<i32>} : memref<6x64x128xf32, #tpu.memory_space<vmem>>, vector<1x1x16xf32>,
        %get3A_776 = vector.shape_cast %get3A_775 : vector<1x1x16xf32> to vector<16xf32>
        %mul3A_777 = arith.constant 11.3137083 : f32
        %mul3A_778 = vector.broadcast %mul3A_777 : f32 to vector<16xf32>
        %mul3A_779 = arith.mulf %get3A_776, %mul3A_778 : vector<16xf32>
        %add3A_780 = arith.addf %mul3A_779, %get3A_691 : vector<16xf32>
        %swap3A_781 = arith.constant 4 : i32
        %swap3A_782 = arith.index_cast %swap3A_781 : i32 to index
        %swap3A_783 = arith.index_cast %scan3A_672 : i32 to index
        %swap3A_784 = arith.constant 64 : index
        %swap3A_785 = tpu.vector_load %arg8[%swap3A_782, %swap3A_783, %swap3A_784] {strides = array<i32>} : memref<6x64x128xf32, #tpu.memory_space<vmem>>, vector<1x1x16xf32>,
        %swap3A_786 = vector.shape_cast %swap3A_785 : vector<1x1x16xf32> to vector<16xf32>
        %swap3A_787 = vector.shape_cast %add3A_780 : vector<16xf32> to vector<1x1x16xf32>
        tpu.vector_store %arg8[%swap3A_782, %swap3A_783, %swap3A_784], %swap3A_787 {strides = array<i32>} : memref<6x64x128xf32, #tpu.memory_space<vmem>>, vector<1x1x16xf32>,
        %get3A_788 = arith.constant 4 : i32
        %get3A_789 = arith.index_cast %get3A_788 : i32 to index
        %get3A_790 = arith.index_cast %scan3A_672 : i32 to index
        %get3A_791 = arith.constant 80 : index
        %get3A_792 = tpu.vector_load %arg7[%get3A_789, %get3A_790, %get3A_791] {strides = array<i32>} : memref<6x64x128xf32, #tpu.memory_space<vmem>>, vector<1x1x16xf32>,
        %get3A_793 = vector.shape_cast %get3A_792 : vector<1x1x16xf32> to vector<16xf32>
        %mul3A_794 = arith.constant 11.3137083 : f32
        %mul3A_795 = vector.broadcast %mul3A_794 : f32 to vector<16xf32>
        %mul3A_796 = arith.mulf %get3A_793, %mul3A_795 : vector<16xf32>
        %add3A_797 = arith.addf %mul3A_796, %get3A_695 : vector<16xf32>
        %swap3A_798 = arith.constant 4 : i32
        %swap3A_799 = arith.index_cast %swap3A_798 : i32 to index
        %swap3A_800 = arith.index_cast %scan3A_672 : i32 to index
        %swap3A_801 = arith.constant 80 : index
        %swap3A_802 = tpu.vector_load %arg8[%swap3A_799, %swap3A_800, %swap3A_801] {strides = array<i32>} : memref<6x64x128xf32, #tpu.memory_space<vmem>>, vector<1x1x16xf32>,
        %swap3A_803 = vector.shape_cast %swap3A_802 : vector<1x1x16xf32> to vector<16xf32>
        %swap3A_804 = vector.shape_cast %add3A_797 : vector<16xf32> to vector<1x1x16xf32>
        tpu.vector_store %arg8[%swap3A_799, %swap3A_800, %swap3A_801], %swap3A_804 {strides = array<i32>} : memref<6x64x128xf32, #tpu.memory_space<vmem>>, vector<1x1x16xf32>,
        %get3A_805 = arith.constant 4 : i32
        %get3A_806 = arith.index_cast %get3A_805 : i32 to index
        %get3A_807 = arith.index_cast %scan3A_672 : i32 to index
        %get3A_808 = arith.constant 96 : index
        %get3A_809 = tpu.vector_load %arg7[%get3A_806, %get3A_807, %get3A_808] {strides = array<i32>} : memref<6x64x128xf32, #tpu.memory_space<vmem>>, vector<1x1x16xf32>,
        %get3A_810 = vector.shape_cast %get3A_809 : vector<1x1x16xf32> to vector<16xf32>
        %mul3A_811 = arith.constant 11.3137083 : f32
        %mul3A_812 = vector.broadcast %mul3A_811 : f32 to vector<16xf32>
        %mul3A_813 = arith.mulf %get3A_810, %mul3A_812 : vector<16xf32>
        %add3A_814 = arith.addf %mul3A_813, %get3A_699 : vector<16xf32>
        %swap3A_815 = arith.constant 4 : i32
        %swap3A_816 = arith.index_cast %swap3A_815 : i32 to index
        %swap3A_817 = arith.index_cast %scan3A_672 : i32 to index
        %swap3A_818 = arith.constant 96 : index
        %swap3A_819 = tpu.vector_load %arg8[%swap3A_816, %swap3A_817, %swap3A_818] {strides = array<i32>} : memref<6x64x128xf32, #tpu.memory_space<vmem>>, vector<1x1x16xf32>,
        %swap3A_820 = vector.shape_cast %swap3A_819 : vector<1x1x16xf32> to vector<16xf32>
        %swap3A_821 = vector.shape_cast %add3A_814 : vector<16xf32> to vector<1x1x16xf32>
        tpu.vector_store %arg8[%swap3A_816, %swap3A_817, %swap3A_818], %swap3A_821 {strides = array<i32>} : memref<6x64x128xf32, #tpu.memory_space<vmem>>, vector<1x1x16xf32>,
        %get3A_822 = arith.constant 4 : i32
        %get3A_823 = arith.index_cast %get3A_822 : i32 to index
        %get3A_824 = arith.index_cast %scan3A_672 : i32 to index
        %get3A_825 = arith.constant 112 : index
        %get3A_826 = tpu.vector_load %arg7[%get3A_823, %get3A_824, %get3A_825] {strides = array<i32>} : memref<6x64x128xf32, #tpu.memory_space<vmem>>, vector<1x1x16xf32>,
        %get3A_827 = vector.shape_cast %get3A_826 : vector<1x1x16xf32> to vector<16xf32>
        %mul3A_828 = arith.constant 11.3137083 : f32
        %mul3A_829 = vector.broadcast %mul3A_828 : f32 to vector<16xf32>
        %mul3A_830 = arith.mulf %get3A_827, %mul3A_829 : vector<16xf32>
        %add3A_831 = arith.addf %mul3A_830, %get3A_703 : vector<16xf32>
        %swap3A_832 = arith.constant 4 : i32
        %swap3A_833 = arith.index_cast %swap3A_832 : i32 to index
        %swap3A_834 = arith.index_cast %scan3A_672 : i32 to index
        %swap3A_835 = arith.constant 112 : index
        %swap3A_836 = tpu.vector_load %arg8[%swap3A_833, %swap3A_834, %swap3A_835] {strides = array<i32>} : memref<6x64x128xf32, #tpu.memory_space<vmem>>, vector<1x1x16xf32>,
        %swap3A_837 = vector.shape_cast %swap3A_836 : vector<1x1x16xf32> to vector<16xf32>
        %swap3A_838 = vector.shape_cast %add3A_831 : vector<16xf32> to vector<1x1x16xf32>
        tpu.vector_store %arg8[%swap3A_833, %swap3A_834, %swap3A_835], %swap3A_838 {strides = array<i32>} : memref<6x64x128xf32, #tpu.memory_space<vmem>>, vector<1x1x16xf32>,
        %get3A_839 = arith.constant 5 : i32
        %get3A_840 = arith.index_cast %get3A_839 : i32 to index
        %get3A_841 = arith.index_cast %scan3A_672 : i32 to index
        %get3A_842 = arith.constant 0 : index
        %get3A_843 = tpu.vector_load %arg7[%get3A_840, %get3A_841, %get3A_842] {strides = array<i32>} : memref<6x64x128xf32, #tpu.memory_space<vmem>>, vector<1x1x16xf32>,
        %get3A_844 = vector.shape_cast %get3A_843 : vector<1x1x16xf32> to vector<16xf32>
        %mul3A_845 = arith.constant 11.3137083 : f32
        %mul3A_846 = vector.broadcast %mul3A_845 : f32 to vector<16xf32>
        %mul3A_847 = arith.mulf %get3A_844, %mul3A_846 : vector<16xf32>
        %add3A_848 = arith.addf %mul3A_847, %get3A_675 : vector<16xf32>
        %swap3A_849 = arith.constant 5 : i32
        %swap3A_850 = arith.index_cast %swap3A_849 : i32 to index
        %swap3A_851 = arith.index_cast %scan3A_672 : i32 to index
        %swap3A_852 = arith.constant 0 : index
        %swap3A_853 = tpu.vector_load %arg8[%swap3A_850, %swap3A_851, %swap3A_852] {strides = array<i32>} : memref<6x64x128xf32, #tpu.memory_space<vmem>>, vector<1x1x16xf32>,
        %swap3A_854 = vector.shape_cast %swap3A_853 : vector<1x1x16xf32> to vector<16xf32>
        %swap3A_855 = vector.shape_cast %add3A_848 : vector<16xf32> to vector<1x1x16xf32>
        tpu.vector_store %arg8[%swap3A_850, %swap3A_851, %swap3A_852], %swap3A_855 {strides = array<i32>} : memref<6x64x128xf32, #tpu.memory_space<vmem>>, vector<1x1x16xf32>,
        %get3A_856 = arith.constant 5 : i32
        %get3A_857 = arith.index_cast %get3A_856 : i32 to index
        %get3A_858 = arith.index_cast %scan3A_672 : i32 to index
        %get3A_859 = arith.constant 16 : index
        %get3A_860 = tpu.vector_load %arg7[%get3A_857, %get3A_858, %get3A_859] {strides = array<i32>} : memref<6x64x128xf32, #tpu.memory_space<vmem>>, vector<1x1x16xf32>,
        %get3A_861 = vector.shape_cast %get3A_860 : vector<1x1x16xf32> to vector<16xf32>
        %mul3A_862 = arith.constant 11.3137083 : f32
        %mul3A_863 = vector.broadcast %mul3A_862 : f32 to vector<16xf32>
        %mul3A_864 = arith.mulf %get3A_861, %mul3A_863 : vector<16xf32>
        %add3A_865 = arith.addf %mul3A_864, %get3A_679 : vector<16xf32>
        %swap3A_866 = arith.constant 5 : i32
        %swap3A_867 = arith.index_cast %swap3A_866 : i32 to index
        %swap3A_868 = arith.index_cast %scan3A_672 : i32 to index
        %swap3A_869 = arith.constant 16 : index
        %swap3A_870 = tpu.vector_load %arg8[%swap3A_867, %swap3A_868, %swap3A_869] {strides = array<i32>} : memref<6x64x128xf32, #tpu.memory_space<vmem>>, vector<1x1x16xf32>,
        %swap3A_871 = vector.shape_cast %swap3A_870 : vector<1x1x16xf32> to vector<16xf32>
        %swap3A_872 = vector.shape_cast %add3A_865 : vector<16xf32> to vector<1x1x16xf32>
        tpu.vector_store %arg8[%swap3A_867, %swap3A_868, %swap3A_869], %swap3A_872 {strides = array<i32>} : memref<6x64x128xf32, #tpu.memory_space<vmem>>, vector<1x1x16xf32>,
        %get3A_873 = arith.constant 5 : i32
        %get3A_874 = arith.index_cast %get3A_873 : i32 to index
        %get3A_875 = arith.index_cast %scan3A_672 : i32 to index
        %get3A_876 = arith.constant 32 : index
        %get3A_877 = tpu.vector_load %arg7[%get3A_874, %get3A_875, %get3A_876] {strides = array<i32>} : memref<6x64x128xf32, #tpu.memory_space<vmem>>, vector<1x1x16xf32>,
        %get3A_878 = vector.shape_cast %get3A_877 : vector<1x1x16xf32> to vector<16xf32>
        %mul3A_879 = arith.constant 11.3137083 : f32
        %mul3A_880 = vector.broadcast %mul3A_879 : f32 to vector<16xf32>
        %mul3A_881 = arith.mulf %get3A_878, %mul3A_880 : vector<16xf32>
        %add3A_882 = arith.addf %mul3A_881, %get3A_683 : vector<16xf32>
        %swap3A_883 = arith.constant 5 : i32
        %swap3A_884 = arith.index_cast %swap3A_883 : i32 to index
        %swap3A_885 = arith.index_cast %scan3A_672 : i32 to index
        %swap3A_886 = arith.constant 32 : index
        %swap3A_887 = tpu.vector_load %arg8[%swap3A_884, %swap3A_885, %swap3A_886] {strides = array<i32>} : memref<6x64x128xf32, #tpu.memory_space<vmem>>, vector<1x1x16xf32>,
        %swap3A_888 = vector.shape_cast %swap3A_887 : vector<1x1x16xf32> to vector<16xf32>
        %swap3A_889 = vector.shape_cast %add3A_882 : vector<16xf32> to vector<1x1x16xf32>
        tpu.vector_store %arg8[%swap3A_884, %swap3A_885, %swap3A_886], %swap3A_889 {strides = array<i32>} : memref<6x64x128xf32, #tpu.memory_space<vmem>>, vector<1x1x16xf32>,
        %get3A_890 = arith.constant 5 : i32
        %get3A_891 = arith.index_cast %get3A_890 : i32 to index
        %get3A_892 = arith.index_cast %scan3A_672 : i32 to index
        %get3A_893 = arith.constant 48 : index
        %get3A_894 = tpu.vector_load %arg7[%get3A_891, %get3A_892, %get3A_893] {strides = array<i32>} : memref<6x64x128xf32, #tpu.memory_space<vmem>>, vector<1x1x16xf32>,
        %get3A_895 = vector.shape_cast %get3A_894 : vector<1x1x16xf32> to vector<16xf32>
        %mul3A_896 = arith.constant 11.3137083 : f32
        %mul3A_897 = vector.broadcast %mul3A_896 : f32 to vector<16xf32>
        %mul3A_898 = arith.mulf %get3A_895, %mul3A_897 : vector<16xf32>
        %add3A_899 = arith.addf %mul3A_898, %get3A_687 : vector<16xf32>
        %swap3A_900 = arith.constant 5 : i32
        %swap3A_901 = arith.index_cast %swap3A_900 : i32 to index
        %swap3A_902 = arith.index_cast %scan3A_672 : i32 to index
        %swap3A_903 = arith.constant 48 : index
        %swap3A_904 = tpu.vector_load %arg8[%swap3A_901, %swap3A_902, %swap3A_903] {strides = array<i32>} : memref<6x64x128xf32, #tpu.memory_space<vmem>>, vector<1x1x16xf32>,
        %swap3A_905 = vector.shape_cast %swap3A_904 : vector<1x1x16xf32> to vector<16xf32>
        %swap3A_906 = vector.shape_cast %add3A_899 : vector<16xf32> to vector<1x1x16xf32>
        tpu.vector_store %arg8[%swap3A_901, %swap3A_902, %swap3A_903], %swap3A_906 {strides = array<i32>} : memref<6x64x128xf32, #tpu.memory_space<vmem>>, vector<1x1x16xf32>,
        %get3A_907 = arith.constant 5 : i32
        %get3A_908 = arith.index_cast %get3A_907 : i32 to index
        %get3A_909 = arith.index_cast %scan3A_672 : i32 to index
        %get3A_910 = arith.constant 64 : index
        %get3A_911 = tpu.vector_load %arg7[%get3A_908, %get3A_909, %get3A_910] {strides = array<i32>} : memref<6x64x128xf32, #tpu.memory_space<vmem>>, vector<1x1x16xf32>,
        %get3A_912 = vector.shape_cast %get3A_911 : vector<1x1x16xf32> to vector<16xf32>
        %mul3A_913 = arith.constant 11.3137083 : f32
        %mul3A_914 = vector.broadcast %mul3A_913 : f32 to vector<16xf32>
        %mul3A_915 = arith.mulf %get3A_912, %mul3A_914 : vector<16xf32>
        %add3A_916 = arith.addf %mul3A_915, %get3A_691 : vector<16xf32>
        %swap3A_917 = arith.constant 5 : i32
        %swap3A_918 = arith.index_cast %swap3A_917 : i32 to index
        %swap3A_919 = arith.index_cast %scan3A_672 : i32 to index
        %swap3A_920 = arith.constant 64 : index
        %swap3A_921 = tpu.vector_load %arg8[%swap3A_918, %swap3A_919, %swap3A_920] {strides = array<i32>} : memref<6x64x128xf32, #tpu.memory_space<vmem>>, vector<1x1x16xf32>,
        %swap3A_922 = vector.shape_cast %swap3A_921 : vector<1x1x16xf32> to vector<16xf32>
        %swap3A_923 = vector.shape_cast %add3A_916 : vector<16xf32> to vector<1x1x16xf32>
        tpu.vector_store %arg8[%swap3A_918, %swap3A_919, %swap3A_920], %swap3A_923 {strides = array<i32>} : memref<6x64x128xf32, #tpu.memory_space<vmem>>, vector<1x1x16xf32>,
        %get3A_924 = arith.constant 5 : i32
        %get3A_925 = arith.index_cast %get3A_924 : i32 to index
        %get3A_926 = arith.index_cast %scan3A_672 : i32 to index
        %get3A_927 = arith.constant 80 : index
        %get3A_928 = tpu.vector_load %arg7[%get3A_925, %get3A_926, %get3A_927] {strides = array<i32>} : memref<6x64x128xf32, #tpu.memory_space<vmem>>, vector<1x1x16xf32>,
        %get3A_929 = vector.shape_cast %get3A_928 : vector<1x1x16xf32> to vector<16xf32>
        %mul3A_930 = arith.constant 11.3137083 : f32
        %mul3A_931 = vector.broadcast %mul3A_930 : f32 to vector<16xf32>
        %mul3A_932 = arith.mulf %get3A_929, %mul3A_931 : vector<16xf32>
        %add3A_933 = arith.addf %mul3A_932, %get3A_695 : vector<16xf32>
        %swap3A_934 = arith.constant 5 : i32
        %swap3A_935 = arith.index_cast %swap3A_934 : i32 to index
        %swap3A_936 = arith.index_cast %scan3A_672 : i32 to index
        %swap3A_937 = arith.constant 80 : index
        %swap3A_938 = tpu.vector_load %arg8[%swap3A_935, %swap3A_936, %swap3A_937] {strides = array<i32>} : memref<6x64x128xf32, #tpu.memory_space<vmem>>, vector<1x1x16xf32>,
        %swap3A_939 = vector.shape_cast %swap3A_938 : vector<1x1x16xf32> to vector<16xf32>
        %swap3A_940 = vector.shape_cast %add3A_933 : vector<16xf32> to vector<1x1x16xf32>
        tpu.vector_store %arg8[%swap3A_935, %swap3A_936, %swap3A_937], %swap3A_940 {strides = array<i32>} : memref<6x64x128xf32, #tpu.memory_space<vmem>>, vector<1x1x16xf32>,
        %get3A_941 = arith.constant 5 : i32
        %get3A_942 = arith.index_cast %get3A_941 : i32 to index
        %get3A_943 = arith.index_cast %scan3A_672 : i32 to index
        %get3A_944 = arith.constant 96 : index
        %get3A_945 = tpu.vector_load %arg7[%get3A_942, %get3A_943, %get3A_944] {strides = array<i32>} : memref<6x64x128xf32, #tpu.memory_space<vmem>>, vector<1x1x16xf32>,
        %get3A_946 = vector.shape_cast %get3A_945 : vector<1x1x16xf32> to vector<16xf32>
        %mul3A_947 = arith.constant 11.3137083 : f32
        %mul3A_948 = vector.broadcast %mul3A_947 : f32 to vector<16xf32>
        %mul3A_949 = arith.mulf %get3A_946, %mul3A_948 : vector<16xf32>
        %add3A_950 = arith.addf %mul3A_949, %get3A_699 : vector<16xf32>
        %swap3A_951 = arith.constant 5 : i32
        %swap3A_952 = arith.index_cast %swap3A_951 : i32 to index
        %swap3A_953 = arith.index_cast %scan3A_672 : i32 to index
        %swap3A_954 = arith.constant 96 : index
        %swap3A_955 = tpu.vector_load %arg8[%swap3A_952, %swap3A_953, %swap3A_954] {strides = array<i32>} : memref<6x64x128xf32, #tpu.memory_space<vmem>>, vector<1x1x16xf32>,
        %swap3A_956 = vector.shape_cast %swap3A_955 : vector<1x1x16xf32> to vector<16xf32>
        %swap3A_957 = vector.shape_cast %add3A_950 : vector<16xf32> to vector<1x1x16xf32>
        tpu.vector_store %arg8[%swap3A_952, %swap3A_953, %swap3A_954], %swap3A_957 {strides = array<i32>} : memref<6x64x128xf32, #tpu.memory_space<vmem>>, vector<1x1x16xf32>,
        %get3A_958 = arith.constant 5 : i32
        %get3A_959 = arith.index_cast %get3A_958 : i32 to index
        %get3A_960 = arith.index_cast %scan3A_672 : i32 to index
        %get3A_961 = arith.constant 112 : index
        %get3A_962 = tpu.vector_load %arg7[%get3A_959, %get3A_960, %get3A_961] {strides = array<i32>} : memref<6x64x128xf32, #tpu.memory_space<vmem>>, vector<1x1x16xf32>,
        %get3A_963 = vector.shape_cast %get3A_962 : vector<1x1x16xf32> to vector<16xf32>
        %mul3A_964 = arith.constant 11.3137083 : f32
        %mul3A_965 = vector.broadcast %mul3A_964 : f32 to vector<16xf32>
        %mul3A_966 = arith.mulf %get3A_963, %mul3A_965 : vector<16xf32>
        %add3A_967 = arith.addf %mul3A_966, %get3A_703 : vector<16xf32>
        %swap3A_968 = arith.constant 5 : i32
        %swap3A_969 = arith.index_cast %swap3A_968 : i32 to index
        %swap3A_970 = arith.index_cast %scan3A_672 : i32 to index
        %swap3A_971 = arith.constant 112 : index
        %swap3A_972 = tpu.vector_load %arg8[%swap3A_969, %swap3A_970, %swap3A_971] {strides = array<i32>} : memref<6x64x128xf32, #tpu.memory_space<vmem>>, vector<1x1x16xf32>,
        %swap3A_973 = vector.shape_cast %swap3A_972 : vector<1x1x16xf32> to vector<16xf32>
        %swap3A_974 = vector.shape_cast %add3A_967 : vector<16xf32> to vector<1x1x16xf32>
        tpu.vector_store %arg8[%swap3A_969, %swap3A_970, %swap3A_971], %swap3A_974 {strides = array<i32>} : memref<6x64x128xf32, #tpu.memory_space<vmem>>, vector<1x1x16xf32>,
      }
      %scan3A_627 = arith.constant 64 : i32
      %dma_start3A_628 = arith.constant 4 : i32
      %dma_start3A_629 = arith.constant 0 : i32
      %dma_start3A_630 = arith.constant 0 : i32
      %dma_start3A_631 = tpu.memref_slice %arg8[%dma_start3A_628, %dma_start3A_629, %dma_start3A_630] : memref<6x64x128xf32, #tpu.memory_space<vmem>> -> memref<1x64x128xf32, #tpu.memory_space<vmem>>
      %dma_start3A_632 = tpu.memref_squeeze %dma_start3A_631 : memref<1x64x128xf32, #tpu.memory_space<vmem>> -> memref<64x128xf32, #tpu.memory_space<vmem>>
      %dma_start3A_633 = arith.constant 0 : i32
      %dma_start3A_634 = tpu.memref_slice %arg5[%add3A_583, %mul3A_2, %dma_start3A_633] : memref<64x2048x128xf32, #tpu.memory_space<hbm>> -> memref<1x64x128xf32, #tpu.memory_space<hbm>>
      %dma_start3A_635 = tpu.memref_squeeze %dma_start3A_634 : memref<1x64x128xf32, #tpu.memory_space<hbm>> -> memref<64x128xf32, #tpu.memory_space<hbm>>
      %dma_start3A_636 = arith.constant 0 : i32
      %dma_start3A_637 = tpu.memref_slice %arg5[%add3A_583, %mul3A_2, %dma_start3A_636] : memref<64x2048x128xf32, #tpu.memory_space<hbm>> -> memref<1x64x128xf32, #tpu.memory_space<hbm>>
      %dma_start3A_638 = tpu.memref_squeeze %dma_start3A_637 : memref<1x64x128xf32, #tpu.memory_space<hbm>> -> memref<64x128xf32, #tpu.memory_space<hbm>>
      %dma_start3A_639 = arith.constant 0 : i32
      %dma_start3A_640 = arith.constant 0 : i32
      %dma_start3A_641 = tpu.memref_slice %arg8[%dma_start3A_628, %dma_start3A_639, %dma_start3A_640] : memref<6x64x128xf32, #tpu.memory_space<vmem>> -> memref<1x64x128xf32, #tpu.memory_space<vmem>>
      %dma_start3A_642 = tpu.memref_squeeze %dma_start3A_641 : memref<1x64x128xf32, #tpu.memory_space<vmem>> -> memref<64x128xf32, #tpu.memory_space<vmem>>
      tpu.enqueue_dma source(%dma_start3A_642 : memref<64x128xf32, #tpu.memory_space<vmem>>) target(%dma_start3A_638 : memref<64x128xf32, #tpu.memory_space<hbm>>) target_semaphore(%arg20 : memref<!tpu.dma_semaphore, #tpu.memory_space<semaphore_mem>>)
      %add3A_643 = arith.constant 6 : i32
      %add3A_644 = arith.addi %add3A_583, %add3A_643 : i32
      %lt3A_645 = arith.constant 64 : i32
      %lt3A_646 = arith.cmpi slt, %add3A_644, %lt3A_645 : i32
      %convert_element_type3A_647 = arith.extui %lt3A_646 : i1 to i32
      %cond3A_648 = arith.constant 0 : i32
      %cond3A_649 = arith.cmpi ne, %convert_element_type3A_647, %cond3A_648 : i32
      scf.if %cond3A_649 {
        %add3A_672 = arith.constant 6 : i32
        %add3A_673 = arith.addi %add3A_583, %add3A_672 : i32
        %dma_start3A_674 = arith.constant 4 : i32
        %dma_start3A_675 = arith.constant 0 : i32
        %dma_start3A_676 = arith.constant 0 : i32
        %dma_start3A_677 = tpu.memref_slice %arg7[%dma_start3A_674, %dma_start3A_675, %dma_start3A_676] : memref<6x64x128xf32, #tpu.memory_space<vmem>> -> memref<1x64x128xf32, #tpu.memory_space<vmem>>
        %dma_start3A_678 = tpu.memref_squeeze %dma_start3A_677 : memref<1x64x128xf32, #tpu.memory_space<vmem>> -> memref<64x128xf32, #tpu.memory_space<vmem>>
        %dma_start3A_679 = tpu.memref_slice %arg6[%add3A_673, %mul3A_36] : memref<64x128xi32, #tpu.memory_space<vmem>> -> memref<1x64xi32, #tpu.memory_space<vmem>>
        %dma_start3A_680 = tpu.memref_squeeze %dma_start3A_679 : memref<1x64xi32, #tpu.memory_space<vmem>> -> memref<64xi32, #tpu.memory_space<vmem>>
        %dma_start3A_681 = arith.constant 0 : i32
        %dma_start3A_682 = arith.constant 0 : i32
        %dma_start3A_683 = tpu.memref_slice %arg3[%dma_start3A_681, %dma_start3A_682] : memref<100000x128xf32, #tpu.memory_space<hbm>> -> memref<100000x128xf32, #tpu.memory_space<hbm>>
        tpu.enqueue_indirect_dma source(%dma_start3A_683 : memref<100000x128xf32, #tpu.memory_space<hbm>>) target(%dma_start3A_678 : memref<64x128xf32, #tpu.memory_space<vmem>>) offsets(%dma_start3A_680 : memref<64xi32, #tpu.memory_space<vmem>>) semaphore(%arg14 : memref<!tpu.dma_semaphore, #tpu.memory_space<semaphore_mem>>)
      } else {
      }
      %dma_start3A_650 = arith.constant 5 : i32
      %dma_start3A_651 = arith.constant 0 : i32
      %dma_start3A_652 = arith.constant 0 : i32
      %dma_start3A_653 = tpu.memref_slice %arg8[%dma_start3A_650, %dma_start3A_651, %dma_start3A_652] : memref<6x64x128xf32, #tpu.memory_space<vmem>> -> memref<1x64x128xf32, #tpu.memory_space<vmem>>
      %dma_start3A_654 = tpu.memref_squeeze %dma_start3A_653 : memref<1x64x128xf32, #tpu.memory_space<vmem>> -> memref<64x128xf32, #tpu.memory_space<vmem>>
      %dma_start3A_655 = arith.constant 0 : i32
      %dma_start3A_656 = tpu.memref_slice %arg5[%add3A_589, %mul3A_2, %dma_start3A_655] : memref<64x2048x128xf32, #tpu.memory_space<hbm>> -> memref<1x64x128xf32, #tpu.memory_space<hbm>>
      %dma_start3A_657 = tpu.memref_squeeze %dma_start3A_656 : memref<1x64x128xf32, #tpu.memory_space<hbm>> -> memref<64x128xf32, #tpu.memory_space<hbm>>
      %dma_start3A_658 = arith.constant 0 : i32
      %dma_start3A_659 = tpu.memref_slice %arg5[%add3A_589, %mul3A_2, %dma_start3A_658] : memref<64x2048x128xf32, #tpu.memory_space<hbm>> -> memref<1x64x128xf32, #tpu.memory_space<hbm>>
      %dma_start3A_660 = tpu.memref_squeeze %dma_start3A_659 : memref<1x64x128xf32, #tpu.memory_space<hbm>> -> memref<64x128xf32, #tpu.memory_space<hbm>>
      %dma_start3A_661 = arith.constant 0 : i32
      %dma_start3A_662 = arith.constant 0 : i32
      %dma_start3A_663 = tpu.memref_slice %arg8[%dma_start3A_650, %dma_start3A_661, %dma_start3A_662] : memref<6x64x128xf32, #tpu.memory_space<vmem>> -> memref<1x64x128xf32, #tpu.memory_space<vmem>>
      %dma_start3A_664 = tpu.memref_squeeze %dma_start3A_663 : memref<1x64x128xf32, #tpu.memory_space<vmem>> -> memref<64x128xf32, #tpu.memory_space<vmem>>
      tpu.enqueue_dma source(%dma_start3A_664 : memref<64x128xf32, #tpu.memory_space<vmem>>) target(%dma_start3A_660 : memref<64x128xf32, #tpu.memory_space<hbm>>) target_semaphore(%arg21 : memref<!tpu.dma_semaphore, #tpu.memory_space<semaphore_mem>>)
      %add3A_665 = arith.constant 6 : i32
      %add3A_666 = arith.addi %add3A_589, %add3A_665 : i32
      %lt3A_667 = arith.constant 64 : i32
      %lt3A_668 = arith.cmpi slt, %add3A_666, %lt3A_667 : i32
      %convert_element_type3A_669 = arith.extui %lt3A_668 : i1 to i32
      %cond3A_670 = arith.constant 0 : i32
      %cond3A_671 = arith.cmpi ne, %convert_element_type3A_669, %cond3A_670 : i32
      scf.if %cond3A_671 {
        %add3A_672 = arith.constant 6 : i32
        %add3A_673 = arith.addi %add3A_589, %add3A_672 : i32
        %dma_start3A_674 = arith.constant 5 : i32
        %dma_start3A_675 = arith.constant 0 : i32
        %dma_start3A_676 = arith.constant 0 : i32
        %dma_start3A_677 = tpu.memref_slice %arg7[%dma_start3A_674, %dma_start3A_675, %dma_start3A_676] : memref<6x64x128xf32, #tpu.memory_space<vmem>> -> memref<1x64x128xf32, #tpu.memory_space<vmem>>
        %dma_start3A_678 = tpu.memref_squeeze %dma_start3A_677 : memref<1x64x128xf32, #tpu.memory_space<vmem>> -> memref<64x128xf32, #tpu.memory_space<vmem>>
        %dma_start3A_679 = tpu.memref_slice %arg6[%add3A_673, %mul3A_36] : memref<64x128xi32, #tpu.memory_space<vmem>> -> memref<1x64xi32, #tpu.memory_space<vmem>>
        %dma_start3A_680 = tpu.memref_squeeze %dma_start3A_679 : memref<1x64xi32, #tpu.memory_space<vmem>> -> memref<64xi32, #tpu.memory_space<vmem>>
        %dma_start3A_681 = arith.constant 0 : i32
        %dma_start3A_682 = arith.constant 0 : i32
        %dma_start3A_683 = tpu.memref_slice %arg3[%dma_start3A_681, %dma_start3A_682] : memref<100000x128xf32, #tpu.memory_space<hbm>> -> memref<100000x128xf32, #tpu.memory_space<hbm>>
        tpu.enqueue_indirect_dma source(%dma_start3A_683 : memref<100000x128xf32, #tpu.memory_space<hbm>>) target(%dma_start3A_678 : memref<64x128xf32, #tpu.memory_space<vmem>>) offsets(%dma_start3A_680 : memref<64xi32, #tpu.memory_space<vmem>>) semaphore(%arg15 : memref<!tpu.dma_semaphore, #tpu.memory_space<semaphore_mem>>)
      } else {
      }
    }
    %scan3A_106 = arith.constant 10 : i32
    %dma_wait3A = arith.constant 0 : i32
    %dma_wait3A_107 = arith.constant 0 : i32
    %dma_wait3A_108 = arith.constant 0 : i32
    %dma_wait3A_109 = arith.constant 0 : i32
    %dma_wait3A_110 = tpu.memref_slice %arg7[%dma_wait3A_107, %dma_wait3A_108, %dma_wait3A_109] : memref<6x64x128xf32, #tpu.memory_space<vmem>> -> memref<1x64x128xf32, #tpu.memory_space<vmem>>
    %dma_wait3A_111 = tpu.memref_squeeze %dma_wait3A_110 : memref<1x64x128xf32, #tpu.memory_space<vmem>> -> memref<64x128xf32, #tpu.memory_space<vmem>>
    %dma_wait3A_112 = tpu.memref_slice %arg6[%dma_wait3A, %mul3A_36] : memref<64x128xi32, #tpu.memory_space<vmem>> -> memref<1x64xi32, #tpu.memory_space<vmem>>
    %dma_wait3A_113 = tpu.memref_squeeze %dma_wait3A_112 : memref<1x64xi32, #tpu.memory_space<vmem>> -> memref<64xi32, #tpu.memory_space<vmem>>
    %dma_wait3A_114 = arith.constant 0 : i32
    %dma_wait3A_115 = arith.constant 0 : i32
    %dma_wait3A_116 = tpu.memref_slice %arg3[%dma_wait3A_114, %dma_wait3A_115] : memref<100000x128xf32, #tpu.memory_space<hbm>> -> memref<100000x128xf32, #tpu.memory_space<hbm>>
    tpu.wait_indirect_dma semaphore(%arg10 : memref<!tpu.dma_semaphore, #tpu.memory_space<semaphore_mem>>) src(%dma_wait3A_116 : memref<100000x128xf32, #tpu.memory_space<hbm>>) dst(%dma_wait3A_111 : memref<64x128xf32, #tpu.memory_space<vmem>>)
    %dma_wait3A_117 = arith.constant 0 : i32
    %dma_wait3A_118 = arith.constant 54 : i32
    %dma_wait3A_119 = arith.constant 0 : i32
    %dma_wait3A_120 = arith.constant 0 : i32
    %dma_wait3A_121 = tpu.memref_slice %arg8[%dma_wait3A_117, %dma_wait3A_119, %dma_wait3A_120] : memref<6x64x128xf32, #tpu.memory_space<vmem>> -> memref<1x64x128xf32, #tpu.memory_space<vmem>>
    %dma_wait3A_122 = tpu.memref_squeeze %dma_wait3A_121 : memref<1x64x128xf32, #tpu.memory_space<vmem>> -> memref<64x128xf32, #tpu.memory_space<vmem>>
    %dma_wait3A_123 = arith.constant 0 : i32
    %dma_wait3A_124 = tpu.memref_slice %arg5[%dma_wait3A_118, %mul3A_2, %dma_wait3A_123] : memref<64x2048x128xf32, #tpu.memory_space<hbm>> -> memref<1x64x128xf32, #tpu.memory_space<hbm>>
    %dma_wait3A_125 = tpu.memref_squeeze %dma_wait3A_124 : memref<1x64x128xf32, #tpu.memory_space<hbm>> -> memref<64x128xf32, #tpu.memory_space<hbm>>
    %dma_wait3A_126 = arith.constant 0 : i32
    %dma_wait3A_127 = tpu.memref_slice %arg5[%dma_wait3A_118, %mul3A_2, %dma_wait3A_126] : memref<64x2048x128xf32, #tpu.memory_space<hbm>> -> memref<1x64x128xf32, #tpu.memory_space<hbm>>
    %dma_wait3A_128 = tpu.memref_squeeze %dma_wait3A_127 : memref<1x64x128xf32, #tpu.memory_space<hbm>> -> memref<64x128xf32, #tpu.memory_space<hbm>>
    %dma_wait3A_129 = arith.constant 0 : i32
    %dma_wait3A_130 = arith.constant 0 : i32
    %dma_wait3A_131 = tpu.memref_slice %arg8[%dma_wait3A_117, %dma_wait3A_129, %dma_wait3A_130] : memref<6x64x128xf32, #tpu.memory_space<vmem>> -> memref<1x64x128xf32, #tpu.memory_space<vmem>>
    %dma_wait3A_132 = tpu.memref_squeeze %dma_wait3A_131 : memref<1x64x128xf32, #tpu.memory_space<vmem>> -> memref<64x128xf32, #tpu.memory_space<vmem>>
    tpu.wait_dma2 semaphore(%arg16 : memref<!tpu.dma_semaphore, #tpu.memory_space<semaphore_mem>>) src(%dma_wait3A_132 : memref<64x128xf32, #tpu.memory_space<vmem>>) dst(%dma_wait3A_128 : memref<64x128xf32, #tpu.memory_space<hbm>>)
    %scan3A_133 = arith.constant 0 : i32
    %scan3A_134 = arith.constant 0 : i32
    %scan3A_135 = arith.constant 64 : i32
    %scan3A_136 = arith.addi %scan3A_134, %scan3A_135 : i32
    %scan3A_137 = arith.constant 1 : i32
    scf.for %scan3A_398 = %scan3A_134 to %scan3A_136 step %scan3A_137  : i32 {
      %get3A = arith.constant 0 : i32
      %get3A_399 = arith.index_cast %get3A : i32 to index
      %get3A_400 = arith.index_cast %scan3A_398 : i32 to index
      %get3A_401 = arith.constant 0 : index
      %get3A_402 = tpu.vector_load %arg7[%get3A_399, %get3A_400, %get3A_401] {strides = array<i32>} : memref<6x64x128xf32, #tpu.memory_space<vmem>>, vector<1x1x16xf32>,
      %get3A_403 = vector.shape_cast %get3A_402 : vector<1x1x16xf32> to vector<16xf32>
      %mul3A_404 = arith.constant 11.3137083 : f32
      %mul3A_405 = vector.broadcast %mul3A_404 : f32 to vector<16xf32>
      %mul3A_406 = arith.mulf %get3A_403, %mul3A_405 : vector<16xf32>
      %get3A_407 = arith.index_cast %scan3A_398 : i32 to index
      %get3A_408 = arith.constant 0 : index
      %get3A_409 = tpu.vector_load %arg9[%get3A_407, %get3A_408] {strides = array<i32>} : memref<64x128xf32, #tpu.memory_space<vmem>>, vector<1x16xf32>,
      %get3A_410 = vector.shape_cast %get3A_409 : vector<1x16xf32> to vector<16xf32>
      %add3A_411 = arith.addf %mul3A_406, %get3A_410 : vector<16xf32>
      %swap3A = arith.constant 0 : i32
      %swap3A_412 = arith.index_cast %swap3A : i32 to index
      %swap3A_413 = arith.index_cast %scan3A_398 : i32 to index
      %swap3A_414 = arith.constant 0 : index
      %swap3A_415 = tpu.vector_load %arg8[%swap3A_412, %swap3A_413, %swap3A_414] {strides = array<i32>} : memref<6x64x128xf32, #tpu.memory_space<vmem>>, vector<1x1x16xf32>,
      %swap3A_416 = vector.shape_cast %swap3A_415 : vector<1x1x16xf32> to vector<16xf32>
      %swap3A_417 = vector.shape_cast %add3A_411 : vector<16xf32> to vector<1x1x16xf32>
      tpu.vector_store %arg8[%swap3A_412, %swap3A_413, %swap3A_414], %swap3A_417 {strides = array<i32>} : memref<6x64x128xf32, #tpu.memory_space<vmem>>, vector<1x1x16xf32>,
      %get3A_418 = arith.constant 0 : i32
      %get3A_419 = arith.index_cast %get3A_418 : i32 to index
      %get3A_420 = arith.index_cast %scan3A_398 : i32 to index
      %get3A_421 = arith.constant 16 : index
      %get3A_422 = tpu.vector_load %arg7[%get3A_419, %get3A_420, %get3A_421] {strides = array<i32>} : memref<6x64x128xf32, #tpu.memory_space<vmem>>, vector<1x1x16xf32>,
      %get3A_423 = vector.shape_cast %get3A_422 : vector<1x1x16xf32> to vector<16xf32>
      %mul3A_424 = arith.constant 11.3137083 : f32
      %mul3A_425 = vector.broadcast %mul3A_424 : f32 to vector<16xf32>
      %mul3A_426 = arith.mulf %get3A_423, %mul3A_425 : vector<16xf32>
      %get3A_427 = arith.index_cast %scan3A_398 : i32 to index
      %get3A_428 = arith.constant 16 : index
      %get3A_429 = tpu.vector_load %arg9[%get3A_427, %get3A_428] {strides = array<i32>} : memref<64x128xf32, #tpu.memory_space<vmem>>, vector<1x16xf32>,
      %get3A_430 = vector.shape_cast %get3A_429 : vector<1x16xf32> to vector<16xf32>
      %add3A_431 = arith.addf %mul3A_426, %get3A_430 : vector<16xf32>
      %swap3A_432 = arith.constant 0 : i32
      %swap3A_433 = arith.index_cast %swap3A_432 : i32 to index
      %swap3A_434 = arith.index_cast %scan3A_398 : i32 to index
      %swap3A_435 = arith.constant 16 : index
      %swap3A_436 = tpu.vector_load %arg8[%swap3A_433, %swap3A_434, %swap3A_435] {strides = array<i32>} : memref<6x64x128xf32, #tpu.memory_space<vmem>>, vector<1x1x16xf32>,
      %swap3A_437 = vector.shape_cast %swap3A_436 : vector<1x1x16xf32> to vector<16xf32>
      %swap3A_438 = vector.shape_cast %add3A_431 : vector<16xf32> to vector<1x1x16xf32>
      tpu.vector_store %arg8[%swap3A_433, %swap3A_434, %swap3A_435], %swap3A_438 {strides = array<i32>} : memref<6x64x128xf32, #tpu.memory_space<vmem>>, vector<1x1x16xf32>,
      %get3A_439 = arith.constant 0 : i32
      %get3A_440 = arith.index_cast %get3A_439 : i32 to index
      %get3A_441 = arith.index_cast %scan3A_398 : i32 to index
      %get3A_442 = arith.constant 32 : index
      %get3A_443 = tpu.vector_load %arg7[%get3A_440, %get3A_441, %get3A_442] {strides = array<i32>} : memref<6x64x128xf32, #tpu.memory_space<vmem>>, vector<1x1x16xf32>,
      %get3A_444 = vector.shape_cast %get3A_443 : vector<1x1x16xf32> to vector<16xf32>
      %mul3A_445 = arith.constant 11.3137083 : f32
      %mul3A_446 = vector.broadcast %mul3A_445 : f32 to vector<16xf32>
      %mul3A_447 = arith.mulf %get3A_444, %mul3A_446 : vector<16xf32>
      %get3A_448 = arith.index_cast %scan3A_398 : i32 to index
      %get3A_449 = arith.constant 32 : index
      %get3A_450 = tpu.vector_load %arg9[%get3A_448, %get3A_449] {strides = array<i32>} : memref<64x128xf32, #tpu.memory_space<vmem>>, vector<1x16xf32>,
      %get3A_451 = vector.shape_cast %get3A_450 : vector<1x16xf32> to vector<16xf32>
      %add3A_452 = arith.addf %mul3A_447, %get3A_451 : vector<16xf32>
      %swap3A_453 = arith.constant 0 : i32
      %swap3A_454 = arith.index_cast %swap3A_453 : i32 to index
      %swap3A_455 = arith.index_cast %scan3A_398 : i32 to index
      %swap3A_456 = arith.constant 32 : index
      %swap3A_457 = tpu.vector_load %arg8[%swap3A_454, %swap3A_455, %swap3A_456] {strides = array<i32>} : memref<6x64x128xf32, #tpu.memory_space<vmem>>, vector<1x1x16xf32>,
      %swap3A_458 = vector.shape_cast %swap3A_457 : vector<1x1x16xf32> to vector<16xf32>
      %swap3A_459 = vector.shape_cast %add3A_452 : vector<16xf32> to vector<1x1x16xf32>
      tpu.vector_store %arg8[%swap3A_454, %swap3A_455, %swap3A_456], %swap3A_459 {strides = array<i32>} : memref<6x64x128xf32, #tpu.memory_space<vmem>>, vector<1x1x16xf32>,
      %get3A_460 = arith.constant 0 : i32
      %get3A_461 = arith.index_cast %get3A_460 : i32 to index
      %get3A_462 = arith.index_cast %scan3A_398 : i32 to index
      %get3A_463 = arith.constant 48 : index
      %get3A_464 = tpu.vector_load %arg7[%get3A_461, %get3A_462, %get3A_463] {strides = array<i32>} : memref<6x64x128xf32, #tpu.memory_space<vmem>>, vector<1x1x16xf32>,
      %get3A_465 = vector.shape_cast %get3A_464 : vector<1x1x16xf32> to vector<16xf32>
      %mul3A_466 = arith.constant 11.3137083 : f32
      %mul3A_467 = vector.broadcast %mul3A_466 : f32 to vector<16xf32>
      %mul3A_468 = arith.mulf %get3A_465, %mul3A_467 : vector<16xf32>
      %get3A_469 = arith.index_cast %scan3A_398 : i32 to index
      %get3A_470 = arith.constant 48 : index
      %get3A_471 = tpu.vector_load %arg9[%get3A_469, %get3A_470] {strides = array<i32>} : memref<64x128xf32, #tpu.memory_space<vmem>>, vector<1x16xf32>,
      %get3A_472 = vector.shape_cast %get3A_471 : vector<1x16xf32> to vector<16xf32>
      %add3A_473 = arith.addf %mul3A_468, %get3A_472 : vector<16xf32>
      %swap3A_474 = arith.constant 0 : i32
      %swap3A_475 = arith.index_cast %swap3A_474 : i32 to index
      %swap3A_476 = arith.index_cast %scan3A_398 : i32 to index
      %swap3A_477 = arith.constant 48 : index
      %swap3A_478 = tpu.vector_load %arg8[%swap3A_475, %swap3A_476, %swap3A_477] {strides = array<i32>} : memref<6x64x128xf32, #tpu.memory_space<vmem>>, vector<1x1x16xf32>,
      %swap3A_479 = vector.shape_cast %swap3A_478 : vector<1x1x16xf32> to vector<16xf32>
      %swap3A_480 = vector.shape_cast %add3A_473 : vector<16xf32> to vector<1x1x16xf32>
      tpu.vector_store %arg8[%swap3A_475, %swap3A_476, %swap3A_477], %swap3A_480 {strides = array<i32>} : memref<6x64x128xf32, #tpu.memory_space<vmem>>, vector<1x1x16xf32>,
      %get3A_481 = arith.constant 0 : i32
      %get3A_482 = arith.index_cast %get3A_481 : i32 to index
      %get3A_483 = arith.index_cast %scan3A_398 : i32 to index
      %get3A_484 = arith.constant 64 : index
      %get3A_485 = tpu.vector_load %arg7[%get3A_482, %get3A_483, %get3A_484] {strides = array<i32>} : memref<6x64x128xf32, #tpu.memory_space<vmem>>, vector<1x1x16xf32>,
      %get3A_486 = vector.shape_cast %get3A_485 : vector<1x1x16xf32> to vector<16xf32>
      %mul3A_487 = arith.constant 11.3137083 : f32
      %mul3A_488 = vector.broadcast %mul3A_487 : f32 to vector<16xf32>
      %mul3A_489 = arith.mulf %get3A_486, %mul3A_488 : vector<16xf32>
      %get3A_490 = arith.index_cast %scan3A_398 : i32 to index
      %get3A_491 = arith.constant 64 : index
      %get3A_492 = tpu.vector_load %arg9[%get3A_490, %get3A_491] {strides = array<i32>} : memref<64x128xf32, #tpu.memory_space<vmem>>, vector<1x16xf32>,
      %get3A_493 = vector.shape_cast %get3A_492 : vector<1x16xf32> to vector<16xf32>
      %add3A_494 = arith.addf %mul3A_489, %get3A_493 : vector<16xf32>
      %swap3A_495 = arith.constant 0 : i32
      %swap3A_496 = arith.index_cast %swap3A_495 : i32 to index
      %swap3A_497 = arith.index_cast %scan3A_398 : i32 to index
      %swap3A_498 = arith.constant 64 : index
      %swap3A_499 = tpu.vector_load %arg8[%swap3A_496, %swap3A_497, %swap3A_498] {strides = array<i32>} : memref<6x64x128xf32, #tpu.memory_space<vmem>>, vector<1x1x16xf32>,
      %swap3A_500 = vector.shape_cast %swap3A_499 : vector<1x1x16xf32> to vector<16xf32>
      %swap3A_501 = vector.shape_cast %add3A_494 : vector<16xf32> to vector<1x1x16xf32>
      tpu.vector_store %arg8[%swap3A_496, %swap3A_497, %swap3A_498], %swap3A_501 {strides = array<i32>} : memref<6x64x128xf32, #tpu.memory_space<vmem>>, vector<1x1x16xf32>,
      %get3A_502 = arith.constant 0 : i32
      %get3A_503 = arith.index_cast %get3A_502 : i32 to index
      %get3A_504 = arith.index_cast %scan3A_398 : i32 to index
      %get3A_505 = arith.constant 80 : index
      %get3A_506 = tpu.vector_load %arg7[%get3A_503, %get3A_504, %get3A_505] {strides = array<i32>} : memref<6x64x128xf32, #tpu.memory_space<vmem>>, vector<1x1x16xf32>,
      %get3A_507 = vector.shape_cast %get3A_506 : vector<1x1x16xf32> to vector<16xf32>
      %mul3A_508 = arith.constant 11.3137083 : f32
      %mul3A_509 = vector.broadcast %mul3A_508 : f32 to vector<16xf32>
      %mul3A_510 = arith.mulf %get3A_507, %mul3A_509 : vector<16xf32>
      %get3A_511 = arith.index_cast %scan3A_398 : i32 to index
      %get3A_512 = arith.constant 80 : index
      %get3A_513 = tpu.vector_load %arg9[%get3A_511, %get3A_512] {strides = array<i32>} : memref<64x128xf32, #tpu.memory_space<vmem>>, vector<1x16xf32>,
      %get3A_514 = vector.shape_cast %get3A_513 : vector<1x16xf32> to vector<16xf32>
      %add3A_515 = arith.addf %mul3A_510, %get3A_514 : vector<16xf32>
      %swap3A_516 = arith.constant 0 : i32
      %swap3A_517 = arith.index_cast %swap3A_516 : i32 to index
      %swap3A_518 = arith.index_cast %scan3A_398 : i32 to index
      %swap3A_519 = arith.constant 80 : index
      %swap3A_520 = tpu.vector_load %arg8[%swap3A_517, %swap3A_518, %swap3A_519] {strides = array<i32>} : memref<6x64x128xf32, #tpu.memory_space<vmem>>, vector<1x1x16xf32>,
      %swap3A_521 = vector.shape_cast %swap3A_520 : vector<1x1x16xf32> to vector<16xf32>
      %swap3A_522 = vector.shape_cast %add3A_515 : vector<16xf32> to vector<1x1x16xf32>
      tpu.vector_store %arg8[%swap3A_517, %swap3A_518, %swap3A_519], %swap3A_522 {strides = array<i32>} : memref<6x64x128xf32, #tpu.memory_space<vmem>>, vector<1x1x16xf32>,
      %get3A_523 = arith.constant 0 : i32
      %get3A_524 = arith.index_cast %get3A_523 : i32 to index
      %get3A_525 = arith.index_cast %scan3A_398 : i32 to index
      %get3A_526 = arith.constant 96 : index
      %get3A_527 = tpu.vector_load %arg7[%get3A_524, %get3A_525, %get3A_526] {strides = array<i32>} : memref<6x64x128xf32, #tpu.memory_space<vmem>>, vector<1x1x16xf32>,
      %get3A_528 = vector.shape_cast %get3A_527 : vector<1x1x16xf32> to vector<16xf32>
      %mul3A_529 = arith.constant 11.3137083 : f32
      %mul3A_530 = vector.broadcast %mul3A_529 : f32 to vector<16xf32>
      %mul3A_531 = arith.mulf %get3A_528, %mul3A_530 : vector<16xf32>
      %get3A_532 = arith.index_cast %scan3A_398 : i32 to index
      %get3A_533 = arith.constant 96 : index
      %get3A_534 = tpu.vector_load %arg9[%get3A_532, %get3A_533] {strides = array<i32>} : memref<64x128xf32, #tpu.memory_space<vmem>>, vector<1x16xf32>,
      %get3A_535 = vector.shape_cast %get3A_534 : vector<1x16xf32> to vector<16xf32>
      %add3A_536 = arith.addf %mul3A_531, %get3A_535 : vector<16xf32>
      %swap3A_537 = arith.constant 0 : i32
      %swap3A_538 = arith.index_cast %swap3A_537 : i32 to index
      %swap3A_539 = arith.index_cast %scan3A_398 : i32 to index
      %swap3A_540 = arith.constant 96 : index
      %swap3A_541 = tpu.vector_load %arg8[%swap3A_538, %swap3A_539, %swap3A_540] {strides = array<i32>} : memref<6x64x128xf32, #tpu.memory_space<vmem>>, vector<1x1x16xf32>,
      %swap3A_542 = vector.shape_cast %swap3A_541 : vector<1x1x16xf32> to vector<16xf32>
      %swap3A_543 = vector.shape_cast %add3A_536 : vector<16xf32> to vector<1x1x16xf32>
      tpu.vector_store %arg8[%swap3A_538, %swap3A_539, %swap3A_540], %swap3A_543 {strides = array<i32>} : memref<6x64x128xf32, #tpu.memory_space<vmem>>, vector<1x1x16xf32>,
      %get3A_544 = arith.constant 0 : i32
      %get3A_545 = arith.index_cast %get3A_544 : i32 to index
      %get3A_546 = arith.index_cast %scan3A_398 : i32 to index
      %get3A_547 = arith.constant 112 : index
      %get3A_548 = tpu.vector_load %arg7[%get3A_545, %get3A_546, %get3A_547] {strides = array<i32>} : memref<6x64x128xf32, #tpu.memory_space<vmem>>, vector<1x1x16xf32>,
      %get3A_549 = vector.shape_cast %get3A_548 : vector<1x1x16xf32> to vector<16xf32>
      %mul3A_550 = arith.constant 11.3137083 : f32
      %mul3A_551 = vector.broadcast %mul3A_550 : f32 to vector<16xf32>
      %mul3A_552 = arith.mulf %get3A_549, %mul3A_551 : vector<16xf32>
      %get3A_553 = arith.index_cast %scan3A_398 : i32 to index
      %get3A_554 = arith.constant 112 : index
      %get3A_555 = tpu.vector_load %arg9[%get3A_553, %get3A_554] {strides = array<i32>} : memref<64x128xf32, #tpu.memory_space<vmem>>, vector<1x16xf32>,
      %get3A_556 = vector.shape_cast %get3A_555 : vector<1x16xf32> to vector<16xf32>
      %add3A_557 = arith.addf %mul3A_552, %get3A_556 : vector<16xf32>
      %swap3A_558 = arith.constant 0 : i32
      %swap3A_559 = arith.index_cast %swap3A_558 : i32 to index
      %swap3A_560 = arith.index_cast %scan3A_398 : i32 to index
      %swap3A_561 = arith.constant 112 : index
      %swap3A_562 = tpu.vector_load %arg8[%swap3A_559, %swap3A_560, %swap3A_561] {strides = array<i32>} : memref<6x64x128xf32, #tpu.memory_space<vmem>>, vector<1x1x16xf32>,
      %swap3A_563 = vector.shape_cast %swap3A_562 : vector<1x1x16xf32> to vector<16xf32>
      %swap3A_564 = vector.shape_cast %add3A_557 : vector<16xf32> to vector<1x1x16xf32>
      tpu.vector_store %arg8[%swap3A_559, %swap3A_560, %swap3A_561], %swap3A_564 {strides = array<i32>} : memref<6x64x128xf32, #tpu.memory_space<vmem>>, vector<1x1x16xf32>,
    }
    %scan3A_138 = arith.constant 64 : i32
    %dma_start3A_139 = arith.constant 0 : i32
    %dma_start3A_140 = arith.constant 60 : i32
    %dma_start3A_141 = arith.constant 0 : i32
    %dma_start3A_142 = arith.constant 0 : i32
    %dma_start3A_143 = tpu.memref_slice %arg8[%dma_start3A_139, %dma_start3A_141, %dma_start3A_142] : memref<6x64x128xf32, #tpu.memory_space<vmem>> -> memref<1x64x128xf32, #tpu.memory_space<vmem>>
    %dma_start3A_144 = tpu.memref_squeeze %dma_start3A_143 : memref<1x64x128xf32, #tpu.memory_space<vmem>> -> memref<64x128xf32, #tpu.memory_space<vmem>>
    %dma_start3A_145 = arith.constant 0 : i32
    %dma_start3A_146 = tpu.memref_slice %arg5[%dma_start3A_140, %mul3A_2, %dma_start3A_145] : memref<64x2048x128xf32, #tpu.memory_space<hbm>> -> memref<1x64x128xf32, #tpu.memory_space<hbm>>
    %dma_start3A_147 = tpu.memref_squeeze %dma_start3A_146 : memref<1x64x128xf32, #tpu.memory_space<hbm>> -> memref<64x128xf32, #tpu.memory_space<hbm>>
    %dma_start3A_148 = arith.constant 0 : i32
    %dma_start3A_149 = tpu.memref_slice %arg5[%dma_start3A_140, %mul3A_2, %dma_start3A_148] : memref<64x2048x128xf32, #tpu.memory_space<hbm>> -> memref<1x64x128xf32, #tpu.memory_space<hbm>>
    %dma_start3A_150 = tpu.memref_squeeze %dma_start3A_149 : memref<1x64x128xf32, #tpu.memory_space<hbm>> -> memref<64x128xf32, #tpu.memory_space<hbm>>
    %dma_start3A_151 = arith.constant 0 : i32
    %dma_start3A_152 = arith.constant 0 : i32
    %dma_start3A_153 = tpu.memref_slice %arg8[%dma_start3A_139, %dma_start3A_151, %dma_start3A_152] : memref<6x64x128xf32, #tpu.memory_space<vmem>> -> memref<1x64x128xf32, #tpu.memory_space<vmem>>
    %dma_start3A_154 = tpu.memref_squeeze %dma_start3A_153 : memref<1x64x128xf32, #tpu.memory_space<vmem>> -> memref<64x128xf32, #tpu.memory_space<vmem>>
    tpu.enqueue_dma source(%dma_start3A_154 : memref<64x128xf32, #tpu.memory_space<vmem>>) target(%dma_start3A_150 : memref<64x128xf32, #tpu.memory_space<hbm>>) target_semaphore(%arg16 : memref<!tpu.dma_semaphore, #tpu.memory_space<semaphore_mem>>)
    %dma_wait3A_155 = arith.constant 1 : i32
    %dma_wait3A_156 = arith.constant 1 : i32
    %dma_wait3A_157 = arith.constant 0 : i32
    %dma_wait3A_158 = arith.constant 0 : i32
    %dma_wait3A_159 = tpu.memref_slice %arg7[%dma_wait3A_156, %dma_wait3A_157, %dma_wait3A_158] : memref<6x64x128xf32, #tpu.memory_space<vmem>> -> memref<1x64x128xf32, #tpu.memory_space<vmem>>
    %dma_wait3A_160 = tpu.memref_squeeze %dma_wait3A_159 : memref<1x64x128xf32, #tpu.memory_space<vmem>> -> memref<64x128xf32, #tpu.memory_space<vmem>>
    %dma_wait3A_161 = tpu.memref_slice %arg6[%dma_wait3A_155, %mul3A_36] : memref<64x128xi32, #tpu.memory_space<vmem>> -> memref<1x64xi32, #tpu.memory_space<vmem>>
    %dma_wait3A_162 = tpu.memref_squeeze %dma_wait3A_161 : memref<1x64xi32, #tpu.memory_space<vmem>> -> memref<64xi32, #tpu.memory_space<vmem>>
    %dma_wait3A_163 = arith.constant 0 : i32
    %dma_wait3A_164 = arith.constant 0 : i32
    %dma_wait3A_165 = tpu.memref_slice %arg3[%dma_wait3A_163, %dma_wait3A_164] : memref<100000x128xf32, #tpu.memory_space<hbm>> -> memref<100000x128xf32, #tpu.memory_space<hbm>>
    tpu.wait_indirect_dma semaphore(%arg11 : memref<!tpu.dma_semaphore, #tpu.memory_space<semaphore_mem>>) src(%dma_wait3A_165 : memref<100000x128xf32, #tpu.memory_space<hbm>>) dst(%dma_wait3A_160 : memref<64x128xf32, #tpu.memory_space<vmem>>)
    %dma_wait3A_166 = arith.constant 1 : i32
    %dma_wait3A_167 = arith.constant 55 : i32
    %dma_wait3A_168 = arith.constant 0 : i32
    %dma_wait3A_169 = arith.constant 0 : i32
    %dma_wait3A_170 = tpu.memref_slice %arg8[%dma_wait3A_166, %dma_wait3A_168, %dma_wait3A_169] : memref<6x64x128xf32, #tpu.memory_space<vmem>> -> memref<1x64x128xf32, #tpu.memory_space<vmem>>
    %dma_wait3A_171 = tpu.memref_squeeze %dma_wait3A_170 : memref<1x64x128xf32, #tpu.memory_space<vmem>> -> memref<64x128xf32, #tpu.memory_space<vmem>>
    %dma_wait3A_172 = arith.constant 0 : i32
    %dma_wait3A_173 = tpu.memref_slice %arg5[%dma_wait3A_167, %mul3A_2, %dma_wait3A_172] : memref<64x2048x128xf32, #tpu.memory_space<hbm>> -> memref<1x64x128xf32, #tpu.memory_space<hbm>>
    %dma_wait3A_174 = tpu.memref_squeeze %dma_wait3A_173 : memref<1x64x128xf32, #tpu.memory_space<hbm>> -> memref<64x128xf32, #tpu.memory_space<hbm>>
    %dma_wait3A_175 = arith.constant 0 : i32
    %dma_wait3A_176 = tpu.memref_slice %arg5[%dma_wait3A_167, %mul3A_2, %dma_wait3A_175] : memref<64x2048x128xf32, #tpu.memory_space<hbm>> -> memref<1x64x128xf32, #tpu.memory_space<hbm>>
    %dma_wait3A_177 = tpu.memref_squeeze %dma_wait3A_176 : memref<1x64x128xf32, #tpu.memory_space<hbm>> -> memref<64x128xf32, #tpu.memory_space<hbm>>
    %dma_wait3A_178 = arith.constant 0 : i32
    %dma_wait3A_179 = arith.constant 0 : i32
    %dma_wait3A_180 = tpu.memref_slice %arg8[%dma_wait3A_166, %dma_wait3A_178, %dma_wait3A_179] : memref<6x64x128xf32, #tpu.memory_space<vmem>> -> memref<1x64x128xf32, #tpu.memory_space<vmem>>
    %dma_wait3A_181 = tpu.memref_squeeze %dma_wait3A_180 : memref<1x64x128xf32, #tpu.memory_space<vmem>> -> memref<64x128xf32, #tpu.memory_space<vmem>>
    tpu.wait_dma2 semaphore(%arg17 : memref<!tpu.dma_semaphore, #tpu.memory_space<semaphore_mem>>) src(%dma_wait3A_181 : memref<64x128xf32, #tpu.memory_space<vmem>>) dst(%dma_wait3A_177 : memref<64x128xf32, #tpu.memory_space<hbm>>)
    %scan3A_182 = arith.constant 0 : i32
    %scan3A_183 = arith.constant 0 : i32
    %scan3A_184 = arith.constant 64 : i32
    %scan3A_185 = arith.addi %scan3A_183, %scan3A_184 : i32
    %scan3A_186 = arith.constant 1 : i32
    scf.for %scan3A_398 = %scan3A_183 to %scan3A_185 step %scan3A_186  : i32 {
      %get3A = arith.constant 1 : i32
      %get3A_399 = arith.index_cast %get3A : i32 to index
      %get3A_400 = arith.index_cast %scan3A_398 : i32 to index
      %get3A_401 = arith.constant 0 : index
      %get3A_402 = tpu.vector_load %arg7[%get3A_399, %get3A_400, %get3A_401] {strides = array<i32>} : memref<6x64x128xf32, #tpu.memory_space<vmem>>, vector<1x1x16xf32>,
      %get3A_403 = vector.shape_cast %get3A_402 : vector<1x1x16xf32> to vector<16xf32>
      %mul3A_404 = arith.constant 11.3137083 : f32
      %mul3A_405 = vector.broadcast %mul3A_404 : f32 to vector<16xf32>
      %mul3A_406 = arith.mulf %get3A_403, %mul3A_405 : vector<16xf32>
      %get3A_407 = arith.index_cast %scan3A_398 : i32 to index
      %get3A_408 = arith.constant 0 : index
      %get3A_409 = tpu.vector_load %arg9[%get3A_407, %get3A_408] {strides = array<i32>} : memref<64x128xf32, #tpu.memory_space<vmem>>, vector<1x16xf32>,
      %get3A_410 = vector.shape_cast %get3A_409 : vector<1x16xf32> to vector<16xf32>
      %add3A_411 = arith.addf %mul3A_406, %get3A_410 : vector<16xf32>
      %swap3A = arith.constant 1 : i32
      %swap3A_412 = arith.index_cast %swap3A : i32 to index
      %swap3A_413 = arith.index_cast %scan3A_398 : i32 to index
      %swap3A_414 = arith.constant 0 : index
      %swap3A_415 = tpu.vector_load %arg8[%swap3A_412, %swap3A_413, %swap3A_414] {strides = array<i32>} : memref<6x64x128xf32, #tpu.memory_space<vmem>>, vector<1x1x16xf32>,
      %swap3A_416 = vector.shape_cast %swap3A_415 : vector<1x1x16xf32> to vector<16xf32>
      %swap3A_417 = vector.shape_cast %add3A_411 : vector<16xf32> to vector<1x1x16xf32>
      tpu.vector_store %arg8[%swap3A_412, %swap3A_413, %swap3A_414], %swap3A_417 {strides = array<i32>} : memref<6x64x128xf32, #tpu.memory_space<vmem>>, vector<1x1x16xf32>,
      %get3A_418 = arith.constant 1 : i32
      %get3A_419 = arith.index_cast %get3A_418 : i32 to index
      %get3A_420 = arith.index_cast %scan3A_398 : i32 to index
      %get3A_421 = arith.constant 16 : index
      %get3A_422 = tpu.vector_load %arg7[%get3A_419, %get3A_420, %get3A_421] {strides = array<i32>} : memref<6x64x128xf32, #tpu.memory_space<vmem>>, vector<1x1x16xf32>,
      %get3A_423 = vector.shape_cast %get3A_422 : vector<1x1x16xf32> to vector<16xf32>
      %mul3A_424 = arith.constant 11.3137083 : f32
      %mul3A_425 = vector.broadcast %mul3A_424 : f32 to vector<16xf32>
      %mul3A_426 = arith.mulf %get3A_423, %mul3A_425 : vector<16xf32>
      %get3A_427 = arith.index_cast %scan3A_398 : i32 to index
      %get3A_428 = arith.constant 16 : index
      %get3A_429 = tpu.vector_load %arg9[%get3A_427, %get3A_428] {strides = array<i32>} : memref<64x128xf32, #tpu.memory_space<vmem>>, vector<1x16xf32>,
      %get3A_430 = vector.shape_cast %get3A_429 : vector<1x16xf32> to vector<16xf32>
      %add3A_431 = arith.addf %mul3A_426, %get3A_430 : vector<16xf32>
      %swap3A_432 = arith.constant 1 : i32
      %swap3A_433 = arith.index_cast %swap3A_432 : i32 to index
      %swap3A_434 = arith.index_cast %scan3A_398 : i32 to index
      %swap3A_435 = arith.constant 16 : index
      %swap3A_436 = tpu.vector_load %arg8[%swap3A_433, %swap3A_434, %swap3A_435] {strides = array<i32>} : memref<6x64x128xf32, #tpu.memory_space<vmem>>, vector<1x1x16xf32>,
      %swap3A_437 = vector.shape_cast %swap3A_436 : vector<1x1x16xf32> to vector<16xf32>
      %swap3A_438 = vector.shape_cast %add3A_431 : vector<16xf32> to vector<1x1x16xf32>
      tpu.vector_store %arg8[%swap3A_433, %swap3A_434, %swap3A_435], %swap3A_438 {strides = array<i32>} : memref<6x64x128xf32, #tpu.memory_space<vmem>>, vector<1x1x16xf32>,
      %get3A_439 = arith.constant 1 : i32
      %get3A_440 = arith.index_cast %get3A_439 : i32 to index
      %get3A_441 = arith.index_cast %scan3A_398 : i32 to index
      %get3A_442 = arith.constant 32 : index
      %get3A_443 = tpu.vector_load %arg7[%get3A_440, %get3A_441, %get3A_442] {strides = array<i32>} : memref<6x64x128xf32, #tpu.memory_space<vmem>>, vector<1x1x16xf32>,
      %get3A_444 = vector.shape_cast %get3A_443 : vector<1x1x16xf32> to vector<16xf32>
      %mul3A_445 = arith.constant 11.3137083 : f32
      %mul3A_446 = vector.broadcast %mul3A_445 : f32 to vector<16xf32>
      %mul3A_447 = arith.mulf %get3A_444, %mul3A_446 : vector<16xf32>
      %get3A_448 = arith.index_cast %scan3A_398 : i32 to index
      %get3A_449 = arith.constant 32 : index
      %get3A_450 = tpu.vector_load %arg9[%get3A_448, %get3A_449] {strides = array<i32>} : memref<64x128xf32, #tpu.memory_space<vmem>>, vector<1x16xf32>,
      %get3A_451 = vector.shape_cast %get3A_450 : vector<1x16xf32> to vector<16xf32>
      %add3A_452 = arith.addf %mul3A_447, %get3A_451 : vector<16xf32>
      %swap3A_453 = arith.constant 1 : i32
      %swap3A_454 = arith.index_cast %swap3A_453 : i32 to index
      %swap3A_455 = arith.index_cast %scan3A_398 : i32 to index
      %swap3A_456 = arith.constant 32 : index
      %swap3A_457 = tpu.vector_load %arg8[%swap3A_454, %swap3A_455, %swap3A_456] {strides = array<i32>} : memref<6x64x128xf32, #tpu.memory_space<vmem>>, vector<1x1x16xf32>,
      %swap3A_458 = vector.shape_cast %swap3A_457 : vector<1x1x16xf32> to vector<16xf32>
      %swap3A_459 = vector.shape_cast %add3A_452 : vector<16xf32> to vector<1x1x16xf32>
      tpu.vector_store %arg8[%swap3A_454, %swap3A_455, %swap3A_456], %swap3A_459 {strides = array<i32>} : memref<6x64x128xf32, #tpu.memory_space<vmem>>, vector<1x1x16xf32>,
      %get3A_460 = arith.constant 1 : i32
      %get3A_461 = arith.index_cast %get3A_460 : i32 to index
      %get3A_462 = arith.index_cast %scan3A_398 : i32 to index
      %get3A_463 = arith.constant 48 : index
      %get3A_464 = tpu.vector_load %arg7[%get3A_461, %get3A_462, %get3A_463] {strides = array<i32>} : memref<6x64x128xf32, #tpu.memory_space<vmem>>, vector<1x1x16xf32>,
      %get3A_465 = vector.shape_cast %get3A_464 : vector<1x1x16xf32> to vector<16xf32>
      %mul3A_466 = arith.constant 11.3137083 : f32
      %mul3A_467 = vector.broadcast %mul3A_466 : f32 to vector<16xf32>
      %mul3A_468 = arith.mulf %get3A_465, %mul3A_467 : vector<16xf32>
      %get3A_469 = arith.index_cast %scan3A_398 : i32 to index
      %get3A_470 = arith.constant 48 : index
      %get3A_471 = tpu.vector_load %arg9[%get3A_469, %get3A_470] {strides = array<i32>} : memref<64x128xf32, #tpu.memory_space<vmem>>, vector<1x16xf32>,
      %get3A_472 = vector.shape_cast %get3A_471 : vector<1x16xf32> to vector<16xf32>
      %add3A_473 = arith.addf %mul3A_468, %get3A_472 : vector<16xf32>
      %swap3A_474 = arith.constant 1 : i32
      %swap3A_475 = arith.index_cast %swap3A_474 : i32 to index
      %swap3A_476 = arith.index_cast %scan3A_398 : i32 to index
      %swap3A_477 = arith.constant 48 : index
      %swap3A_478 = tpu.vector_load %arg8[%swap3A_475, %swap3A_476, %swap3A_477] {strides = array<i32>} : memref<6x64x128xf32, #tpu.memory_space<vmem>>, vector<1x1x16xf32>,
      %swap3A_479 = vector.shape_cast %swap3A_478 : vector<1x1x16xf32> to vector<16xf32>
      %swap3A_480 = vector.shape_cast %add3A_473 : vector<16xf32> to vector<1x1x16xf32>
      tpu.vector_store %arg8[%swap3A_475, %swap3A_476, %swap3A_477], %swap3A_480 {strides = array<i32>} : memref<6x64x128xf32, #tpu.memory_space<vmem>>, vector<1x1x16xf32>,
      %get3A_481 = arith.constant 1 : i32
      %get3A_482 = arith.index_cast %get3A_481 : i32 to index
      %get3A_483 = arith.index_cast %scan3A_398 : i32 to index
      %get3A_484 = arith.constant 64 : index
      %get3A_485 = tpu.vector_load %arg7[%get3A_482, %get3A_483, %get3A_484] {strides = array<i32>} : memref<6x64x128xf32, #tpu.memory_space<vmem>>, vector<1x1x16xf32>,
      %get3A_486 = vector.shape_cast %get3A_485 : vector<1x1x16xf32> to vector<16xf32>
      %mul3A_487 = arith.constant 11.3137083 : f32
      %mul3A_488 = vector.broadcast %mul3A_487 : f32 to vector<16xf32>
      %mul3A_489 = arith.mulf %get3A_486, %mul3A_488 : vector<16xf32>
      %get3A_490 = arith.index_cast %scan3A_398 : i32 to index
      %get3A_491 = arith.constant 64 : index
      %get3A_492 = tpu.vector_load %arg9[%get3A_490, %get3A_491] {strides = array<i32>} : memref<64x128xf32, #tpu.memory_space<vmem>>, vector<1x16xf32>,
      %get3A_493 = vector.shape_cast %get3A_492 : vector<1x16xf32> to vector<16xf32>
      %add3A_494 = arith.addf %mul3A_489, %get3A_493 : vector<16xf32>
      %swap3A_495 = arith.constant 1 : i32
      %swap3A_496 = arith.index_cast %swap3A_495 : i32 to index
      %swap3A_497 = arith.index_cast %scan3A_398 : i32 to index
      %swap3A_498 = arith.constant 64 : index
      %swap3A_499 = tpu.vector_load %arg8[%swap3A_496, %swap3A_497, %swap3A_498] {strides = array<i32>} : memref<6x64x128xf32, #tpu.memory_space<vmem>>, vector<1x1x16xf32>,
      %swap3A_500 = vector.shape_cast %swap3A_499 : vector<1x1x16xf32> to vector<16xf32>
      %swap3A_501 = vector.shape_cast %add3A_494 : vector<16xf32> to vector<1x1x16xf32>
      tpu.vector_store %arg8[%swap3A_496, %swap3A_497, %swap3A_498], %swap3A_501 {strides = array<i32>} : memref<6x64x128xf32, #tpu.memory_space<vmem>>, vector<1x1x16xf32>,
      %get3A_502 = arith.constant 1 : i32
      %get3A_503 = arith.index_cast %get3A_502 : i32 to index
      %get3A_504 = arith.index_cast %scan3A_398 : i32 to index
      %get3A_505 = arith.constant 80 : index
      %get3A_506 = tpu.vector_load %arg7[%get3A_503, %get3A_504, %get3A_505] {strides = array<i32>} : memref<6x64x128xf32, #tpu.memory_space<vmem>>, vector<1x1x16xf32>,
      %get3A_507 = vector.shape_cast %get3A_506 : vector<1x1x16xf32> to vector<16xf32>
      %mul3A_508 = arith.constant 11.3137083 : f32
      %mul3A_509 = vector.broadcast %mul3A_508 : f32 to vector<16xf32>
      %mul3A_510 = arith.mulf %get3A_507, %mul3A_509 : vector<16xf32>
      %get3A_511 = arith.index_cast %scan3A_398 : i32 to index
      %get3A_512 = arith.constant 80 : index
      %get3A_513 = tpu.vector_load %arg9[%get3A_511, %get3A_512] {strides = array<i32>} : memref<64x128xf32, #tpu.memory_space<vmem>>, vector<1x16xf32>,
      %get3A_514 = vector.shape_cast %get3A_513 : vector<1x16xf32> to vector<16xf32>
      %add3A_515 = arith.addf %mul3A_510, %get3A_514 : vector<16xf32>
      %swap3A_516 = arith.constant 1 : i32
      %swap3A_517 = arith.index_cast %swap3A_516 : i32 to index
      %swap3A_518 = arith.index_cast %scan3A_398 : i32 to index
      %swap3A_519 = arith.constant 80 : index
      %swap3A_520 = tpu.vector_load %arg8[%swap3A_517, %swap3A_518, %swap3A_519] {strides = array<i32>} : memref<6x64x128xf32, #tpu.memory_space<vmem>>, vector<1x1x16xf32>,
      %swap3A_521 = vector.shape_cast %swap3A_520 : vector<1x1x16xf32> to vector<16xf32>
      %swap3A_522 = vector.shape_cast %add3A_515 : vector<16xf32> to vector<1x1x16xf32>
      tpu.vector_store %arg8[%swap3A_517, %swap3A_518, %swap3A_519], %swap3A_522 {strides = array<i32>} : memref<6x64x128xf32, #tpu.memory_space<vmem>>, vector<1x1x16xf32>,
      %get3A_523 = arith.constant 1 : i32
      %get3A_524 = arith.index_cast %get3A_523 : i32 to index
      %get3A_525 = arith.index_cast %scan3A_398 : i32 to index
      %get3A_526 = arith.constant 96 : index
      %get3A_527 = tpu.vector_load %arg7[%get3A_524, %get3A_525, %get3A_526] {strides = array<i32>} : memref<6x64x128xf32, #tpu.memory_space<vmem>>, vector<1x1x16xf32>,
      %get3A_528 = vector.shape_cast %get3A_527 : vector<1x1x16xf32> to vector<16xf32>
      %mul3A_529 = arith.constant 11.3137083 : f32
      %mul3A_530 = vector.broadcast %mul3A_529 : f32 to vector<16xf32>
      %mul3A_531 = arith.mulf %get3A_528, %mul3A_530 : vector<16xf32>
      %get3A_532 = arith.index_cast %scan3A_398 : i32 to index
      %get3A_533 = arith.constant 96 : index
      %get3A_534 = tpu.vector_load %arg9[%get3A_532, %get3A_533] {strides = array<i32>} : memref<64x128xf32, #tpu.memory_space<vmem>>, vector<1x16xf32>,
      %get3A_535 = vector.shape_cast %get3A_534 : vector<1x16xf32> to vector<16xf32>
      %add3A_536 = arith.addf %mul3A_531, %get3A_535 : vector<16xf32>
      %swap3A_537 = arith.constant 1 : i32
      %swap3A_538 = arith.index_cast %swap3A_537 : i32 to index
      %swap3A_539 = arith.index_cast %scan3A_398 : i32 to index
      %swap3A_540 = arith.constant 96 : index
      %swap3A_541 = tpu.vector_load %arg8[%swap3A_538, %swap3A_539, %swap3A_540] {strides = array<i32>} : memref<6x64x128xf32, #tpu.memory_space<vmem>>, vector<1x1x16xf32>,
      %swap3A_542 = vector.shape_cast %swap3A_541 : vector<1x1x16xf32> to vector<16xf32>
      %swap3A_543 = vector.shape_cast %add3A_536 : vector<16xf32> to vector<1x1x16xf32>
      tpu.vector_store %arg8[%swap3A_538, %swap3A_539, %swap3A_540], %swap3A_543 {strides = array<i32>} : memref<6x64x128xf32, #tpu.memory_space<vmem>>, vector<1x1x16xf32>,
      %get3A_544 = arith.constant 1 : i32
      %get3A_545 = arith.index_cast %get3A_544 : i32 to index
      %get3A_546 = arith.index_cast %scan3A_398 : i32 to index
      %get3A_547 = arith.constant 112 : index
      %get3A_548 = tpu.vector_load %arg7[%get3A_545, %get3A_546, %get3A_547] {strides = array<i32>} : memref<6x64x128xf32, #tpu.memory_space<vmem>>, vector<1x1x16xf32>,
      %get3A_549 = vector.shape_cast %get3A_548 : vector<1x1x16xf32> to vector<16xf32>
      %mul3A_550 = arith.constant 11.3137083 : f32
      %mul3A_551 = vector.broadcast %mul3A_550 : f32 to vector<16xf32>
      %mul3A_552 = arith.mulf %get3A_549, %mul3A_551 : vector<16xf32>
      %get3A_553 = arith.index_cast %scan3A_398 : i32 to index
      %get3A_554 = arith.constant 112 : index
      %get3A_555 = tpu.vector_load %arg9[%get3A_553, %get3A_554] {strides = array<i32>} : memref<64x128xf32, #tpu.memory_space<vmem>>, vector<1x16xf32>,
      %get3A_556 = vector.shape_cast %get3A_555 : vector<1x16xf32> to vector<16xf32>
      %add3A_557 = arith.addf %mul3A_552, %get3A_556 : vector<16xf32>
      %swap3A_558 = arith.constant 1 : i32
      %swap3A_559 = arith.index_cast %swap3A_558 : i32 to index
      %swap3A_560 = arith.index_cast %scan3A_398 : i32 to index
      %swap3A_561 = arith.constant 112 : index
      %swap3A_562 = tpu.vector_load %arg8[%swap3A_559, %swap3A_560, %swap3A_561] {strides = array<i32>} : memref<6x64x128xf32, #tpu.memory_space<vmem>>, vector<1x1x16xf32>,
      %swap3A_563 = vector.shape_cast %swap3A_562 : vector<1x1x16xf32> to vector<16xf32>
      %swap3A_564 = vector.shape_cast %add3A_557 : vector<16xf32> to vector<1x1x16xf32>
      tpu.vector_store %arg8[%swap3A_559, %swap3A_560, %swap3A_561], %swap3A_564 {strides = array<i32>} : memref<6x64x128xf32, #tpu.memory_space<vmem>>, vector<1x1x16xf32>,
    }
    %scan3A_187 = arith.constant 64 : i32
    %dma_start3A_188 = arith.constant 1 : i32
    %dma_start3A_189 = arith.constant 61 : i32
    %dma_start3A_190 = arith.constant 0 : i32
    %dma_start3A_191 = arith.constant 0 : i32
    %dma_start3A_192 = tpu.memref_slice %arg8[%dma_start3A_188, %dma_start3A_190, %dma_start3A_191] : memref<6x64x128xf32, #tpu.memory_space<vmem>> -> memref<1x64x128xf32, #tpu.memory_space<vmem>>
    %dma_start3A_193 = tpu.memref_squeeze %dma_start3A_192 : memref<1x64x128xf32, #tpu.memory_space<vmem>> -> memref<64x128xf32, #tpu.memory_space<vmem>>
    %dma_start3A_194 = arith.constant 0 : i32
    %dma_start3A_195 = tpu.memref_slice %arg5[%dma_start3A_189, %mul3A_2, %dma_start3A_194] : memref<64x2048x128xf32, #tpu.memory_space<hbm>> -> memref<1x64x128xf32, #tpu.memory_space<hbm>>
    %dma_start3A_196 = tpu.memref_squeeze %dma_start3A_195 : memref<1x64x128xf32, #tpu.memory_space<hbm>> -> memref<64x128xf32, #tpu.memory_space<hbm>>
    %dma_start3A_197 = arith.constant 0 : i32
    %dma_start3A_198 = tpu.memref_slice %arg5[%dma_start3A_189, %mul3A_2, %dma_start3A_197] : memref<64x2048x128xf32, #tpu.memory_space<hbm>> -> memref<1x64x128xf32, #tpu.memory_space<hbm>>
    %dma_start3A_199 = tpu.memref_squeeze %dma_start3A_198 : memref<1x64x128xf32, #tpu.memory_space<hbm>> -> memref<64x128xf32, #tpu.memory_space<hbm>>
    %dma_start3A_200 = arith.constant 0 : i32
    %dma_start3A_201 = arith.constant 0 : i32
    %dma_start3A_202 = tpu.memref_slice %arg8[%dma_start3A_188, %dma_start3A_200, %dma_start3A_201] : memref<6x64x128xf32, #tpu.memory_space<vmem>> -> memref<1x64x128xf32, #tpu.memory_space<vmem>>
    %dma_start3A_203 = tpu.memref_squeeze %dma_start3A_202 : memref<1x64x128xf32, #tpu.memory_space<vmem>> -> memref<64x128xf32, #tpu.memory_space<vmem>>
    tpu.enqueue_dma source(%dma_start3A_203 : memref<64x128xf32, #tpu.memory_space<vmem>>) target(%dma_start3A_199 : memref<64x128xf32, #tpu.memory_space<hbm>>) target_semaphore(%arg17 : memref<!tpu.dma_semaphore, #tpu.memory_space<semaphore_mem>>)
    %dma_wait3A_204 = arith.constant 2 : i32
    %dma_wait3A_205 = arith.constant 2 : i32
    %dma_wait3A_206 = arith.constant 0 : i32
    %dma_wait3A_207 = arith.constant 0 : i32
    %dma_wait3A_208 = tpu.memref_slice %arg7[%dma_wait3A_205, %dma_wait3A_206, %dma_wait3A_207] : memref<6x64x128xf32, #tpu.memory_space<vmem>> -> memref<1x64x128xf32, #tpu.memory_space<vmem>>
    %dma_wait3A_209 = tpu.memref_squeeze %dma_wait3A_208 : memref<1x64x128xf32, #tpu.memory_space<vmem>> -> memref<64x128xf32, #tpu.memory_space<vmem>>
    %dma_wait3A_210 = tpu.memref_slice %arg6[%dma_wait3A_204, %mul3A_36] : memref<64x128xi32, #tpu.memory_space<vmem>> -> memref<1x64xi32, #tpu.memory_space<vmem>>
    %dma_wait3A_211 = tpu.memref_squeeze %dma_wait3A_210 : memref<1x64xi32, #tpu.memory_space<vmem>> -> memref<64xi32, #tpu.memory_space<vmem>>
    %dma_wait3A_212 = arith.constant 0 : i32
    %dma_wait3A_213 = arith.constant 0 : i32
    %dma_wait3A_214 = tpu.memref_slice %arg3[%dma_wait3A_212, %dma_wait3A_213] : memref<100000x128xf32, #tpu.memory_space<hbm>> -> memref<100000x128xf32, #tpu.memory_space<hbm>>
    tpu.wait_indirect_dma semaphore(%arg12 : memref<!tpu.dma_semaphore, #tpu.memory_space<semaphore_mem>>) src(%dma_wait3A_214 : memref<100000x128xf32, #tpu.memory_space<hbm>>) dst(%dma_wait3A_209 : memref<64x128xf32, #tpu.memory_space<vmem>>)
    %dma_wait3A_215 = arith.constant 2 : i32
    %dma_wait3A_216 = arith.constant 56 : i32
    %dma_wait3A_217 = arith.constant 0 : i32
    %dma_wait3A_218 = arith.constant 0 : i32
    %dma_wait3A_219 = tpu.memref_slice %arg8[%dma_wait3A_215, %dma_wait3A_217, %dma_wait3A_218] : memref<6x64x128xf32, #tpu.memory_space<vmem>> -> memref<1x64x128xf32, #tpu.memory_space<vmem>>
    %dma_wait3A_220 = tpu.memref_squeeze %dma_wait3A_219 : memref<1x64x128xf32, #tpu.memory_space<vmem>> -> memref<64x128xf32, #tpu.memory_space<vmem>>
    %dma_wait3A_221 = arith.constant 0 : i32
    %dma_wait3A_222 = tpu.memref_slice %arg5[%dma_wait3A_216, %mul3A_2, %dma_wait3A_221] : memref<64x2048x128xf32, #tpu.memory_space<hbm>> -> memref<1x64x128xf32, #tpu.memory_space<hbm>>
    %dma_wait3A_223 = tpu.memref_squeeze %dma_wait3A_222 : memref<1x64x128xf32, #tpu.memory_space<hbm>> -> memref<64x128xf32, #tpu.memory_space<hbm>>
    %dma_wait3A_224 = arith.constant 0 : i32
    %dma_wait3A_225 = tpu.memref_slice %arg5[%dma_wait3A_216, %mul3A_2, %dma_wait3A_224] : memref<64x2048x128xf32, #tpu.memory_space<hbm>> -> memref<1x64x128xf32, #tpu.memory_space<hbm>>
    %dma_wait3A_226 = tpu.memref_squeeze %dma_wait3A_225 : memref<1x64x128xf32, #tpu.memory_space<hbm>> -> memref<64x128xf32, #tpu.memory_space<hbm>>
    %dma_wait3A_227 = arith.constant 0 : i32
    %dma_wait3A_228 = arith.constant 0 : i32
    %dma_wait3A_229 = tpu.memref_slice %arg8[%dma_wait3A_215, %dma_wait3A_227, %dma_wait3A_228] : memref<6x64x128xf32, #tpu.memory_space<vmem>> -> memref<1x64x128xf32, #tpu.memory_space<vmem>>
    %dma_wait3A_230 = tpu.memref_squeeze %dma_wait3A_229 : memref<1x64x128xf32, #tpu.memory_space<vmem>> -> memref<64x128xf32, #tpu.memory_space<vmem>>
    tpu.wait_dma2 semaphore(%arg18 : memref<!tpu.dma_semaphore, #tpu.memory_space<semaphore_mem>>) src(%dma_wait3A_230 : memref<64x128xf32, #tpu.memory_space<vmem>>) dst(%dma_wait3A_226 : memref<64x128xf32, #tpu.memory_space<hbm>>)
    %scan3A_231 = arith.constant 0 : i32
    %scan3A_232 = arith.constant 0 : i32
    %scan3A_233 = arith.constant 64 : i32
    %scan3A_234 = arith.addi %scan3A_232, %scan3A_233 : i32
    %scan3A_235 = arith.constant 1 : i32
    scf.for %scan3A_398 = %scan3A_232 to %scan3A_234 step %scan3A_235  : i32 {
      %get3A = arith.constant 2 : i32
      %get3A_399 = arith.index_cast %get3A : i32 to index
      %get3A_400 = arith.index_cast %scan3A_398 : i32 to index
      %get3A_401 = arith.constant 0 : index
      %get3A_402 = tpu.vector_load %arg7[%get3A_399, %get3A_400, %get3A_401] {strides = array<i32>} : memref<6x64x128xf32, #tpu.memory_space<vmem>>, vector<1x1x16xf32>,
      %get3A_403 = vector.shape_cast %get3A_402 : vector<1x1x16xf32> to vector<16xf32>
      %mul3A_404 = arith.constant 11.3137083 : f32
      %mul3A_405 = vector.broadcast %mul3A_404 : f32 to vector<16xf32>
      %mul3A_406 = arith.mulf %get3A_403, %mul3A_405 : vector<16xf32>
      %get3A_407 = arith.index_cast %scan3A_398 : i32 to index
      %get3A_408 = arith.constant 0 : index
      %get3A_409 = tpu.vector_load %arg9[%get3A_407, %get3A_408] {strides = array<i32>} : memref<64x128xf32, #tpu.memory_space<vmem>>, vector<1x16xf32>,
      %get3A_410 = vector.shape_cast %get3A_409 : vector<1x16xf32> to vector<16xf32>
      %add3A_411 = arith.addf %mul3A_406, %get3A_410 : vector<16xf32>
      %swap3A = arith.constant 2 : i32
      %swap3A_412 = arith.index_cast %swap3A : i32 to index
      %swap3A_413 = arith.index_cast %scan3A_398 : i32 to index
      %swap3A_414 = arith.constant 0 : index
      %swap3A_415 = tpu.vector_load %arg8[%swap3A_412, %swap3A_413, %swap3A_414] {strides = array<i32>} : memref<6x64x128xf32, #tpu.memory_space<vmem>>, vector<1x1x16xf32>,
      %swap3A_416 = vector.shape_cast %swap3A_415 : vector<1x1x16xf32> to vector<16xf32>
      %swap3A_417 = vector.shape_cast %add3A_411 : vector<16xf32> to vector<1x1x16xf32>
      tpu.vector_store %arg8[%swap3A_412, %swap3A_413, %swap3A_414], %swap3A_417 {strides = array<i32>} : memref<6x64x128xf32, #tpu.memory_space<vmem>>, vector<1x1x16xf32>,
      %get3A_418 = arith.constant 2 : i32
      %get3A_419 = arith.index_cast %get3A_418 : i32 to index
      %get3A_420 = arith.index_cast %scan3A_398 : i32 to index
      %get3A_421 = arith.constant 16 : index
      %get3A_422 = tpu.vector_load %arg7[%get3A_419, %get3A_420, %get3A_421] {strides = array<i32>} : memref<6x64x128xf32, #tpu.memory_space<vmem>>, vector<1x1x16xf32>,
      %get3A_423 = vector.shape_cast %get3A_422 : vector<1x1x16xf32> to vector<16xf32>
      %mul3A_424 = arith.constant 11.3137083 : f32
      %mul3A_425 = vector.broadcast %mul3A_424 : f32 to vector<16xf32>
      %mul3A_426 = arith.mulf %get3A_423, %mul3A_425 : vector<16xf32>
      %get3A_427 = arith.index_cast %scan3A_398 : i32 to index
      %get3A_428 = arith.constant 16 : index
      %get3A_429 = tpu.vector_load %arg9[%get3A_427, %get3A_428] {strides = array<i32>} : memref<64x128xf32, #tpu.memory_space<vmem>>, vector<1x16xf32>,
      %get3A_430 = vector.shape_cast %get3A_429 : vector<1x16xf32> to vector<16xf32>
      %add3A_431 = arith.addf %mul3A_426, %get3A_430 : vector<16xf32>
      %swap3A_432 = arith.constant 2 : i32
      %swap3A_433 = arith.index_cast %swap3A_432 : i32 to index
      %swap3A_434 = arith.index_cast %scan3A_398 : i32 to index
      %swap3A_435 = arith.constant 16 : index
      %swap3A_436 = tpu.vector_load %arg8[%swap3A_433, %swap3A_434, %swap3A_435] {strides = array<i32>} : memref<6x64x128xf32, #tpu.memory_space<vmem>>, vector<1x1x16xf32>,
      %swap3A_437 = vector.shape_cast %swap3A_436 : vector<1x1x16xf32> to vector<16xf32>
      %swap3A_438 = vector.shape_cast %add3A_431 : vector<16xf32> to vector<1x1x16xf32>
      tpu.vector_store %arg8[%swap3A_433, %swap3A_434, %swap3A_435], %swap3A_438 {strides = array<i32>} : memref<6x64x128xf32, #tpu.memory_space<vmem>>, vector<1x1x16xf32>,
      %get3A_439 = arith.constant 2 : i32
      %get3A_440 = arith.index_cast %get3A_439 : i32 to index
      %get3A_441 = arith.index_cast %scan3A_398 : i32 to index
      %get3A_442 = arith.constant 32 : index
      %get3A_443 = tpu.vector_load %arg7[%get3A_440, %get3A_441, %get3A_442] {strides = array<i32>} : memref<6x64x128xf32, #tpu.memory_space<vmem>>, vector<1x1x16xf32>,
      %get3A_444 = vector.shape_cast %get3A_443 : vector<1x1x16xf32> to vector<16xf32>
      %mul3A_445 = arith.constant 11.3137083 : f32
      %mul3A_446 = vector.broadcast %mul3A_445 : f32 to vector<16xf32>
      %mul3A_447 = arith.mulf %get3A_444, %mul3A_446 : vector<16xf32>
      %get3A_448 = arith.index_cast %scan3A_398 : i32 to index
      %get3A_449 = arith.constant 32 : index
      %get3A_450 = tpu.vector_load %arg9[%get3A_448, %get3A_449] {strides = array<i32>} : memref<64x128xf32, #tpu.memory_space<vmem>>, vector<1x16xf32>,
      %get3A_451 = vector.shape_cast %get3A_450 : vector<1x16xf32> to vector<16xf32>
      %add3A_452 = arith.addf %mul3A_447, %get3A_451 : vector<16xf32>
      %swap3A_453 = arith.constant 2 : i32
      %swap3A_454 = arith.index_cast %swap3A_453 : i32 to index
      %swap3A_455 = arith.index_cast %scan3A_398 : i32 to index
      %swap3A_456 = arith.constant 32 : index
      %swap3A_457 = tpu.vector_load %arg8[%swap3A_454, %swap3A_455, %swap3A_456] {strides = array<i32>} : memref<6x64x128xf32, #tpu.memory_space<vmem>>, vector<1x1x16xf32>,
      %swap3A_458 = vector.shape_cast %swap3A_457 : vector<1x1x16xf32> to vector<16xf32>
      %swap3A_459 = vector.shape_cast %add3A_452 : vector<16xf32> to vector<1x1x16xf32>
      tpu.vector_store %arg8[%swap3A_454, %swap3A_455, %swap3A_456], %swap3A_459 {strides = array<i32>} : memref<6x64x128xf32, #tpu.memory_space<vmem>>, vector<1x1x16xf32>,
      %get3A_460 = arith.constant 2 : i32
      %get3A_461 = arith.index_cast %get3A_460 : i32 to index
      %get3A_462 = arith.index_cast %scan3A_398 : i32 to index
      %get3A_463 = arith.constant 48 : index
      %get3A_464 = tpu.vector_load %arg7[%get3A_461, %get3A_462, %get3A_463] {strides = array<i32>} : memref<6x64x128xf32, #tpu.memory_space<vmem>>, vector<1x1x16xf32>,
      %get3A_465 = vector.shape_cast %get3A_464 : vector<1x1x16xf32> to vector<16xf32>
      %mul3A_466 = arith.constant 11.3137083 : f32
      %mul3A_467 = vector.broadcast %mul3A_466 : f32 to vector<16xf32>
      %mul3A_468 = arith.mulf %get3A_465, %mul3A_467 : vector<16xf32>
      %get3A_469 = arith.index_cast %scan3A_398 : i32 to index
      %get3A_470 = arith.constant 48 : index
      %get3A_471 = tpu.vector_load %arg9[%get3A_469, %get3A_470] {strides = array<i32>} : memref<64x128xf32, #tpu.memory_space<vmem>>, vector<1x16xf32>,
      %get3A_472 = vector.shape_cast %get3A_471 : vector<1x16xf32> to vector<16xf32>
      %add3A_473 = arith.addf %mul3A_468, %get3A_472 : vector<16xf32>
      %swap3A_474 = arith.constant 2 : i32
      %swap3A_475 = arith.index_cast %swap3A_474 : i32 to index
      %swap3A_476 = arith.index_cast %scan3A_398 : i32 to index
      %swap3A_477 = arith.constant 48 : index
      %swap3A_478 = tpu.vector_load %arg8[%swap3A_475, %swap3A_476, %swap3A_477] {strides = array<i32>} : memref<6x64x128xf32, #tpu.memory_space<vmem>>, vector<1x1x16xf32>,
      %swap3A_479 = vector.shape_cast %swap3A_478 : vector<1x1x16xf32> to vector<16xf32>
      %swap3A_480 = vector.shape_cast %add3A_473 : vector<16xf32> to vector<1x1x16xf32>
      tpu.vector_store %arg8[%swap3A_475, %swap3A_476, %swap3A_477], %swap3A_480 {strides = array<i32>} : memref<6x64x128xf32, #tpu.memory_space<vmem>>, vector<1x1x16xf32>,
      %get3A_481 = arith.constant 2 : i32
      %get3A_482 = arith.index_cast %get3A_481 : i32 to index
      %get3A_483 = arith.index_cast %scan3A_398 : i32 to index
      %get3A_484 = arith.constant 64 : index
      %get3A_485 = tpu.vector_load %arg7[%get3A_482, %get3A_483, %get3A_484] {strides = array<i32>} : memref<6x64x128xf32, #tpu.memory_space<vmem>>, vector<1x1x16xf32>,
      %get3A_486 = vector.shape_cast %get3A_485 : vector<1x1x16xf32> to vector<16xf32>
      %mul3A_487 = arith.constant 11.3137083 : f32
      %mul3A_488 = vector.broadcast %mul3A_487 : f32 to vector<16xf32>
      %mul3A_489 = arith.mulf %get3A_486, %mul3A_488 : vector<16xf32>
      %get3A_490 = arith.index_cast %scan3A_398 : i32 to index
      %get3A_491 = arith.constant 64 : index
      %get3A_492 = tpu.vector_load %arg9[%get3A_490, %get3A_491] {strides = array<i32>} : memref<64x128xf32, #tpu.memory_space<vmem>>, vector<1x16xf32>,
      %get3A_493 = vector.shape_cast %get3A_492 : vector<1x16xf32> to vector<16xf32>
      %add3A_494 = arith.addf %mul3A_489, %get3A_493 : vector<16xf32>
      %swap3A_495 = arith.constant 2 : i32
      %swap3A_496 = arith.index_cast %swap3A_495 : i32 to index
      %swap3A_497 = arith.index_cast %scan3A_398 : i32 to index
      %swap3A_498 = arith.constant 64 : index
      %swap3A_499 = tpu.vector_load %arg8[%swap3A_496, %swap3A_497, %swap3A_498] {strides = array<i32>} : memref<6x64x128xf32, #tpu.memory_space<vmem>>, vector<1x1x16xf32>,
      %swap3A_500 = vector.shape_cast %swap3A_499 : vector<1x1x16xf32> to vector<16xf32>
      %swap3A_501 = vector.shape_cast %add3A_494 : vector<16xf32> to vector<1x1x16xf32>
      tpu.vector_store %arg8[%swap3A_496, %swap3A_497, %swap3A_498], %swap3A_501 {strides = array<i32>} : memref<6x64x128xf32, #tpu.memory_space<vmem>>, vector<1x1x16xf32>,
      %get3A_502 = arith.constant 2 : i32
      %get3A_503 = arith.index_cast %get3A_502 : i32 to index
      %get3A_504 = arith.index_cast %scan3A_398 : i32 to index
      %get3A_505 = arith.constant 80 : index
      %get3A_506 = tpu.vector_load %arg7[%get3A_503, %get3A_504, %get3A_505] {strides = array<i32>} : memref<6x64x128xf32, #tpu.memory_space<vmem>>, vector<1x1x16xf32>,
      %get3A_507 = vector.shape_cast %get3A_506 : vector<1x1x16xf32> to vector<16xf32>
      %mul3A_508 = arith.constant 11.3137083 : f32
      %mul3A_509 = vector.broadcast %mul3A_508 : f32 to vector<16xf32>
      %mul3A_510 = arith.mulf %get3A_507, %mul3A_509 : vector<16xf32>
      %get3A_511 = arith.index_cast %scan3A_398 : i32 to index
      %get3A_512 = arith.constant 80 : index
      %get3A_513 = tpu.vector_load %arg9[%get3A_511, %get3A_512] {strides = array<i32>} : memref<64x128xf32, #tpu.memory_space<vmem>>, vector<1x16xf32>,
      %get3A_514 = vector.shape_cast %get3A_513 : vector<1x16xf32> to vector<16xf32>
      %add3A_515 = arith.addf %mul3A_510, %get3A_514 : vector<16xf32>
      %swap3A_516 = arith.constant 2 : i32
      %swap3A_517 = arith.index_cast %swap3A_516 : i32 to index
      %swap3A_518 = arith.index_cast %scan3A_398 : i32 to index
      %swap3A_519 = arith.constant 80 : index
      %swap3A_520 = tpu.vector_load %arg8[%swap3A_517, %swap3A_518, %swap3A_519] {strides = array<i32>} : memref<6x64x128xf32, #tpu.memory_space<vmem>>, vector<1x1x16xf32>,
      %swap3A_521 = vector.shape_cast %swap3A_520 : vector<1x1x16xf32> to vector<16xf32>
      %swap3A_522 = vector.shape_cast %add3A_515 : vector<16xf32> to vector<1x1x16xf32>
      tpu.vector_store %arg8[%swap3A_517, %swap3A_518, %swap3A_519], %swap3A_522 {strides = array<i32>} : memref<6x64x128xf32, #tpu.memory_space<vmem>>, vector<1x1x16xf32>,
      %get3A_523 = arith.constant 2 : i32
      %get3A_524 = arith.index_cast %get3A_523 : i32 to index
      %get3A_525 = arith.index_cast %scan3A_398 : i32 to index
      %get3A_526 = arith.constant 96 : index
      %get3A_527 = tpu.vector_load %arg7[%get3A_524, %get3A_525, %get3A_526] {strides = array<i32>} : memref<6x64x128xf32, #tpu.memory_space<vmem>>, vector<1x1x16xf32>,
      %get3A_528 = vector.shape_cast %get3A_527 : vector<1x1x16xf32> to vector<16xf32>
      %mul3A_529 = arith.constant 11.3137083 : f32
      %mul3A_530 = vector.broadcast %mul3A_529 : f32 to vector<16xf32>
      %mul3A_531 = arith.mulf %get3A_528, %mul3A_530 : vector<16xf32>
      %get3A_532 = arith.index_cast %scan3A_398 : i32 to index
      %get3A_533 = arith.constant 96 : index
      %get3A_534 = tpu.vector_load %arg9[%get3A_532, %get3A_533] {strides = array<i32>} : memref<64x128xf32, #tpu.memory_space<vmem>>, vector<1x16xf32>,
      %get3A_535 = vector.shape_cast %get3A_534 : vector<1x16xf32> to vector<16xf32>
      %add3A_536 = arith.addf %mul3A_531, %get3A_535 : vector<16xf32>
      %swap3A_537 = arith.constant 2 : i32
      %swap3A_538 = arith.index_cast %swap3A_537 : i32 to index
      %swap3A_539 = arith.index_cast %scan3A_398 : i32 to index
      %swap3A_540 = arith.constant 96 : index
      %swap3A_541 = tpu.vector_load %arg8[%swap3A_538, %swap3A_539, %swap3A_540] {strides = array<i32>} : memref<6x64x128xf32, #tpu.memory_space<vmem>>, vector<1x1x16xf32>,
      %swap3A_542 = vector.shape_cast %swap3A_541 : vector<1x1x16xf32> to vector<16xf32>
      %swap3A_543 = vector.shape_cast %add3A_536 : vector<16xf32> to vector<1x1x16xf32>
      tpu.vector_store %arg8[%swap3A_538, %swap3A_539, %swap3A_540], %swap3A_543 {strides = array<i32>} : memref<6x64x128xf32, #tpu.memory_space<vmem>>, vector<1x1x16xf32>,
      %get3A_544 = arith.constant 2 : i32
      %get3A_545 = arith.index_cast %get3A_544 : i32 to index
      %get3A_546 = arith.index_cast %scan3A_398 : i32 to index
      %get3A_547 = arith.constant 112 : index
      %get3A_548 = tpu.vector_load %arg7[%get3A_545, %get3A_546, %get3A_547] {strides = array<i32>} : memref<6x64x128xf32, #tpu.memory_space<vmem>>, vector<1x1x16xf32>,
      %get3A_549 = vector.shape_cast %get3A_548 : vector<1x1x16xf32> to vector<16xf32>
      %mul3A_550 = arith.constant 11.3137083 : f32
      %mul3A_551 = vector.broadcast %mul3A_550 : f32 to vector<16xf32>
      %mul3A_552 = arith.mulf %get3A_549, %mul3A_551 : vector<16xf32>
      %get3A_553 = arith.index_cast %scan3A_398 : i32 to index
      %get3A_554 = arith.constant 112 : index
      %get3A_555 = tpu.vector_load %arg9[%get3A_553, %get3A_554] {strides = array<i32>} : memref<64x128xf32, #tpu.memory_space<vmem>>, vector<1x16xf32>,
      %get3A_556 = vector.shape_cast %get3A_555 : vector<1x16xf32> to vector<16xf32>
      %add3A_557 = arith.addf %mul3A_552, %get3A_556 : vector<16xf32>
      %swap3A_558 = arith.constant 2 : i32
      %swap3A_559 = arith.index_cast %swap3A_558 : i32 to index
      %swap3A_560 = arith.index_cast %scan3A_398 : i32 to index
      %swap3A_561 = arith.constant 112 : index
      %swap3A_562 = tpu.vector_load %arg8[%swap3A_559, %swap3A_560, %swap3A_561] {strides = array<i32>} : memref<6x64x128xf32, #tpu.memory_space<vmem>>, vector<1x1x16xf32>,
      %swap3A_563 = vector.shape_cast %swap3A_562 : vector<1x1x16xf32> to vector<16xf32>
      %swap3A_564 = vector.shape_cast %add3A_557 : vector<16xf32> to vector<1x1x16xf32>
      tpu.vector_store %arg8[%swap3A_559, %swap3A_560, %swap3A_561], %swap3A_564 {strides = array<i32>} : memref<6x64x128xf32, #tpu.memory_space<vmem>>, vector<1x1x16xf32>,
    }
    %scan3A_236 = arith.constant 64 : i32
    %dma_start3A_237 = arith.constant 2 : i32
    %dma_start3A_238 = arith.constant 62 : i32
    %dma_start3A_239 = arith.constant 0 : i32
    %dma_start3A_240 = arith.constant 0 : i32
    %dma_start3A_241 = tpu.memref_slice %arg8[%dma_start3A_237, %dma_start3A_239, %dma_start3A_240] : memref<6x64x128xf32, #tpu.memory_space<vmem>> -> memref<1x64x128xf32, #tpu.memory_space<vmem>>
    %dma_start3A_242 = tpu.memref_squeeze %dma_start3A_241 : memref<1x64x128xf32, #tpu.memory_space<vmem>> -> memref<64x128xf32, #tpu.memory_space<vmem>>
    %dma_start3A_243 = arith.constant 0 : i32
    %dma_start3A_244 = tpu.memref_slice %arg5[%dma_start3A_238, %mul3A_2, %dma_start3A_243] : memref<64x2048x128xf32, #tpu.memory_space<hbm>> -> memref<1x64x128xf32, #tpu.memory_space<hbm>>
    %dma_start3A_245 = tpu.memref_squeeze %dma_start3A_244 : memref<1x64x128xf32, #tpu.memory_space<hbm>> -> memref<64x128xf32, #tpu.memory_space<hbm>>
    %dma_start3A_246 = arith.constant 0 : i32
    %dma_start3A_247 = tpu.memref_slice %arg5[%dma_start3A_238, %mul3A_2, %dma_start3A_246] : memref<64x2048x128xf32, #tpu.memory_space<hbm>> -> memref<1x64x128xf32, #tpu.memory_space<hbm>>
    %dma_start3A_248 = tpu.memref_squeeze %dma_start3A_247 : memref<1x64x128xf32, #tpu.memory_space<hbm>> -> memref<64x128xf32, #tpu.memory_space<hbm>>
    %dma_start3A_249 = arith.constant 0 : i32
    %dma_start3A_250 = arith.constant 0 : i32
    %dma_start3A_251 = tpu.memref_slice %arg8[%dma_start3A_237, %dma_start3A_249, %dma_start3A_250] : memref<6x64x128xf32, #tpu.memory_space<vmem>> -> memref<1x64x128xf32, #tpu.memory_space<vmem>>
    %dma_start3A_252 = tpu.memref_squeeze %dma_start3A_251 : memref<1x64x128xf32, #tpu.memory_space<vmem>> -> memref<64x128xf32, #tpu.memory_space<vmem>>
    tpu.enqueue_dma source(%dma_start3A_252 : memref<64x128xf32, #tpu.memory_space<vmem>>) target(%dma_start3A_248 : memref<64x128xf32, #tpu.memory_space<hbm>>) target_semaphore(%arg18 : memref<!tpu.dma_semaphore, #tpu.memory_space<semaphore_mem>>)
    %dma_wait3A_253 = arith.constant 3 : i32
    %dma_wait3A_254 = arith.constant 3 : i32
    %dma_wait3A_255 = arith.constant 0 : i32
    %dma_wait3A_256 = arith.constant 0 : i32
    %dma_wait3A_257 = tpu.memref_slice %arg7[%dma_wait3A_254, %dma_wait3A_255, %dma_wait3A_256] : memref<6x64x128xf32, #tpu.memory_space<vmem>> -> memref<1x64x128xf32, #tpu.memory_space<vmem>>
    %dma_wait3A_258 = tpu.memref_squeeze %dma_wait3A_257 : memref<1x64x128xf32, #tpu.memory_space<vmem>> -> memref<64x128xf32, #tpu.memory_space<vmem>>
    %dma_wait3A_259 = tpu.memref_slice %arg6[%dma_wait3A_253, %mul3A_36] : memref<64x128xi32, #tpu.memory_space<vmem>> -> memref<1x64xi32, #tpu.memory_space<vmem>>
    %dma_wait3A_260 = tpu.memref_squeeze %dma_wait3A_259 : memref<1x64xi32, #tpu.memory_space<vmem>> -> memref<64xi32, #tpu.memory_space<vmem>>
    %dma_wait3A_261 = arith.constant 0 : i32
    %dma_wait3A_262 = arith.constant 0 : i32
    %dma_wait3A_263 = tpu.memref_slice %arg3[%dma_wait3A_261, %dma_wait3A_262] : memref<100000x128xf32, #tpu.memory_space<hbm>> -> memref<100000x128xf32, #tpu.memory_space<hbm>>
    tpu.wait_indirect_dma semaphore(%arg13 : memref<!tpu.dma_semaphore, #tpu.memory_space<semaphore_mem>>) src(%dma_wait3A_263 : memref<100000x128xf32, #tpu.memory_space<hbm>>) dst(%dma_wait3A_258 : memref<64x128xf32, #tpu.memory_space<vmem>>)
    %dma_wait3A_264 = arith.constant 3 : i32
    %dma_wait3A_265 = arith.constant 57 : i32
    %dma_wait3A_266 = arith.constant 0 : i32
    %dma_wait3A_267 = arith.constant 0 : i32
    %dma_wait3A_268 = tpu.memref_slice %arg8[%dma_wait3A_264, %dma_wait3A_266, %dma_wait3A_267] : memref<6x64x128xf32, #tpu.memory_space<vmem>> -> memref<1x64x128xf32, #tpu.memory_space<vmem>>
    %dma_wait3A_269 = tpu.memref_squeeze %dma_wait3A_268 : memref<1x64x128xf32, #tpu.memory_space<vmem>> -> memref<64x128xf32, #tpu.memory_space<vmem>>
    %dma_wait3A_270 = arith.constant 0 : i32
    %dma_wait3A_271 = tpu.memref_slice %arg5[%dma_wait3A_265, %mul3A_2, %dma_wait3A_270] : memref<64x2048x128xf32, #tpu.memory_space<hbm>> -> memref<1x64x128xf32, #tpu.memory_space<hbm>>
    %dma_wait3A_272 = tpu.memref_squeeze %dma_wait3A_271 : memref<1x64x128xf32, #tpu.memory_space<hbm>> -> memref<64x128xf32, #tpu.memory_space<hbm>>
    %dma_wait3A_273 = arith.constant 0 : i32
    %dma_wait3A_274 = tpu.memref_slice %arg5[%dma_wait3A_265, %mul3A_2, %dma_wait3A_273] : memref<64x2048x128xf32, #tpu.memory_space<hbm>> -> memref<1x64x128xf32, #tpu.memory_space<hbm>>
    %dma_wait3A_275 = tpu.memref_squeeze %dma_wait3A_274 : memref<1x64x128xf32, #tpu.memory_space<hbm>> -> memref<64x128xf32, #tpu.memory_space<hbm>>
    %dma_wait3A_276 = arith.constant 0 : i32
    %dma_wait3A_277 = arith.constant 0 : i32
    %dma_wait3A_278 = tpu.memref_slice %arg8[%dma_wait3A_264, %dma_wait3A_276, %dma_wait3A_277] : memref<6x64x128xf32, #tpu.memory_space<vmem>> -> memref<1x64x128xf32, #tpu.memory_space<vmem>>
    %dma_wait3A_279 = tpu.memref_squeeze %dma_wait3A_278 : memref<1x64x128xf32, #tpu.memory_space<vmem>> -> memref<64x128xf32, #tpu.memory_space<vmem>>
    tpu.wait_dma2 semaphore(%arg19 : memref<!tpu.dma_semaphore, #tpu.memory_space<semaphore_mem>>) src(%dma_wait3A_279 : memref<64x128xf32, #tpu.memory_space<vmem>>) dst(%dma_wait3A_275 : memref<64x128xf32, #tpu.memory_space<hbm>>)
    %scan3A_280 = arith.constant 0 : i32
    %scan3A_281 = arith.constant 0 : i32
    %scan3A_282 = arith.constant 64 : i32
    %scan3A_283 = arith.addi %scan3A_281, %scan3A_282 : i32
    %scan3A_284 = arith.constant 1 : i32
    scf.for %scan3A_398 = %scan3A_281 to %scan3A_283 step %scan3A_284  : i32 {
      %get3A = arith.constant 3 : i32
      %get3A_399 = arith.index_cast %get3A : i32 to index
      %get3A_400 = arith.index_cast %scan3A_398 : i32 to index
      %get3A_401 = arith.constant 0 : index
      %get3A_402 = tpu.vector_load %arg7[%get3A_399, %get3A_400, %get3A_401] {strides = array<i32>} : memref<6x64x128xf32, #tpu.memory_space<vmem>>, vector<1x1x16xf32>,
      %get3A_403 = vector.shape_cast %get3A_402 : vector<1x1x16xf32> to vector<16xf32>
      %mul3A_404 = arith.constant 11.3137083 : f32
      %mul3A_405 = vector.broadcast %mul3A_404 : f32 to vector<16xf32>
      %mul3A_406 = arith.mulf %get3A_403, %mul3A_405 : vector<16xf32>
      %get3A_407 = arith.index_cast %scan3A_398 : i32 to index
      %get3A_408 = arith.constant 0 : index
      %get3A_409 = tpu.vector_load %arg9[%get3A_407, %get3A_408] {strides = array<i32>} : memref<64x128xf32, #tpu.memory_space<vmem>>, vector<1x16xf32>,
      %get3A_410 = vector.shape_cast %get3A_409 : vector<1x16xf32> to vector<16xf32>
      %add3A_411 = arith.addf %mul3A_406, %get3A_410 : vector<16xf32>
      %swap3A = arith.constant 3 : i32
      %swap3A_412 = arith.index_cast %swap3A : i32 to index
      %swap3A_413 = arith.index_cast %scan3A_398 : i32 to index
      %swap3A_414 = arith.constant 0 : index
      %swap3A_415 = tpu.vector_load %arg8[%swap3A_412, %swap3A_413, %swap3A_414] {strides = array<i32>} : memref<6x64x128xf32, #tpu.memory_space<vmem>>, vector<1x1x16xf32>,
      %swap3A_416 = vector.shape_cast %swap3A_415 : vector<1x1x16xf32> to vector<16xf32>
      %swap3A_417 = vector.shape_cast %add3A_411 : vector<16xf32> to vector<1x1x16xf32>
      tpu.vector_store %arg8[%swap3A_412, %swap3A_413, %swap3A_414], %swap3A_417 {strides = array<i32>} : memref<6x64x128xf32, #tpu.memory_space<vmem>>, vector<1x1x16xf32>,
      %get3A_418 = arith.constant 3 : i32
      %get3A_419 = arith.index_cast %get3A_418 : i32 to index
      %get3A_420 = arith.index_cast %scan3A_398 : i32 to index
      %get3A_421 = arith.constant 16 : index
      %get3A_422 = tpu.vector_load %arg7[%get3A_419, %get3A_420, %get3A_421] {strides = array<i32>} : memref<6x64x128xf32, #tpu.memory_space<vmem>>, vector<1x1x16xf32>,
      %get3A_423 = vector.shape_cast %get3A_422 : vector<1x1x16xf32> to vector<16xf32>
      %mul3A_424 = arith.constant 11.3137083 : f32
      %mul3A_425 = vector.broadcast %mul3A_424 : f32 to vector<16xf32>
      %mul3A_426 = arith.mulf %get3A_423, %mul3A_425 : vector<16xf32>
      %get3A_427 = arith.index_cast %scan3A_398 : i32 to index
      %get3A_428 = arith.constant 16 : index
      %get3A_429 = tpu.vector_load %arg9[%get3A_427, %get3A_428] {strides = array<i32>} : memref<64x128xf32, #tpu.memory_space<vmem>>, vector<1x16xf32>,
      %get3A_430 = vector.shape_cast %get3A_429 : vector<1x16xf32> to vector<16xf32>
      %add3A_431 = arith.addf %mul3A_426, %get3A_430 : vector<16xf32>
      %swap3A_432 = arith.constant 3 : i32
      %swap3A_433 = arith.index_cast %swap3A_432 : i32 to index
      %swap3A_434 = arith.index_cast %scan3A_398 : i32 to index
      %swap3A_435 = arith.constant 16 : index
      %swap3A_436 = tpu.vector_load %arg8[%swap3A_433, %swap3A_434, %swap3A_435] {strides = array<i32>} : memref<6x64x128xf32, #tpu.memory_space<vmem>>, vector<1x1x16xf32>,
      %swap3A_437 = vector.shape_cast %swap3A_436 : vector<1x1x16xf32> to vector<16xf32>
      %swap3A_438 = vector.shape_cast %add3A_431 : vector<16xf32> to vector<1x1x16xf32>
      tpu.vector_store %arg8[%swap3A_433, %swap3A_434, %swap3A_435], %swap3A_438 {strides = array<i32>} : memref<6x64x128xf32, #tpu.memory_space<vmem>>, vector<1x1x16xf32>,
      %get3A_439 = arith.constant 3 : i32
      %get3A_440 = arith.index_cast %get3A_439 : i32 to index
      %get3A_441 = arith.index_cast %scan3A_398 : i32 to index
      %get3A_442 = arith.constant 32 : index
      %get3A_443 = tpu.vector_load %arg7[%get3A_440, %get3A_441, %get3A_442] {strides = array<i32>} : memref<6x64x128xf32, #tpu.memory_space<vmem>>, vector<1x1x16xf32>,
      %get3A_444 = vector.shape_cast %get3A_443 : vector<1x1x16xf32> to vector<16xf32>
      %mul3A_445 = arith.constant 11.3137083 : f32
      %mul3A_446 = vector.broadcast %mul3A_445 : f32 to vector<16xf32>
      %mul3A_447 = arith.mulf %get3A_444, %mul3A_446 : vector<16xf32>
      %get3A_448 = arith.index_cast %scan3A_398 : i32 to index
      %get3A_449 = arith.constant 32 : index
      %get3A_450 = tpu.vector_load %arg9[%get3A_448, %get3A_449] {strides = array<i32>} : memref<64x128xf32, #tpu.memory_space<vmem>>, vector<1x16xf32>,
      %get3A_451 = vector.shape_cast %get3A_450 : vector<1x16xf32> to vector<16xf32>
      %add3A_452 = arith.addf %mul3A_447, %get3A_451 : vector<16xf32>
      %swap3A_453 = arith.constant 3 : i32
      %swap3A_454 = arith.index_cast %swap3A_453 : i32 to index
      %swap3A_455 = arith.index_cast %scan3A_398 : i32 to index
      %swap3A_456 = arith.constant 32 : index
      %swap3A_457 = tpu.vector_load %arg8[%swap3A_454, %swap3A_455, %swap3A_456] {strides = array<i32>} : memref<6x64x128xf32, #tpu.memory_space<vmem>>, vector<1x1x16xf32>,
      %swap3A_458 = vector.shape_cast %swap3A_457 : vector<1x1x16xf32> to vector<16xf32>
      %swap3A_459 = vector.shape_cast %add3A_452 : vector<16xf32> to vector<1x1x16xf32>
      tpu.vector_store %arg8[%swap3A_454, %swap3A_455, %swap3A_456], %swap3A_459 {strides = array<i32>} : memref<6x64x128xf32, #tpu.memory_space<vmem>>, vector<1x1x16xf32>,
      %get3A_460 = arith.constant 3 : i32
      %get3A_461 = arith.index_cast %get3A_460 : i32 to index
      %get3A_462 = arith.index_cast %scan3A_398 : i32 to index
      %get3A_463 = arith.constant 48 : index
      %get3A_464 = tpu.vector_load %arg7[%get3A_461, %get3A_462, %get3A_463] {strides = array<i32>} : memref<6x64x128xf32, #tpu.memory_space<vmem>>, vector<1x1x16xf32>,
      %get3A_465 = vector.shape_cast %get3A_464 : vector<1x1x16xf32> to vector<16xf32>
      %mul3A_466 = arith.constant 11.3137083 : f32
      %mul3A_467 = vector.broadcast %mul3A_466 : f32 to vector<16xf32>
      %mul3A_468 = arith.mulf %get3A_465, %mul3A_467 : vector<16xf32>
      %get3A_469 = arith.index_cast %scan3A_398 : i32 to index
      %get3A_470 = arith.constant 48 : index
      %get3A_471 = tpu.vector_load %arg9[%get3A_469, %get3A_470] {strides = array<i32>} : memref<64x128xf32, #tpu.memory_space<vmem>>, vector<1x16xf32>,
      %get3A_472 = vector.shape_cast %get3A_471 : vector<1x16xf32> to vector<16xf32>
      %add3A_473 = arith.addf %mul3A_468, %get3A_472 : vector<16xf32>
      %swap3A_474 = arith.constant 3 : i32
      %swap3A_475 = arith.index_cast %swap3A_474 : i32 to index
      %swap3A_476 = arith.index_cast %scan3A_398 : i32 to index
      %swap3A_477 = arith.constant 48 : index
      %swap3A_478 = tpu.vector_load %arg8[%swap3A_475, %swap3A_476, %swap3A_477] {strides = array<i32>} : memref<6x64x128xf32, #tpu.memory_space<vmem>>, vector<1x1x16xf32>,
      %swap3A_479 = vector.shape_cast %swap3A_478 : vector<1x1x16xf32> to vector<16xf32>
      %swap3A_480 = vector.shape_cast %add3A_473 : vector<16xf32> to vector<1x1x16xf32>
      tpu.vector_store %arg8[%swap3A_475, %swap3A_476, %swap3A_477], %swap3A_480 {strides = array<i32>} : memref<6x64x128xf32, #tpu.memory_space<vmem>>, vector<1x1x16xf32>,
      %get3A_481 = arith.constant 3 : i32
      %get3A_482 = arith.index_cast %get3A_481 : i32 to index
      %get3A_483 = arith.index_cast %scan3A_398 : i32 to index
      %get3A_484 = arith.constant 64 : index
      %get3A_485 = tpu.vector_load %arg7[%get3A_482, %get3A_483, %get3A_484] {strides = array<i32>} : memref<6x64x128xf32, #tpu.memory_space<vmem>>, vector<1x1x16xf32>,
      %get3A_486 = vector.shape_cast %get3A_485 : vector<1x1x16xf32> to vector<16xf32>
      %mul3A_487 = arith.constant 11.3137083 : f32
      %mul3A_488 = vector.broadcast %mul3A_487 : f32 to vector<16xf32>
      %mul3A_489 = arith.mulf %get3A_486, %mul3A_488 : vector<16xf32>
      %get3A_490 = arith.index_cast %scan3A_398 : i32 to index
      %get3A_491 = arith.constant 64 : index
      %get3A_492 = tpu.vector_load %arg9[%get3A_490, %get3A_491] {strides = array<i32>} : memref<64x128xf32, #tpu.memory_space<vmem>>, vector<1x16xf32>,
      %get3A_493 = vector.shape_cast %get3A_492 : vector<1x16xf32> to vector<16xf32>
      %add3A_494 = arith.addf %mul3A_489, %get3A_493 : vector<16xf32>
      %swap3A_495 = arith.constant 3 : i32
      %swap3A_496 = arith.index_cast %swap3A_495 : i32 to index
      %swap3A_497 = arith.index_cast %scan3A_398 : i32 to index
      %swap3A_498 = arith.constant 64 : index
      %swap3A_499 = tpu.vector_load %arg8[%swap3A_496, %swap3A_497, %swap3A_498] {strides = array<i32>} : memref<6x64x128xf32, #tpu.memory_space<vmem>>, vector<1x1x16xf32>,
      %swap3A_500 = vector.shape_cast %swap3A_499 : vector<1x1x16xf32> to vector<16xf32>
      %swap3A_501 = vector.shape_cast %add3A_494 : vector<16xf32> to vector<1x1x16xf32>
      tpu.vector_store %arg8[%swap3A_496, %swap3A_497, %swap3A_498], %swap3A_501 {strides = array<i32>} : memref<6x64x128xf32, #tpu.memory_space<vmem>>, vector<1x1x16xf32>,
      %get3A_502 = arith.constant 3 : i32
      %get3A_503 = arith.index_cast %get3A_502 : i32 to index
      %get3A_504 = arith.index_cast %scan3A_398 : i32 to index
      %get3A_505 = arith.constant 80 : index
      %get3A_506 = tpu.vector_load %arg7[%get3A_503, %get3A_504, %get3A_505] {strides = array<i32>} : memref<6x64x128xf32, #tpu.memory_space<vmem>>, vector<1x1x16xf32>,
      %get3A_507 = vector.shape_cast %get3A_506 : vector<1x1x16xf32> to vector<16xf32>
      %mul3A_508 = arith.constant 11.3137083 : f32
      %mul3A_509 = vector.broadcast %mul3A_508 : f32 to vector<16xf32>
      %mul3A_510 = arith.mulf %get3A_507, %mul3A_509 : vector<16xf32>
      %get3A_511 = arith.index_cast %scan3A_398 : i32 to index
      %get3A_512 = arith.constant 80 : index
      %get3A_513 = tpu.vector_load %arg9[%get3A_511, %get3A_512] {strides = array<i32>} : memref<64x128xf32, #tpu.memory_space<vmem>>, vector<1x16xf32>,
      %get3A_514 = vector.shape_cast %get3A_513 : vector<1x16xf32> to vector<16xf32>
      %add3A_515 = arith.addf %mul3A_510, %get3A_514 : vector<16xf32>
      %swap3A_516 = arith.constant 3 : i32
      %swap3A_517 = arith.index_cast %swap3A_516 : i32 to index
      %swap3A_518 = arith.index_cast %scan3A_398 : i32 to index
      %swap3A_519 = arith.constant 80 : index
      %swap3A_520 = tpu.vector_load %arg8[%swap3A_517, %swap3A_518, %swap3A_519] {strides = array<i32>} : memref<6x64x128xf32, #tpu.memory_space<vmem>>, vector<1x1x16xf32>,
      %swap3A_521 = vector.shape_cast %swap3A_520 : vector<1x1x16xf32> to vector<16xf32>
      %swap3A_522 = vector.shape_cast %add3A_515 : vector<16xf32> to vector<1x1x16xf32>
      tpu.vector_store %arg8[%swap3A_517, %swap3A_518, %swap3A_519], %swap3A_522 {strides = array<i32>} : memref<6x64x128xf32, #tpu.memory_space<vmem>>, vector<1x1x16xf32>,
      %get3A_523 = arith.constant 3 : i32
      %get3A_524 = arith.index_cast %get3A_523 : i32 to index
      %get3A_525 = arith.index_cast %scan3A_398 : i32 to index
      %get3A_526 = arith.constant 96 : index
      %get3A_527 = tpu.vector_load %arg7[%get3A_524, %get3A_525, %get3A_526] {strides = array<i32>} : memref<6x64x128xf32, #tpu.memory_space<vmem>>, vector<1x1x16xf32>,
      %get3A_528 = vector.shape_cast %get3A_527 : vector<1x1x16xf32> to vector<16xf32>
      %mul3A_529 = arith.constant 11.3137083 : f32
      %mul3A_530 = vector.broadcast %mul3A_529 : f32 to vector<16xf32>
      %mul3A_531 = arith.mulf %get3A_528, %mul3A_530 : vector<16xf32>
      %get3A_532 = arith.index_cast %scan3A_398 : i32 to index
      %get3A_533 = arith.constant 96 : index
      %get3A_534 = tpu.vector_load %arg9[%get3A_532, %get3A_533] {strides = array<i32>} : memref<64x128xf32, #tpu.memory_space<vmem>>, vector<1x16xf32>,
      %get3A_535 = vector.shape_cast %get3A_534 : vector<1x16xf32> to vector<16xf32>
      %add3A_536 = arith.addf %mul3A_531, %get3A_535 : vector<16xf32>
      %swap3A_537 = arith.constant 3 : i32
      %swap3A_538 = arith.index_cast %swap3A_537 : i32 to index
      %swap3A_539 = arith.index_cast %scan3A_398 : i32 to index
      %swap3A_540 = arith.constant 96 : index
      %swap3A_541 = tpu.vector_load %arg8[%swap3A_538, %swap3A_539, %swap3A_540] {strides = array<i32>} : memref<6x64x128xf32, #tpu.memory_space<vmem>>, vector<1x1x16xf32>,
      %swap3A_542 = vector.shape_cast %swap3A_541 : vector<1x1x16xf32> to vector<16xf32>
      %swap3A_543 = vector.shape_cast %add3A_536 : vector<16xf32> to vector<1x1x16xf32>
      tpu.vector_store %arg8[%swap3A_538, %swap3A_539, %swap3A_540], %swap3A_543 {strides = array<i32>} : memref<6x64x128xf32, #tpu.memory_space<vmem>>, vector<1x1x16xf32>,
      %get3A_544 = arith.constant 3 : i32
      %get3A_545 = arith.index_cast %get3A_544 : i32 to index
      %get3A_546 = arith.index_cast %scan3A_398 : i32 to index
      %get3A_547 = arith.constant 112 : index
      %get3A_548 = tpu.vector_load %arg7[%get3A_545, %get3A_546, %get3A_547] {strides = array<i32>} : memref<6x64x128xf32, #tpu.memory_space<vmem>>, vector<1x1x16xf32>,
      %get3A_549 = vector.shape_cast %get3A_548 : vector<1x1x16xf32> to vector<16xf32>
      %mul3A_550 = arith.constant 11.3137083 : f32
      %mul3A_551 = vector.broadcast %mul3A_550 : f32 to vector<16xf32>
      %mul3A_552 = arith.mulf %get3A_549, %mul3A_551 : vector<16xf32>
      %get3A_553 = arith.index_cast %scan3A_398 : i32 to index
      %get3A_554 = arith.constant 112 : index
      %get3A_555 = tpu.vector_load %arg9[%get3A_553, %get3A_554] {strides = array<i32>} : memref<64x128xf32, #tpu.memory_space<vmem>>, vector<1x16xf32>,
      %get3A_556 = vector.shape_cast %get3A_555 : vector<1x16xf32> to vector<16xf32>
      %add3A_557 = arith.addf %mul3A_552, %get3A_556 : vector<16xf32>
      %swap3A_558 = arith.constant 3 : i32
      %swap3A_559 = arith.index_cast %swap3A_558 : i32 to index
      %swap3A_560 = arith.index_cast %scan3A_398 : i32 to index
      %swap3A_561 = arith.constant 112 : index
      %swap3A_562 = tpu.vector_load %arg8[%swap3A_559, %swap3A_560, %swap3A_561] {strides = array<i32>} : memref<6x64x128xf32, #tpu.memory_space<vmem>>, vector<1x1x16xf32>,
      %swap3A_563 = vector.shape_cast %swap3A_562 : vector<1x1x16xf32> to vector<16xf32>
      %swap3A_564 = vector.shape_cast %add3A_557 : vector<16xf32> to vector<1x1x16xf32>
      tpu.vector_store %arg8[%swap3A_559, %swap3A_560, %swap3A_561], %swap3A_564 {strides = array<i32>} : memref<6x64x128xf32, #tpu.memory_space<vmem>>, vector<1x1x16xf32>,
    }
    %scan3A_285 = arith.constant 64 : i32
    %dma_start3A_286 = arith.constant 3 : i32
    %dma_start3A_287 = arith.constant 63 : i32
    %dma_start3A_288 = arith.constant 0 : i32
    %dma_start3A_289 = arith.constant 0 : i32
    %dma_start3A_290 = tpu.memref_slice %arg8[%dma_start3A_286, %dma_start3A_288, %dma_start3A_289] : memref<6x64x128xf32, #tpu.memory_space<vmem>> -> memref<1x64x128xf32, #tpu.memory_space<vmem>>
    %dma_start3A_291 = tpu.memref_squeeze %dma_start3A_290 : memref<1x64x128xf32, #tpu.memory_space<vmem>> -> memref<64x128xf32, #tpu.memory_space<vmem>>
    %dma_start3A_292 = arith.constant 0 : i32
    %dma_start3A_293 = tpu.memref_slice %arg5[%dma_start3A_287, %mul3A_2, %dma_start3A_292] : memref<64x2048x128xf32, #tpu.memory_space<hbm>> -> memref<1x64x128xf32, #tpu.memory_space<hbm>>
    %dma_start3A_294 = tpu.memref_squeeze %dma_start3A_293 : memref<1x64x128xf32, #tpu.memory_space<hbm>> -> memref<64x128xf32, #tpu.memory_space<hbm>>
    %dma_start3A_295 = arith.constant 0 : i32
    %dma_start3A_296 = tpu.memref_slice %arg5[%dma_start3A_287, %mul3A_2, %dma_start3A_295] : memref<64x2048x128xf32, #tpu.memory_space<hbm>> -> memref<1x64x128xf32, #tpu.memory_space<hbm>>
    %dma_start3A_297 = tpu.memref_squeeze %dma_start3A_296 : memref<1x64x128xf32, #tpu.memory_space<hbm>> -> memref<64x128xf32, #tpu.memory_space<hbm>>
    %dma_start3A_298 = arith.constant 0 : i32
    %dma_start3A_299 = arith.constant 0 : i32
    %dma_start3A_300 = tpu.memref_slice %arg8[%dma_start3A_286, %dma_start3A_298, %dma_start3A_299] : memref<6x64x128xf32, #tpu.memory_space<vmem>> -> memref<1x64x128xf32, #tpu.memory_space<vmem>>
    %dma_start3A_301 = tpu.memref_squeeze %dma_start3A_300 : memref<1x64x128xf32, #tpu.memory_space<vmem>> -> memref<64x128xf32, #tpu.memory_space<vmem>>
    tpu.enqueue_dma source(%dma_start3A_301 : memref<64x128xf32, #tpu.memory_space<vmem>>) target(%dma_start3A_297 : memref<64x128xf32, #tpu.memory_space<hbm>>) target_semaphore(%arg19 : memref<!tpu.dma_semaphore, #tpu.memory_space<semaphore_mem>>)
    %dma_wait3A_302 = arith.constant 4 : i32
    %dma_wait3A_303 = arith.constant 58 : i32
    %dma_wait3A_304 = arith.constant 0 : i32
    %dma_wait3A_305 = arith.constant 0 : i32
    %dma_wait3A_306 = tpu.memref_slice %arg8[%dma_wait3A_302, %dma_wait3A_304, %dma_wait3A_305] : memref<6x64x128xf32, #tpu.memory_space<vmem>> -> memref<1x64x128xf32, #tpu.memory_space<vmem>>
    %dma_wait3A_307 = tpu.memref_squeeze %dma_wait3A_306 : memref<1x64x128xf32, #tpu.memory_space<vmem>> -> memref<64x128xf32, #tpu.memory_space<vmem>>
    %dma_wait3A_308 = arith.constant 0 : i32
    %dma_wait3A_309 = tpu.memref_slice %arg5[%dma_wait3A_303, %mul3A_2, %dma_wait3A_308] : memref<64x2048x128xf32, #tpu.memory_space<hbm>> -> memref<1x64x128xf32, #tpu.memory_space<hbm>>
    %dma_wait3A_310 = tpu.memref_squeeze %dma_wait3A_309 : memref<1x64x128xf32, #tpu.memory_space<hbm>> -> memref<64x128xf32, #tpu.memory_space<hbm>>
    %dma_wait3A_311 = arith.constant 0 : i32
    %dma_wait3A_312 = tpu.memref_slice %arg5[%dma_wait3A_303, %mul3A_2, %dma_wait3A_311] : memref<64x2048x128xf32, #tpu.memory_space<hbm>> -> memref<1x64x128xf32, #tpu.memory_space<hbm>>
    %dma_wait3A_313 = tpu.memref_squeeze %dma_wait3A_312 : memref<1x64x128xf32, #tpu.memory_space<hbm>> -> memref<64x128xf32, #tpu.memory_space<hbm>>
    %dma_wait3A_314 = arith.constant 0 : i32
    %dma_wait3A_315 = arith.constant 0 : i32
    %dma_wait3A_316 = tpu.memref_slice %arg8[%dma_wait3A_302, %dma_wait3A_314, %dma_wait3A_315] : memref<6x64x128xf32, #tpu.memory_space<vmem>> -> memref<1x64x128xf32, #tpu.memory_space<vmem>>
    %dma_wait3A_317 = tpu.memref_squeeze %dma_wait3A_316 : memref<1x64x128xf32, #tpu.memory_space<vmem>> -> memref<64x128xf32, #tpu.memory_space<vmem>>
    tpu.wait_dma2 semaphore(%arg20 : memref<!tpu.dma_semaphore, #tpu.memory_space<semaphore_mem>>) src(%dma_wait3A_317 : memref<64x128xf32, #tpu.memory_space<vmem>>) dst(%dma_wait3A_313 : memref<64x128xf32, #tpu.memory_space<hbm>>)
    %dma_wait3A_318 = arith.constant 5 : i32
    %dma_wait3A_319 = arith.constant 59 : i32
    %dma_wait3A_320 = arith.constant 0 : i32
    %dma_wait3A_321 = arith.constant 0 : i32
    %dma_wait3A_322 = tpu.memref_slice %arg8[%dma_wait3A_318, %dma_wait3A_320, %dma_wait3A_321] : memref<6x64x128xf32, #tpu.memory_space<vmem>> -> memref<1x64x128xf32, #tpu.memory_space<vmem>>
    %dma_wait3A_323 = tpu.memref_squeeze %dma_wait3A_322 : memref<1x64x128xf32, #tpu.memory_space<vmem>> -> memref<64x128xf32, #tpu.memory_space<vmem>>
    %dma_wait3A_324 = arith.constant 0 : i32
    %dma_wait3A_325 = tpu.memref_slice %arg5[%dma_wait3A_319, %mul3A_2, %dma_wait3A_324] : memref<64x2048x128xf32, #tpu.memory_space<hbm>> -> memref<1x64x128xf32, #tpu.memory_space<hbm>>
    %dma_wait3A_326 = tpu.memref_squeeze %dma_wait3A_325 : memref<1x64x128xf32, #tpu.memory_space<hbm>> -> memref<64x128xf32, #tpu.memory_space<hbm>>
    %dma_wait3A_327 = arith.constant 0 : i32
    %dma_wait3A_328 = tpu.memref_slice %arg5[%dma_wait3A_319, %mul3A_2, %dma_wait3A_327] : memref<64x2048x128xf32, #tpu.memory_space<hbm>> -> memref<1x64x128xf32, #tpu.memory_space<hbm>>
    %dma_wait3A_329 = tpu.memref_squeeze %dma_wait3A_328 : memref<1x64x128xf32, #tpu.memory_space<hbm>> -> memref<64x128xf32, #tpu.memory_space<hbm>>
    %dma_wait3A_330 = arith.constant 0 : i32
    %dma_wait3A_331 = arith.constant 0 : i32
    %dma_wait3A_332 = tpu.memref_slice %arg8[%dma_wait3A_318, %dma_wait3A_330, %dma_wait3A_331] : memref<6x64x128xf32, #tpu.memory_space<vmem>> -> memref<1x64x128xf32, #tpu.memory_space<vmem>>
    %dma_wait3A_333 = tpu.memref_squeeze %dma_wait3A_332 : memref<1x64x128xf32, #tpu.memory_space<vmem>> -> memref<64x128xf32, #tpu.memory_space<vmem>>
    tpu.wait_dma2 semaphore(%arg21 : memref<!tpu.dma_semaphore, #tpu.memory_space<semaphore_mem>>) src(%dma_wait3A_333 : memref<64x128xf32, #tpu.memory_space<vmem>>) dst(%dma_wait3A_329 : memref<64x128xf32, #tpu.memory_space<hbm>>)
    %dma_wait3A_334 = arith.constant 0 : i32
    %dma_wait3A_335 = arith.constant 60 : i32
    %dma_wait3A_336 = arith.constant 0 : i32
    %dma_wait3A_337 = arith.constant 0 : i32
    %dma_wait3A_338 = tpu.memref_slice %arg8[%dma_wait3A_334, %dma_wait3A_336, %dma_wait3A_337] : memref<6x64x128xf32, #tpu.memory_space<vmem>> -> memref<1x64x128xf32, #tpu.memory_space<vmem>>
    %dma_wait3A_339 = tpu.memref_squeeze %dma_wait3A_338 : memref<1x64x128xf32, #tpu.memory_space<vmem>> -> memref<64x128xf32, #tpu.memory_space<vmem>>
    %dma_wait3A_340 = arith.constant 0 : i32
    %dma_wait3A_341 = tpu.memref_slice %arg5[%dma_wait3A_335, %mul3A_2, %dma_wait3A_340] : memref<64x2048x128xf32, #tpu.memory_space<hbm>> -> memref<1x64x128xf32, #tpu.memory_space<hbm>>
    %dma_wait3A_342 = tpu.memref_squeeze %dma_wait3A_341 : memref<1x64x128xf32, #tpu.memory_space<hbm>> -> memref<64x128xf32, #tpu.memory_space<hbm>>
    %dma_wait3A_343 = arith.constant 0 : i32
    %dma_wait3A_344 = tpu.memref_slice %arg5[%dma_wait3A_335, %mul3A_2, %dma_wait3A_343] : memref<64x2048x128xf32, #tpu.memory_space<hbm>> -> memref<1x64x128xf32, #tpu.memory_space<hbm>>
    %dma_wait3A_345 = tpu.memref_squeeze %dma_wait3A_344 : memref<1x64x128xf32, #tpu.memory_space<hbm>> -> memref<64x128xf32, #tpu.memory_space<hbm>>
    %dma_wait3A_346 = arith.constant 0 : i32
    %dma_wait3A_347 = arith.constant 0 : i32
    %dma_wait3A_348 = tpu.memref_slice %arg8[%dma_wait3A_334, %dma_wait3A_346, %dma_wait3A_347] : memref<6x64x128xf32, #tpu.memory_space<vmem>> -> memref<1x64x128xf32, #tpu.memory_space<vmem>>
    %dma_wait3A_349 = tpu.memref_squeeze %dma_wait3A_348 : memref<1x64x128xf32, #tpu.memory_space<vmem>> -> memref<64x128xf32, #tpu.memory_space<vmem>>
    tpu.wait_dma2 semaphore(%arg16 : memref<!tpu.dma_semaphore, #tpu.memory_space<semaphore_mem>>) src(%dma_wait3A_349 : memref<64x128xf32, #tpu.memory_space<vmem>>) dst(%dma_wait3A_345 : memref<64x128xf32, #tpu.memory_space<hbm>>)
    %dma_wait3A_350 = arith.constant 1 : i32
    %dma_wait3A_351 = arith.constant 61 : i32
    %dma_wait3A_352 = arith.constant 0 : i32
    %dma_wait3A_353 = arith.constant 0 : i32
    %dma_wait3A_354 = tpu.memref_slice %arg8[%dma_wait3A_350, %dma_wait3A_352, %dma_wait3A_353] : memref<6x64x128xf32, #tpu.memory_space<vmem>> -> memref<1x64x128xf32, #tpu.memory_space<vmem>>
    %dma_wait3A_355 = tpu.memref_squeeze %dma_wait3A_354 : memref<1x64x128xf32, #tpu.memory_space<vmem>> -> memref<64x128xf32, #tpu.memory_space<vmem>>
    %dma_wait3A_356 = arith.constant 0 : i32
    %dma_wait3A_357 = tpu.memref_slice %arg5[%dma_wait3A_351, %mul3A_2, %dma_wait3A_356] : memref<64x2048x128xf32, #tpu.memory_space<hbm>> -> memref<1x64x128xf32, #tpu.memory_space<hbm>>
    %dma_wait3A_358 = tpu.memref_squeeze %dma_wait3A_357 : memref<1x64x128xf32, #tpu.memory_space<hbm>> -> memref<64x128xf32, #tpu.memory_space<hbm>>
    %dma_wait3A_359 = arith.constant 0 : i32
    %dma_wait3A_360 = tpu.memref_slice %arg5[%dma_wait3A_351, %mul3A_2, %dma_wait3A_359] : memref<64x2048x128xf32, #tpu.memory_space<hbm>> -> memref<1x64x128xf32, #tpu.memory_space<hbm>>
    %dma_wait3A_361 = tpu.memref_squeeze %dma_wait3A_360 : memref<1x64x128xf32, #tpu.memory_space<hbm>> -> memref<64x128xf32, #tpu.memory_space<hbm>>
    %dma_wait3A_362 = arith.constant 0 : i32
    %dma_wait3A_363 = arith.constant 0 : i32
    %dma_wait3A_364 = tpu.memref_slice %arg8[%dma_wait3A_350, %dma_wait3A_362, %dma_wait3A_363] : memref<6x64x128xf32, #tpu.memory_space<vmem>> -> memref<1x64x128xf32, #tpu.memory_space<vmem>>
    %dma_wait3A_365 = tpu.memref_squeeze %dma_wait3A_364 : memref<1x64x128xf32, #tpu.memory_space<vmem>> -> memref<64x128xf32, #tpu.memory_space<vmem>>
    tpu.wait_dma2 semaphore(%arg17 : memref<!tpu.dma_semaphore, #tpu.memory_space<semaphore_mem>>) src(%dma_wait3A_365 : memref<64x128xf32, #tpu.memory_space<vmem>>) dst(%dma_wait3A_361 : memref<64x128xf32, #tpu.memory_space<hbm>>)
    %dma_wait3A_366 = arith.constant 2 : i32
    %dma_wait3A_367 = arith.constant 62 : i32
    %dma_wait3A_368 = arith.constant 0 : i32
    %dma_wait3A_369 = arith.constant 0 : i32
    %dma_wait3A_370 = tpu.memref_slice %arg8[%dma_wait3A_366, %dma_wait3A_368, %dma_wait3A_369] : memref<6x64x128xf32, #tpu.memory_space<vmem>> -> memref<1x64x128xf32, #tpu.memory_space<vmem>>
    %dma_wait3A_371 = tpu.memref_squeeze %dma_wait3A_370 : memref<1x64x128xf32, #tpu.memory_space<vmem>> -> memref<64x128xf32, #tpu.memory_space<vmem>>
    %dma_wait3A_372 = arith.constant 0 : i32
    %dma_wait3A_373 = tpu.memref_slice %arg5[%dma_wait3A_367, %mul3A_2, %dma_wait3A_372] : memref<64x2048x128xf32, #tpu.memory_space<hbm>> -> memref<1x64x128xf32, #tpu.memory_space<hbm>>
    %dma_wait3A_374 = tpu.memref_squeeze %dma_wait3A_373 : memref<1x64x128xf32, #tpu.memory_space<hbm>> -> memref<64x128xf32, #tpu.memory_space<hbm>>
    %dma_wait3A_375 = arith.constant 0 : i32
    %dma_wait3A_376 = tpu.memref_slice %arg5[%dma_wait3A_367, %mul3A_2, %dma_wait3A_375] : memref<64x2048x128xf32, #tpu.memory_space<hbm>> -> memref<1x64x128xf32, #tpu.memory_space<hbm>>
    %dma_wait3A_377 = tpu.memref_squeeze %dma_wait3A_376 : memref<1x64x128xf32, #tpu.memory_space<hbm>> -> memref<64x128xf32, #tpu.memory_space<hbm>>
    %dma_wait3A_378 = arith.constant 0 : i32
    %dma_wait3A_379 = arith.constant 0 : i32
    %dma_wait3A_380 = tpu.memref_slice %arg8[%dma_wait3A_366, %dma_wait3A_378, %dma_wait3A_379] : memref<6x64x128xf32, #tpu.memory_space<vmem>> -> memref<1x64x128xf32, #tpu.memory_space<vmem>>
    %dma_wait3A_381 = tpu.memref_squeeze %dma_wait3A_380 : memref<1x64x128xf32, #tpu.memory_space<vmem>> -> memref<64x128xf32, #tpu.memory_space<vmem>>
    tpu.wait_dma2 semaphore(%arg18 : memref<!tpu.dma_semaphore, #tpu.memory_space<semaphore_mem>>) src(%dma_wait3A_381 : memref<64x128xf32, #tpu.memory_space<vmem>>) dst(%dma_wait3A_377 : memref<64x128xf32, #tpu.memory_space<hbm>>)
    %dma_wait3A_382 = arith.constant 3 : i32
    %dma_wait3A_383 = arith.constant 63 : i32
    %dma_wait3A_384 = arith.constant 0 : i32
    %dma_wait3A_385 = arith.constant 0 : i32
    %dma_wait3A_386 = tpu.memref_slice %arg8[%dma_wait3A_382, %dma_wait3A_384, %dma_wait3A_385] : memref<6x64x128xf32, #tpu.memory_space<vmem>> -> memref<1x64x128xf32, #tpu.memory_space<vmem>>
    %dma_wait3A_387 = tpu.memref_squeeze %dma_wait3A_386 : memref<1x64x128xf32, #tpu.memory_space<vmem>> -> memref<64x128xf32, #tpu.memory_space<vmem>>
    %dma_wait3A_388 = arith.constant 0 : i32
    %dma_wait3A_389 = tpu.memref_slice %arg5[%dma_wait3A_383, %mul3A_2, %dma_wait3A_388] : memref<64x2048x128xf32, #tpu.memory_space<hbm>> -> memref<1x64x128xf32, #tpu.memory_space<hbm>>
    %dma_wait3A_390 = tpu.memref_squeeze %dma_wait3A_389 : memref<1x64x128xf32, #tpu.memory_space<hbm>> -> memref<64x128xf32, #tpu.memory_space<hbm>>
    %dma_wait3A_391 = arith.constant 0 : i32
    %dma_wait3A_392 = tpu.memref_slice %arg5[%dma_wait3A_383, %mul3A_2, %dma_wait3A_391] : memref<64x2048x128xf32, #tpu.memory_space<hbm>> -> memref<1x64x128xf32, #tpu.memory_space<hbm>>
    %dma_wait3A_393 = tpu.memref_squeeze %dma_wait3A_392 : memref<1x64x128xf32, #tpu.memory_space<hbm>> -> memref<64x128xf32, #tpu.memory_space<hbm>>
    %dma_wait3A_394 = arith.constant 0 : i32
    %dma_wait3A_395 = arith.constant 0 : i32
    %dma_wait3A_396 = tpu.memref_slice %arg8[%dma_wait3A_382, %dma_wait3A_394, %dma_wait3A_395] : memref<6x64x128xf32, #tpu.memory_space<vmem>> -> memref<1x64x128xf32, #tpu.memory_space<vmem>>
    %dma_wait3A_397 = tpu.memref_squeeze %dma_wait3A_396 : memref<1x64x128xf32, #tpu.memory_space<vmem>> -> memref<64x128xf32, #tpu.memory_space<vmem>>
    tpu.wait_dma2 semaphore(%arg19 : memref<!tpu.dma_semaphore, #tpu.memory_space<semaphore_mem>>) src(%dma_wait3A_397 : memref<64x128xf32, #tpu.memory_space<vmem>>) dst(%dma_wait3A_393 : memref<64x128xf32, #tpu.memory_space<hbm>>)
    return
  }
}

</mosaic_0001>

<sc_bundles>
// kernel: kernel.3.cloned.1.call-start
scs
__scs_entry_jumppad:
0x0: {  	(pc) =	sbr.rel $0x88, $3  }
0x1: {  	(tag) =	ssettag $0x0;
	lr =	simm.s32 $0x1  }
0x2: {  	[smem:$0x3F9E] =	sst lr;
	_ =	strace $0xD0000000  }
0x3: {  	_ = 	snop  }
0x4: {  	_ = 	snop  }
0x5: {  	_ = 	snop  }
0x6: {  	_ = 	snop  }
0x7: {  	_ = 	snop  }
__scs_overlays_trampoline_lowered:
0x8: {  	[smem:$0x3FAD] =	sst s0  }
0x9: {  	[smem:$0x3FAE] =	sst s1  }
0xa: {  	[smem:$0x3FAF] =	sst s2  }
0xb: {  	[smem:$0x3FB0] =	sst s3  }
0xc: {  	[smem:$0x3FB1] =	sst s4  }
0xd: {  	[smem:$0x3FB2] =	sst s5  }
0xe: {  	[smem:$0x3FB3] =	sst s6  }
0xf: {  	[smem:$0x3FB4] =	sst s7  }
0x10: {  	[smem:$0x3FB5] =	sst s8  }
0x11: {  	[smem:$0x3FB6] =	sst s9;
	s0 =	simm.s32 @!p0 $0x0  }
0x12: {  	s1 =	sld [smem:$0x3F9C];
	s0 =	simm.s32 @p0 $0x1  }
0x13: {  	[smem:$0x3FB7] =	sst s0;
	s0 =	simm.s32 @!p1 $0x0  }
0x14: {  	s2 =	sld [smem:$0x3F9B];
	s0 =	simm.s32 @p1 $0x1  }
0x15: {  	[smem:$0x3FB8] =	sst s0;
	s0 =	simm.s32 @!p2 $0x0  }
0x16: {  	s3 =	sld [smem:$0x3FDB];
	s0 =	simm.s32 @p2 $0x1  }
0x17: {  	s4 =	simm.s32 $0x1BF5;
	[smem:$0x3FBA] =	sst s0  }
0x18: {  	s0 =	sld [smem:$0x3F9D];
	_ =	swait.ge [sflag:s4], $0x0  }
0x19: {  	s7 =	sld [smem:$0x3F9E]  }
0x1a: {  	s8 =	sadd.s32 $0xFFFFE003, lr  }
0x1b: {  	s9 =	sadd.s32 $0xFFFFFEF7, lr;
	s5 =	simm.s32 $0xFFFFFFFF;
	p2 =	slt.u32 s8, $0xFFFFF086  }
0x1c: {  	p1 =	slt.u32 s9, $0xF7A;
	s5 =	simm.s32 @!p2 $0x0  }
0x1d: {  	s5 =	simm.s32 @p1 $0x1;
	p0 =	seq.s32 s7, s2  }
0x1e: {  	s7 =	smul.u32 @!p0 $0xF7A, s2;
	p2 =	seq.s32 @!p0 s5, $0x0  }
0x1f: {  	s9 =	smul.u32 $0xF7A, s1;
	s8 =	simm.s32 @!p0 $0x1BF5;
	p2 =	por !p2, p0  }
0x20: {  	[sflag:s8] =	ssyncset.s32 @!p0 $0xFFFFF086;
	s6 =	sadd.s32 @!p0 s3, s7;
	s7 =	simm.s32 @!p0 $0x108  }
0x21: {  	s3 =	sadd.s32 s3, s9;
	s6 =	sadd.s32 @!p0 $0x88, s6;
	s7 =	simm.s32 @p2 $0x1082  }
0x22: {  	[simem:s7], [sflag:s8] =	dma.local @!p0 [hbm:s6], $0xF7A  }
0x23: {  	s9 =	sor.u32 $0xD0000000, s2;
	s6 =	simm.s32 $0x108;
	_ =	swait.ge @!p0 [sflag:s8], $0x0  }
0x24: {  	s3 =	sadd.s32 $0x88, s3;
	s6 =	simm.s32 @!p1 $0x1082;
	[sflag:s4] =	ssyncset.s32 $0xFFFFF086  }
0x25: {  	[simem:s6], [sflag:s4] =	dma.local [hbm:s3], $0xF7A  }
0x26: {  	[smem:$0x3F9E] =	sst s1;
	(tag) =	ssettag s2;
	_ =	strace s9  }
0x27: {  	s1 =	sld [smem:$0x3FAE]  }
0x28: {  	s2 =	sld [smem:$0x3FAF]  }
0x29: {  	s4 =	sld [smem:$0x3FB1]  }
0x2a: {  	p0 =	seq.s32 s5, $0x0;
	s5 =	sld [smem:$0x3FB2]  }
0x2b: {  	s6 =	sld [smem:$0x3FB3]  }
0x2c: {  	s7 =	sld [smem:$0x3FB4]  }
0x2d: {  	s3 =	simm.s32 $0x108;
	s8 =	sld [smem:$0x3FB5]  }
0x2e: {  	s3 =	simm.s32 @!p0 $0x1082;
	s9 =	sld [smem:$0x3FB6]  }
0x2f: {  	lr =	sadd.s32 s0, s3;
	s0 =	sld [smem:$0x3FAD]  }
0x30: {  	s3 =	sld [smem:$0x3FB0]  }
0x31: {  	[smem:$0x3FB9] =	sst s10  }
0x32: {  	s10 =	sld [smem:$0x3FB7];
	_ =	sdelay $0x3  }
0x33: {  	p0 =	seq.s32 s10, $0x1;
	s10 =	sld [smem:$0x3FB9];
	_ =	sdelay $0x3  }
0x34: {  	[smem:$0x3FB9] =	sst s10  }
0x35: {  	s10 =	sld [smem:$0x3FB8];
	_ =	sdelay $0x3  }
0x36: {  	p1 =	seq.s32 s10, $0x1;
	s10 =	sld [smem:$0x3FB9];
	_ =	sdelay $0x3  }
0x37: {  	[smem:$0x3FB9] =	sst s10  }
0x38: {  	s10 =	sld [smem:$0x3FBA]  }
0x39: {  	_ = 	snop;
	(pc) =	sbr.ind lr, $3  }
0x3a: {  	_ = 	snop  }
0x3b: {  	_ = 	snop  }
0x3c: {  	p2 =	seq.s32 s10, $0x1;
	s10 =	sld [smem:$0x3FB9]  }
0x3d: {  	_ =	shalt  }
0x3e: {  	_ =	shalt  }
0x3f: {  	_ =	shalt  }
0x40: {  	_ =	shalt  }
0x41: {  	_ =	shalt  }
0x42: {  	_ =	shalt  }
0x43: {  	_ =	shalt  }
0x44: {  	_ =	shalt  }
0x45: {  	_ =	shalt  }
0x46: {  	_ =	shalt  }
0x47: {  	_ =	shalt  }
0x48: {  	_ =	shalt  }
0x49: {  	_ =	shalt  }
0x4a: {  	_ =	shalt  }
0x4b: {  	_ =	shalt  }
0x4c: {  	_ =	shalt  }
0x4d: {  	_ =	shalt  }
0x4e: {  	_ =	shalt  }
0x4f: {  	_ =	shalt  }
0x50: {  	_ =	shalt  }
0x51: {  	_ =	shalt  }
0x52: {  	_ =	shalt  }
0x53: {  	_ =	shalt  }
0x54: {  	_ =	shalt  }
0x55: {  	_ =	shalt  }
0x56: {  	_ =	shalt  }
0x57: {  	_ =	shalt  }
0x58: {  	_ =	shalt  }
0x59: {  	_ =	shalt  }
0x5a: {  	_ =	shalt  }
0x5b: {  	_ =	shalt  }
0x5c: {  	_ =	shalt  }
0x5d: {  	_ =	shalt  }
0x5e: {  	_ =	shalt  }
0x5f: {  	_ =	shalt  }
0x60: {  	_ =	shalt  }
0x61: {  	_ =	shalt  }
0x62: {  	_ =	shalt  }
0x63: {  	_ =	shalt  }
0x64: {  	_ =	shalt  }
0x65: {  	_ =	shalt  }
0x66: {  	_ =	shalt  }
0x67: {  	_ =	shalt  }
0x68: {  	_ =	shalt  }
0x69: {  	_ =	shalt  }
0x6a: {  	_ =	shalt  }
0x6b: {  	_ =	shalt  }
0x6c: {  	_ =	shalt  }
0x6d: {  	_ =	shalt  }
0x6e: {  	_ =	shalt  }
0x6f: {  	_ =	shalt  }
0x70: {  	_ =	shalt  }
0x71: {  	_ =	shalt  }
0x72: {  	_ =	shalt  }
0x73: {  	_ =	shalt  }
0x74: {  	_ =	shalt  }
0x75: {  	_ =	shalt  }
0x76: {  	_ =	shalt  }
0x77: {  	_ =	shalt  }
0x78: {  	_ =	shalt  }
0x79: {  	_ =	shalt  }
0x7a: {  	_ =	shalt  }
0x7b: {  	_ =	shalt  }
0x7c: {  	_ =	shalt  }
0x7d: {  	_ =	shalt  }
0x7e: {  	_ =	shalt  }
0x7f: {  	_ =	shalt  }
0x80: {  	_ =	shalt  }
0x81: {  	_ =	shalt  }
0x82: {  	_ =	shalt  }
0x83: {  	_ =	shalt  }
0x84: {  	_ =	shalt  }
0x85: {  	_ =	shalt  }
0x86: {  	_ =	shalt  }
0x87: {  	_ =	shalt  }
.Lfunc_end0:
.L_simem_size_0:
called_computation_lowered:
.L_overlay_start_0:
0x88: {  	s2 =	sld [smem:$0x3FD9]  }
0x89: {  	s3 =	sld [smem:$0x3FFE];
	_ =	sdelay $0x1  }
0x8a: {  	s1 =	srdreg.scid  }
0x8b: {  	s0 =	sand.u32 $0x1, s1  }
0x8c: {  	s18 =	sshll.u32 s0, $0xA;
	s2 =	sadd.s32 s3, s2  }
0x8d: {  	s2 =	sadd.s32 s2, s18  }
0x8e: {  	[smem:$0x3FC5] =	sst s2  }
0x8f: {  	_ = 	snop  }
0x90: {  	s2 =	sld [smem:$0x3FC9]  }
0x91: {  	s19 =	sld [smem:$0x3FC8]  }
0x92: {  	s4 =	sld [smem:$0x3FC7]  }
0x93: {  	s5 =	sld [smem:$0x3FD0];
	(tm) =	ssettm $0x1  }
0x94: {  	s6 =	sld [smem:$0x3FFB];
	_ =	sdelay $0x3  }
0x95: {  	_ =	strace s6  }
0x96: {  	s6 =	sld [smem:$0x3FFC];
	_ =	sdelay $0x3  }
0x97: {  	_ =	strace s6  }
0x98: {  	s6 =	sld [smem:$0x3FFD];
	_ =	sdelay $0x3  }
0x99: {  	_ =	strace s6  }
0x9a: {  	_ =	strace $0x8FFFFFFF  }
0x9b: {  	s20 =	sld [smem:$0x3FDB];
	_ =	sdelay $0x1  }
0x9c: {  	s7 =	simm.s32 $_scs_section_size  }
0x9d: {  	s8 =	simm.s32 $_size__tile_overlayer_lowered;
	s9 =	simm.s32 $_tile_overlayer_lowered  }
0x9e: {  	s23 =	simm.s32 $0x1BFF;
	s22 =	sshll.u32 s9, $0x1;
	s6 =	sadd.s32 s7, s20  }
0x9f: {  	s10 =	simm.s32 $0x0;
	s21 =	sshll.u32 s8, $0x1;
	s8 =	sadd.s32 s22, s6  }
0xa0: {  	[timem:s10], [sflag:s23] =	dma.local [hbm:s8], s21  }
0xa1: {  	_ =	swait.ge [sflag:s23], s21  }
0xa2: {  	s7 =	ssub.s32 $0x0, s21;
	[sflag:s23] =	ssyncset.done $0x0  }
0xa3: {  	[sflag:s23] =	ssyncadd.s32 s7;
	_ =	sdelay $0x1  }
0xa4: {  	s24 =	simm.s32 $0x1B8B  }
0xa5: {  	_ =	swait.ge [sflag:s24], $0x1  }
0xa6: {  	[sflag:s24] =	ssyncset.done $0x0  }
0xa7: {  	s25 =	simm.s32 $0x1B8E;
	[sflag:s24] =	ssyncadd.s32 $0xFFFFFFFF  }
0xa8: {  	s26 =	simm.s32 $execute0_lowered;
	[smem:$0x3FD2] =	sst s25  }
0xa9: {  	s7 =	sshll.u32 s26, $0x1;
	_ =	strace $0x80000046;
	[dreg:$0x1] =	wrdreg $0xFFFFFFFF  }
0xaa: {  	s28 =	simm.s32 $_size_execute0_lowered;
	s6 =	sadd.s32 s6, s7;
	[dreg:$0x0] =	wrdreg $0x0  }
0xab: {  	s7 =	sshll.u32 s28, $0x1;
	[dreg:$0x2] =	wrdreg s6  }
0xac: {  	[dreg:$0x3] =	wrdreg s7  }
0xad: {  	[dreg:$0x4] =	wrdreg $0xC0  }
0xae: {  	_ =	task [dreg:s10], $0x5FFFF  }
0xaf: {  	[dreg:$0x1] =	wrdreg $0xFFFFFFFF  }
0xb0: {  	[dreg:$0x0] =	wrdreg $0x60  }
0xb1: {  	[dreg:$0x2] =	wrdreg s2  }
0xb2: {  	[dreg:$0x3] =	wrdreg s19  }
0xb3: {  	[dreg:$0x4] =	wrdreg s4  }
0xb4: {  	[dreg:$0x5] =	wrdreg s5  }
0xb5: {  	[dreg:$0x6] =	wrdreg $0x9  }
0xb6: {  	_ =	task.clear_ibuf [dreg:s10], $0x7FFFF;
	_ =	strace $0x90000046  }
0xb7: {  	s29 =	simm.s32 $0x9;
	_ =	strace $0x80000048  }
0xb8: {  	_ =	swait.ge [sflag:s29], $0x1  }
0xb9: {  	[sflag:s29] =	ssyncadd.s32 $0xFFFFFFFF  }
0xba: {  	_ =	strace $0x90000048  }
0xbb: {  	_ =	sfence  }
0xbc: {  	s30 =	sld [smem:$0x0];
	_ =	sdelay $0x2  }
0xbd: {  	s31 =	sshll.u32 s1, $0xD;
	s1 =	sshrl.u32 s1, $0x2  }
0xbe: {  	s3 =	sand.u32 $0x4000, s31;
	s1 =	sadd.s32 s1, s30  }
0xbf: {  	s0 =	sor.u32 s3, s0;
	s1 =	sshll.u32 s1, $0x11  }
0xc0: {  	s0 =	sor.u32 s1, s0  }
0xc1: {  	s0 =	sadd.s32 $0x8F2B, s0  }
0xc2: {  	[sflag:s0] =	ssyncadd.remote.s32 $0x1  }
0xc3: {  	_ =	sfence.sel $0xFFFF  }
0xc4: {  	[dreg:$0x0] =	wrdreg $0xFFFFFFFF;
	(pc) =	sbr.abs _section_cstart, $3  }
0xc5: {  	[dreg:$0x1] =	wrdreg $0xFFFFFFFF  }
0xc6: {  	_ =	task.clear_ibuf [dreg:s10], $0x2FFFF;
	_ =	strace $0x9FFFFFFF  }
0xc7: {  	(tm) =	ssettm $0x7FFFFFFF  }
tec
execute0_lowered:
.L_overlay_start_1:
0x0: {  	(tag) =	ssettag $0x1  }
0x1: {  	s2 =	rddreg [dreg:$0x0]  }
0x2: {  	s0 =	srdreg.scid;
	s1 =	rddreg [dreg:$0x1]  }
0x3: {  	s10 =	stileid.u32;
	s8 =	rddreg [dreg:$0x2];
	s5 =	simm.s32 $0x1  }
0x4: {  	s4 =	simm.s32 $0x0;
	s28 =	simm.s32 $0x4000;
	s30 =	simm.s32 $0x40  }
0x5: {  	s31 =	simm.s32 $0x2000;
	s0 =	sand.u32 $0x1, s0;
	s3 =	sshll.u32 s10, $0x1  }
0x6: {  	s11 =	simm.s32 $0x3;
	s14 =	simm.s32 $0x12000;
	s7 =	sor.u32 s0, s3  }
0x7: {  	[smem:$0x7FF] =	sst s4;
	p1 =	seq.s32 s0, $0x1;
	p0 =	seq.s32 s7, $0x0  }
0x8: {  	s3 =	rddreg [dreg:$0x3];
	s6 =	ssub.s32 $0x2, s0;
	p0 =	por !p0, !p1  }
0x9: {  	_ =	strace $0x80000047;
	s20 =	sshll.u32 s7, $0xA;
	p0 =	por !p0, !p0  }
0xa: {  	s9 =	sshrl.u32 s6, $0x1;
	s22 =	sadd.s32 s8, s20;
	s5 =	simm.s32 @!p0 $0x0  }
0xb: {  	s9 =	ssub.s32 s6, s9;
	[dreg:$0xb] =	wrdreg s22;
	s5 =	ssub.s32 s10, s5  }
0xc: {  	s29 =	smax.u32 s9, $0x1;
	s10 =	sshll.u32 s5, $0x7;
	s5 =	sshll.u32 s0, $0x6  }
0xd: {  	s13 =	sshll.u32 s7, $0xD;
	[dreg:$0x11] =	wrdreg s29;
	s16 =	sor.u32 $0x80, s5  }
0xe: {  	s7 =	simm.s32 $0xC000;
	s17 =	sor.u32 $0x100, s5;
	[dreg:$0x6] =	wrdreg s16  }
0xf: {  	s6 =	simm.s32 $0x1;
	s18 =	sor.u32 $0x180, s5;
	[dreg:$0x7] =	wrdreg s17  }
0x10: {  	s9 =	simm.s32 $0xE000;
	s19 =	sor.u32 $0x200, s5;
	[dreg:$0x8] =	wrdreg s18  }
0x11: {  	s15 =	sand.u32 $0x1FFFFF80, s10;
	s21 =	sor.u32 $0x280, s5;
	[dreg:$0x9] =	wrdreg s19  }
0x12: {  	s22 =	simm.s32 $0x16000;
	s0 =	sadd.s32 s2, s15;
	[dreg:$0xa] =	wrdreg s21  }
0x13: {  	s10 =	simm.s32 $0x10000;
	[dreg:$0x5] =	wrdreg s0;
	s0 =	sadd.s32 s20, s3  }
0x14: {  	s15 =	sor.u32 $0x80000, s13;
	s16 =	sor.u32 $0xC0000, s13;
	s23 =	sadd.s32 $0x1D8000, s0  }
0x15: {  	s17 =	sor.u32 $0x100000, s13;
	s24 =	sadd.s32 $0x1E0000, s0;
	[dreg:$0xc] =	wrdreg s23  }
0x16: {  	s18 =	sor.u32 $0x140000, s13;
	s25 =	sadd.s32 $0x1E8000, s0;
	[dreg:$0xd] =	wrdreg s24  }
0x17: {  	s19 =	sadd.s32 $0x8000, s3;
	s26 =	sadd.s32 $0x1F0000, s0;
	[dreg:$0xe] =	wrdreg s25  }
0x18: {  	s2 =	simm.s32 $0x6000;
	s0 =	sadd.s32 $0x1F8000, s0;
	[dreg:$0xf] =	wrdreg s26  }
0x19: {  	s21 =	simm.s32 $0x5;
	s20 =	simm.s32 $0x14000;
	[dreg:$0x10] =	wrdreg s0  }
0x1a: {  	s0 =	simm.s32 $0x8000;
	s23 =	simm.s32 $0x18000;
	s24 =	simm.s32 $0x0  }
.LBB2_1:
0x1b: {  	s8 =	rddreg [dreg:$0x5];
	s12 =	simm.s32 $0x400  }
0x1c: {  	[tilespmem:s4], [sflag:$0xD] =	stream.strided.gather [hbm4b:s8+s12], $0x2000, s28, s12, $0x38;
	[tilespmem:$0x1C000] =	vst v63  }
0x1d: {  	[dreg:$0x12] =	wrdreg s24;
	s12 =	simm.s32 $0xD  }
0x1e: {  	_ =	swait.ge [sflag:s12], $0x2000  }
0x1f: {  	[sflag:s12] =	ssyncset.done $0x0  }
0x20: {  	[sflag:s12] =	ssyncadd.s32 $0xFFFFE000  }
0x21: {  	[tilespmem:s31], [sflag:$0x1] =	stream.indirect.gather [hbm4b:s1+s30], $0x80, s5, s30, $0xb8;
	[tilespmem:$0x1C000] =	vst v63  }
0x22: {  	s29 =	rddreg [dreg:$0x6]  }
0x23: {  	[tilespmem:s28], [sflag:$0x2] =	stream.indirect.gather [hbm4b:s1+s30], $0x80, s29, s30, $0xb8;
	[tilespmem:$0x1C000] =	vst v63  }
0x24: {  	s24 =	rddreg [dreg:$0x7]  }
0x25: {  	[tilespmem:s2], [sflag:$0x3] =	stream.indirect.gather [hbm4b:s1+s30], $0x80, s24, s30, $0xb8;
	[tilespmem:$0x1C000] =	vst v63  }
0x26: {  	s25 =	rddreg [dreg:$0x8]  }
0x27: {  	[tilespmem:s0], [sflag:$0x4] =	stream.indirect.gather [hbm4b:s1+s30], $0x80, s25, s30, $0xb8;
	[tilespmem:$0x1C000] =	vst v63  }
0x28: {  	s26 =	rddreg [dreg:$0x9];
	s29 =	simm.s32 $0xA000  }
0x29: {  	[tilespmem:s29], [sflag:$0x5] =	stream.indirect.gather [hbm4b:s1+s30], $0x80, s26, s30, $0xb8;
	[tilespmem:$0x1C000] =	vst v63  }
0x2a: {  	s25 =	rddreg [dreg:$0xa]  }
0x2b: {  	[tilespmem:s7], [sflag:$0x6] =	stream.indirect.gather [hbm4b:s1+s30], $0x80, s25, s30, $0xb8;
	[tilespmem:$0x1C000] =	vst v63  }
0x2c: {  	s26 =	rddreg [dreg:$0xb];
	s29 =	simm.s32 $0x1A000  }
0x2d: {  	[tilespmem:s29], [sflag:$0xD] =	stream.linear.gather [hbm4b:s26+s4], $0x2000, $0x38;
	[tilespmem:$0x1C000] =	vst v63  }
0x2e: {  	_ =	swait.ge [sflag:s12], $0x2000  }
0x2f: {  	[sflag:s12] =	ssyncset.done $0x0  }
0x30: {  	s24 =	simm.s32 $0x0;
	[sflag:s12] =	ssyncadd.s32 $0xFFFFE000  }
.LBB2_2:
0x31: {  	_ =	swait.ge [sflag:s6], $0x2000  }
0x32: {  	p0 =	seq.s32 s24, $0x0;
	[sflag:s6] =	ssyncset.done $0x0  }
0x33: {  	s8 =	simm.s32 @!p0 $0x7;
	[sflag:s6] =	ssyncadd.s32 $0xFFFFE000  }
0x34: {  	_ =	swait.ge @!p0 [sflag:s8], $0x2000  }
0x35: {  	[sflag:s8] =	ssyncset.done @!p0 $0x0  }
0x36: {  	[sflag:s8] =	ssyncadd.s32 @!p0 $0xFFFFE000;
	s8 =	simm.s32 @!p0 $0x2  }
0x37: {  	_ =	swait.ge @!p0 [sflag:s8], $0x2000  }
0x38: {  	s12 =	simm.s32 @!p0 $0x8;
	[sflag:s8] =	ssyncset.done @!p0 $0x0  }
0x39: {  	s12 =	simm.s32 @p0 $0x2;
	[sflag:s8] =	ssyncadd.s32 @!p0 $0xFFFFE000  }
0x3a: {  	_ =	swait.ge [sflag:s12], $0x2000  }
0x3b: {  	[sflag:s12] =	ssyncset.done $0x0  }
0x3c: {  	s8 =	simm.s32 $0x0;
	[sflag:s12] =	ssyncadd.s32 $0xFFFFE000  }
0x3d: {  	v0 =	vld [tilespmem:s8+$0x4070]  }
0x3e: {  	v1 =	vld [tilespmem:s8+$0x2000]  }
0x3f: {  	v2 =	vld [tilespmem:s8+$0x1A070]  }
0x40: {  	v3 =	vld [tilespmem:s8+$0x2010]  }
0x41: {  	v4 =	vld [tilespmem:s8+$0x2020]  }
0x42: {  	v5 =	vld [tilespmem:s8+$0x2030]  }
0x43: {  	v6 =	vld [tilespmem:s8+$0x2040]  }
0x44: {  	v7 =	vld [tilespmem:s8+$0x2050]  }
0x45: {  	v8 =	vld [tilespmem:s8+$0x2060]  }
0x46: {  	v9 =	vld [tilespmem:s8+$0x2070]  }
0x47: {  	v10 =	vld [tilespmem:s8+$0x4000]  }
0x48: {  	v11 =	vld [tilespmem:s8+$0x4010]  }
0x49: {  	v12 =	vld [tilespmem:s8+$0x4020]  }
0x4a: {  	v13 =	vld [tilespmem:s8+$0x4030]  }
0x4b: {  	v15 =	vld [tilespmem:s8+$0x4040];
	v0 =	vmul.f32 $1.131370830e+01, v0  }
0x4c: {  	v18 =	vld [tilespmem:s8+$0x4060]  }
0x4d: {  	v21 =	vld [tilespmem:s8+$0x1A000];
	v19 =	vmul.f32 $1.131370830e+01, v1;
	v20 =	vmul.f32 $1.131370830e+01, v3;
	v0 =	vadd.f32 v0, v2  }
0x4e: {  	v17 =	vld [tilespmem:s8+$0x4050];
	v4 =	vmul.f32 $1.131370830e+01, v4;
	v3 =	vmul.f32 $1.131370830e+01, v5  }
0x4f: {  	v22 =	vld [tilespmem:s8+$0x1A010];
	v1 =	vmul.f32 $1.131370830e+01, v7;
	[tilespmem:s8+$0x10070] =	vst v0;
	v0 =	vmul.f32 $1.131370830e+01, v9  }
0x50: {  	v16 =	vld [tilespmem:s8+$0x1A020];
	v5 =	vmul.f32 $1.131370830e+01, v10;
	v23 =	vmul.f32 $1.131370830e+01, v11  }
0x51: {  	v14 =	vld [tilespmem:s8+$0x1A030];
	v11 =	vmul.f32 $1.131370830e+01, v12;
	v7 =	vmul.f32 $1.131370830e+01, v15;
	v0 =	vadd.f32 v0, v2  }
0x52: {  	v12 =	vld [tilespmem:s8+$0x1A040];
	v10 =	vadd.f32 v5, v21;
	v5 =	vmul.f32 $1.131370830e+01, v18;
	v2 =	vmul.f32 $1.131370830e+01, v6  }
0x53: {  	v6 =	vmul.f32 $1.131370830e+01, v17;
	v17 =	vadd.f32 v19, v21;
	[tilespmem:s8+$0xE070] =	vst v0;
	v0 =	vmul.f32 $1.131370830e+01, v8;
	v8 =	vld [tilespmem:s8+$0x1A050]  }
0x54: {  	s25 =	simm.s32 $0x400;
	s12 =	simm.s32 $0x80;
	v18 =	vadd.f32 v20, v22;
	v15 =	vadd.f32 v23, v22;
	v9 =	vmul.f32 $1.131370830e+01, v13;
	v13 =	vld [tilespmem:s8+$0x1A060]  }
.LBB2_3:
0x55: {  	p1 =	sne.s32 s25, $0x7E00;
	v19 =	vld [tilespmem:s12+$0x4070];
	[tilespmem:s8+$0xE000] =	vst v17;
	v4 =	vadd.f32 v4, v16;
	v11 =	vadd.f32 v11, v16  }
0x56: {  	v16 =	vld [tilespmem:s12+$0x2000];
	[tilespmem:s8+$0xE010] =	vst v18;
	v3 =	vadd.f32 v3, v14;
	v9 =	vadd.f32 v9, v14  }
0x57: {  	v14 =	vld [tilespmem:s12+$0x1A070];
	[tilespmem:s8+$0xE020] =	vst v4;
	v2 =	vadd.f32 v2, v12;
	v7 =	vadd.f32 v7, v12  }
0x58: {  	v4 =	vld [tilespmem:s12+$0x2010];
	[tilespmem:s8+$0xE030] =	vst v3;
	v1 =	vadd.f32 v1, v8;
	v6 =	vadd.f32 v6, v8  }
0x59: {  	v3 =	vld [tilespmem:s12+$0x2020];
	[tilespmem:s8+$0xE040] =	vst v2;
	v0 =	vadd.f32 v0, v13;
	v5 =	vadd.f32 v5, v13  }
0x5a: {  	v2 =	vld [tilespmem:s12+$0x2030];
	v8 =	vmul.f32 $1.131370830e+01, v19;
	[tilespmem:s8+$0xE050] =	vst v1  }
0x5b: {  	v13 =	vmul.f32 $1.131370830e+01, v16;
	v1 =	vld [tilespmem:s12+$0x2040];
	[tilespmem:s8+$0xE060] =	vst v0  }
0x5c: {  	v0 =	vld [tilespmem:s12+$0x2050];
	v8 =	vadd.f32 v8, v14;
	[tilespmem:s8+$0x10000] =	vst v10  }
0x5d: {  	v18 =	vmul.f32 $1.131370830e+01, v4;
	v10 =	vld [tilespmem:s12+$0x2060];
	[tilespmem:s8+$0x10010] =	vst v15  }
0x5e: {  	v4 =	vmul.f32 $1.131370830e+01, v3;
	v12 =	vld [tilespmem:s12+$0x2070];
	[tilespmem:s12+$0x10070] =	vst v8  }
0x5f: {  	v3 =	vmul.f32 $1.131370830e+01, v2;
	v8 =	vld [tilespmem:s12+$0x4000];
	[tilespmem:s8+$0x10020] =	vst v11  }
0x60: {  	v2 =	vmul.f32 $1.131370830e+01, v1;
	v11 =	vld [tilespmem:s12+$0x4010];
	[tilespmem:s8+$0x10030] =	vst v9  }
0x61: {  	v1 =	vmul.f32 $1.131370830e+01, v0;
	v9 =	vld [tilespmem:s12+$0x4020];
	[tilespmem:s8+$0x10040] =	vst v7  }
0x62: {  	v0 =	vmul.f32 $1.131370830e+01, v10;
	v7 =	vld [tilespmem:s12+$0x4030];
	[tilespmem:s8+$0x10050] =	vst v6  }
0x63: {  	v6 =	vmul.f32 $1.131370830e+01, v12;
	v10 =	vld [tilespmem:s12+$0x4040];
	[tilespmem:s8+$0x10060] =	vst v5;
	s8 =	smov.u32 s12  }
0x64: {  	v15 =	vmul.f32 $1.131370830e+01, v8;
	v5 =	vld [tilespmem:s8+$0x4050]  }
0x65: {  	v6 =	vadd.f32 v6, v14;
	v19 =	vmul.f32 $1.131370830e+01, v11;
	v8 =	vld [tilespmem:s8+$0x4060]  }
0x66: {  	v20 =	vld [tilespmem:s8+$0x1A000];
	v11 =	vmul.f32 $1.131370830e+01, v9  }
0x67: {  	v21 =	vld [tilespmem:s8+$0x1A010];
	[tilespmem:s8+$0xE070] =	vst v6;
	v9 =	vmul.f32 $1.131370830e+01, v7  }
.Ltmp0:
0x68: {  	v16 =	vld [tilespmem:s8+$0x1A020];
	v7 =	vmul.f32 $1.131370830e+01, v10;
	(pc) =	sbr.rel @p1 .LBB2_3-.Ltmp0, $4  }
0x69: {  	v14 =	vld [tilespmem:s8+$0x1A030];
	v6 =	vmul.f32 $1.131370830e+01, v5  }
0x6a: {  	v12 =	vld [tilespmem:s8+$0x1A040];
	v5 =	vmul.f32 $1.131370830e+01, v8  }
0x6b: {  	v8 =	vld [tilespmem:s8+$0x1A050];
	v17 =	vadd.f32 v13, v20;
	v10 =	vadd.f32 v15, v20  }
0x6c: {  	s12 =	sshra.s32 s25, $0x2;
	s25 =	sadd.s32 $0x200, s25;
	v13 =	vld [tilespmem:s8+$0x1A060];
	v18 =	vadd.f32 v18, v21;
	v15 =	vadd.f32 v19, v21  }
0x6d: {  	v19 =	vld [tilespmem:s12+$0x4070];
	[tilespmem:s8+$0xE000] =	vst v17;
	v4 =	vadd.f32 v4, v16  }
0x6e: {  	v17 =	vld [tilespmem:s12+$0x2000];
	[tilespmem:s8+$0xE010] =	vst v18;
	v3 =	vadd.f32 v3, v14  }
0x6f: {  	v18 =	vld [tilespmem:s12+$0x1A070];
	[tilespmem:s8+$0xE020] =	vst v4;
	v2 =	vadd.f32 v2, v12  }
0x70: {  	v4 =	vld [tilespmem:s12+$0x2010];
	[tilespmem:s8+$0xE030] =	vst v3;
	v1 =	vadd.f32 v1, v8  }
0x71: {  	v3 =	vld [tilespmem:s12+$0x2020];
	[tilespmem:s8+$0xE040] =	vst v2;
	v0 =	vadd.f32 v0, v13  }
0x72: {  	v2 =	vld [tilespmem:s12+$0x2030];
	[tilespmem:s8+$0xE050] =	vst v1;
	v19 =	vmul.f32 $1.131370830e+01, v19  }
0x73: {  	v1 =	vld [tilespmem:s12+$0x2040];
	[tilespmem:s8+$0xE060] =	vst v0  }
0x74: {  	v0 =	vld [tilespmem:s12+$0x2050];
	[tilespmem:s8+$0x10000] =	vst v10;
	v19 =	vadd.f32 v19, v18  }
0x75: {  	v11 =	vadd.f32 v11, v16;
	v10 =	vld [tilespmem:s12+$0x2060];
	[tilespmem:s8+$0x10010] =	vst v15  }
0x76: {  	v9 =	vadd.f32 v9, v14;
	v15 =	vld [tilespmem:s12+$0x2070];
	[tilespmem:s12+$0x10070] =	vst v19  }
0x77: {  	v7 =	vadd.f32 v7, v12;
	v16 =	vld [tilespmem:s12+$0x4000];
	[tilespmem:s8+$0x10020] =	vst v11  }
0x78: {  	v6 =	vadd.f32 v6, v8;
	v11 =	vld [tilespmem:s12+$0x4010];
	[tilespmem:s8+$0x10030] =	vst v9  }
0x79: {  	v5 =	vadd.f32 v5, v13;
	v9 =	vld [tilespmem:s12+$0x4020];
	[tilespmem:s8+$0x10040] =	vst v7  }
0x7a: {  	v7 =	vld [tilespmem:s12+$0x4030];
	[tilespmem:s8+$0x10050] =	vst v6  }
0x7b: {  	v6 =	vld [tilespmem:s12+$0x4040];
	[tilespmem:s8+$0x10060] =	vst v5  }
0x7c: {  	v13 =	vld [tilespmem:s12+$0x1A000]  }
0x7d: {  	v5 =	vmul.f32 $1.131370830e+01, v15;
	v14 =	vld [tilespmem:s12+$0x1A010]  }
0x7e: {  	v15 =	vmul.f32 $1.131370830e+01, v17;
	v17 =	vld [tilespmem:s12+$0x1A030]  }
0x7f: {  	v19 =	vld [tilespmem:s12+$0x1A050];
	v5 =	vadd.f32 v5, v18  }
0x80: {  	v4 =	vmul.f32 $1.131370830e+01, v4;
	v18 =	vld [tilespmem:s12+$0x1A040]  }
0x81: {  	v2 =	vmul.f32 $1.131370830e+01, v2;
	[tilespmem:s12+$0xE070] =	vst v5;
	v5 =	vld [tilespmem:s12+$0x1A020];
	v15 =	vadd.f32 v15, v13  }
0x82: {  	v0 =	vmul.f32 $1.131370830e+01, v0;
	v20 =	vld [tilespmem:s12+$0x1A060];
	v4 =	vadd.f32 v4, v14  }
0x83: {  	v1 =	vmul.f32 $1.131370830e+01, v1;
	v2 =	vadd.f32 v2, v17;
	[tilespmem:s12+$0xE000] =	vst v15  }
0x84: {  	v3 =	vmul.f32 $1.131370830e+01, v3;
	v0 =	vadd.f32 v0, v19;
	[tilespmem:s12+$0xE010] =	vst v4  }
0x85: {  	v1 =	vadd.f32 v1, v18;
	v4 =	vmul.f32 $1.131370830e+01, v10;
	[tilespmem:s12+$0xE030] =	vst v2  }
0x86: {  	v12 =	vld [tilespmem:s12+$0x4060];
	v2 =	vmul.f32 $1.131370830e+01, v11;
	[tilespmem:s12+$0xE050] =	vst v0;
	v3 =	vadd.f32 v3, v5  }
0x87: {  	v8 =	vld [tilespmem:s12+$0x4050];
	v0 =	vmul.f32 $1.131370830e+01, v7;
	[tilespmem:s12+$0xE040] =	vst v1;
	v1 =	vadd.f32 v4, v20  }
0x88: {  	v2 =	vadd.f32 v2, v14;
	[tilespmem:s12+$0xE020] =	vst v3;
	v3 =	vmul.f32 $1.131370830e+01, v16  }
0x89: {  	v4 =	vmul.f32 $1.131370830e+01, v9;
	v0 =	vadd.f32 v0, v17;
	[tilespmem:s12+$0xE060] =	vst v1  }
0x8a: {  	v1 =	vmul.f32 $1.131370830e+01, v6;
	[tilespmem:s12+$0x10010] =	vst v2;
	v3 =	vadd.f32 v3, v13  }
0x8b: {  	v4 =	vadd.f32 v4, v5;
	v2 =	vmul.f32 $1.131370830e+01, v12;
	[tilespmem:s12+$0x10030] =	vst v0  }
0x8c: {  	s25 =	smul.u32 $0x180000, s24;
	v1 =	vadd.f32 v1, v18;
	[tilespmem:s12+$0x10000] =	vst v3;
	v3 =	vmul.f32 $1.131370830e+01, v8  }
0x8d: {  	[tilespmem:s12+$0x10020] =	vst v4;
	v0 =	vadd.f32 v2, v20  }
0x8e: {  	s26 =	sor.u32 s13, s25;
	[tilespmem:s12+$0x10040] =	vst v1;
	v3 =	vadd.f32 v3, v19  }
0x8f: {  	s26 =	sshrl.u32 s26, $0x3;
	[tilespmem:s12+$0x10060] =	vst v0  }
0x90: {  	s8 =	sadd.s32 s3, s26;
	[tilespmem:s12+$0x10050] =	vst v3;
	s12 =	smul.u32 $0xC00, s24  }
0x91: {  	[hbm4b:s8+s4] =	stream.linear.scatter [tilespmem:s9], [sflag:$0x7], $0x2000, $0x38;
	[tilespmem:$0x1C000] =	vst v63  }
0x92: {  	s8 =	sshra.s32 s12, $0x2  }
0x93: {  	s12 =	sor.u32 s5, s8  }
0x94: {  	s29 =	sadd.s32 $0x300, s12  }
0x95: {  	[tilespmem:s31], [sflag:$0x1] =	stream.indirect.gather [hbm4b:s1+s30], $0x80, s29, s30, $0xb8;
	[tilespmem:$0x1C000] =	vst v63  }
0x96: {  	s26 =	sadd.s32 s26, s19  }
0x97: {  	[hbm4b:s26+s4] =	stream.linear.scatter [tilespmem:s10], [sflag:$0x8], $0x2000, $0x38;
	[tilespmem:$0x1C000] =	vst v63  }
0x98: {  	s12 =	sadd.s32 $0x380, s12  }
0x99: {  	[tilespmem:s28], [sflag:$0x2] =	stream.indirect.gather [hbm4b:s1+s30], $0x80, s12, s30, $0xb8;
	[tilespmem:$0x1C000] =	vst v63  }
0x9a: {  	_ =	swait.ge [sflag:s11], $0x2000  }
0x9b: {  	[sflag:s11] =	ssyncset.done $0x0  }
0x9c: {  	s12 =	simm.s32 @!p0 $0x9;
	[sflag:s11] =	ssyncadd.s32 $0xFFFFE000  }
0x9d: {  	_ =	swait.ge @!p0 [sflag:s12], $0x2000  }
0x9e: {  	[sflag:s12] =	ssyncset.done @!p0 $0x0  }
0x9f: {  	[sflag:s12] =	ssyncadd.s32 @!p0 $0xFFFFE000;
	s12 =	simm.s32 @!p0 $0x4  }
0xa0: {  	_ =	swait.ge @!p0 [sflag:s12], $0x2000  }
0xa1: {  	s26 =	simm.s32 @!p0 $0xA;
	[sflag:s12] =	ssyncset.done @!p0 $0x0  }
0xa2: {  	s26 =	simm.s32 @p0 $0x4;
	[sflag:s12] =	ssyncadd.s32 @!p0 $0xFFFFE000  }
0xa3: {  	_ =	swait.ge [sflag:s26], $0x2000  }
0xa4: {  	[sflag:s26] =	ssyncset.done $0x0  }
0xa5: {  	s12 =	simm.s32 $0x0;
	[sflag:s26] =	ssyncadd.s32 $0xFFFFE000  }
0xa6: {  	v0 =	vld [tilespmem:s12+$0x8070]  }
0xa7: {  	v1 =	vld [tilespmem:s12+$0x6000]  }
0xa8: {  	v2 =	vld [tilespmem:s12+$0x1A070]  }
0xa9: {  	v3 =	vld [tilespmem:s12+$0x6010]  }
0xaa: {  	v4 =	vld [tilespmem:s12+$0x6020]  }
0xab: {  	v5 =	vld [tilespmem:s12+$0x6030]  }
0xac: {  	v6 =	vld [tilespmem:s12+$0x6040]  }
0xad: {  	v7 =	vld [tilespmem:s12+$0x6050]  }
0xae: {  	v8 =	vld [tilespmem:s12+$0x6060]  }
0xaf: {  	v9 =	vld [tilespmem:s12+$0x6070]  }
0xb0: {  	v10 =	vld [tilespmem:s12+$0x8000]  }
0xb1: {  	v11 =	vld [tilespmem:s12+$0x8010]  }
0xb2: {  	v12 =	vld [tilespmem:s12+$0x8020]  }
0xb3: {  	v13 =	vld [tilespmem:s12+$0x8030]  }
0xb4: {  	v15 =	vld [tilespmem:s12+$0x8040];
	v0 =	vmul.f32 $1.131370830e+01, v0  }
0xb5: {  	v18 =	vld [tilespmem:s12+$0x8060]  }
0xb6: {  	v21 =	vld [tilespmem:s12+$0x1A000];
	v19 =	vmul.f32 $1.131370830e+01, v1;
	v20 =	vmul.f32 $1.131370830e+01, v3;
	v0 =	vadd.f32 v0, v2  }
0xb7: {  	v17 =	vld [tilespmem:s12+$0x8050];
	v4 =	vmul.f32 $1.131370830e+01, v4;
	v3 =	vmul.f32 $1.131370830e+01, v5  }
0xb8: {  	v22 =	vld [tilespmem:s12+$0x1A010];
	v1 =	vmul.f32 $1.131370830e+01, v7;
	[tilespmem:s12+$0x14070] =	vst v0;
	v0 =	vmul.f32 $1.131370830e+01, v9  }
0xb9: {  	v16 =	vld [tilespmem:s12+$0x1A020];
	v5 =	vmul.f32 $1.131370830e+01, v10;
	v23 =	vmul.f32 $1.131370830e+01, v11  }
0xba: {  	v14 =	vld [tilespmem:s12+$0x1A030];
	v11 =	vmul.f32 $1.131370830e+01, v12;
	v7 =	vmul.f32 $1.131370830e+01, v15;
	v0 =	vadd.f32 v0, v2  }
0xbb: {  	v12 =	vld [tilespmem:s12+$0x1A040];
	v10 =	vadd.f32 v5, v21;
	v5 =	vmul.f32 $1.131370830e+01, v18;
	v2 =	vmul.f32 $1.131370830e+01, v6  }
0xbc: {  	v6 =	vmul.f32 $1.131370830e+01, v17;
	v17 =	vadd.f32 v19, v21;
	[tilespmem:s12+$0x12070] =	vst v0;
	v0 =	vmul.f32 $1.131370830e+01, v8;
	v8 =	vld [tilespmem:s12+$0x1A050]  }
0xbd: {  	s29 =	simm.s32 $0x80;
	s26 =	simm.s32 $0x400;
	v18 =	vadd.f32 v20, v22;
	v15 =	vadd.f32 v23, v22;
	v9 =	vmul.f32 $1.131370830e+01, v13;
	v13 =	vld [tilespmem:s12+$0x1A060]  }
.LBB2_5:
0xbe: {  	p1 =	sne.s32 s26, $0x7E00;
	v19 =	vld [tilespmem:s29+$0x8070];
	[tilespmem:s12+$0x12000] =	vst v17;
	v4 =	vadd.f32 v4, v16;
	v11 =	vadd.f32 v11, v16  }
0xbf: {  	v16 =	vld [tilespmem:s29+$0x6000];
	[tilespmem:s12+$0x12010] =	vst v18;
	v3 =	vadd.f32 v3, v14;
	v9 =	vadd.f32 v9, v14  }
0xc0: {  	v14 =	vld [tilespmem:s29+$0x1A070];
	[tilespmem:s12+$0x12020] =	vst v4;
	v2 =	vadd.f32 v2, v12;
	v7 =	vadd.f32 v7, v12  }
0xc1: {  	v4 =	vld [tilespmem:s29+$0x6010];
	[tilespmem:s12+$0x12030] =	vst v3;
	v1 =	vadd.f32 v1, v8;
	v6 =	vadd.f32 v6, v8  }
0xc2: {  	v3 =	vld [tilespmem:s29+$0x6020];
	[tilespmem:s12+$0x12040] =	vst v2;
	v0 =	vadd.f32 v0, v13;
	v5 =	vadd.f32 v5, v13  }
0xc3: {  	v2 =	vld [tilespmem:s29+$0x6030];
	v8 =	vmul.f32 $1.131370830e+01, v19;
	[tilespmem:s12+$0x12050] =	vst v1  }
0xc4: {  	v13 =	vmul.f32 $1.131370830e+01, v16;
	v1 =	vld [tilespmem:s29+$0x6040];
	[tilespmem:s12+$0x12060] =	vst v0  }
0xc5: {  	v0 =	vld [tilespmem:s29+$0x6050];
	v8 =	vadd.f32 v8, v14;
	[tilespmem:s12+$0x14000] =	vst v10  }
0xc6: {  	v18 =	vmul.f32 $1.131370830e+01, v4;
	v10 =	vld [tilespmem:s29+$0x6060];
	[tilespmem:s12+$0x14010] =	vst v15  }
0xc7: {  	v4 =	vmul.f32 $1.131370830e+01, v3;
	v12 =	vld [tilespmem:s29+$0x6070];
	[tilespmem:s29+$0x14070] =	vst v8  }
0xc8: {  	v3 =	vmul.f32 $1.131370830e+01, v2;
	v8 =	vld [tilespmem:s29+$0x8000];
	[tilespmem:s12+$0x14020] =	vst v11  }
0xc9: {  	v2 =	vmul.f32 $1.131370830e+01, v1;
	v11 =	vld [tilespmem:s29+$0x8010];
	[tilespmem:s12+$0x14030] =	vst v9  }
0xca: {  	v1 =	vmul.f32 $1.131370830e+01, v0;
	v9 =	vld [tilespmem:s29+$0x8020];
	[tilespmem:s12+$0x14040] =	vst v7  }
0xcb: {  	v0 =	vmul.f32 $1.131370830e+01, v10;
	v7 =	vld [tilespmem:s29+$0x8030];
	[tilespmem:s12+$0x14050] =	vst v6  }
0xcc: {  	v6 =	vmul.f32 $1.131370830e+01, v12;
	v10 =	vld [tilespmem:s29+$0x8040];
	[tilespmem:s12+$0x14060] =	vst v5;
	s12 =	smov.u32 s29  }
0xcd: {  	v15 =	vmul.f32 $1.131370830e+01, v8;
	v5 =	vld [tilespmem:s12+$0x8050]  }
0xce: {  	v6 =	vadd.f32 v6, v14;
	v19 =	vmul.f32 $1.131370830e+01, v11;
	v8 =	vld [tilespmem:s12+$0x8060]  }
0xcf: {  	v20 =	vld [tilespmem:s12+$0x1A000];
	v11 =	vmul.f32 $1.131370830e+01, v9  }
0xd0: {  	v21 =	vld [tilespmem:s12+$0x1A010];
	[tilespmem:s12+$0x12070] =	vst v6;
	v9 =	vmul.f32 $1.131370830e+01, v7  }
.Ltmp1:
0xd1: {  	v16 =	vld [tilespmem:s12+$0x1A020];
	v7 =	vmul.f32 $1.131370830e+01, v10;
	(pc) =	sbr.rel @p1 .LBB2_5-.Ltmp1, $4  }
0xd2: {  	v14 =	vld [tilespmem:s12+$0x1A030];
	v6 =	vmul.f32 $1.131370830e+01, v5  }
0xd3: {  	v12 =	vld [tilespmem:s12+$0x1A040];
	v5 =	vmul.f32 $1.131370830e+01, v8  }
0xd4: {  	v8 =	vld [tilespmem:s12+$0x1A050];
	v17 =	vadd.f32 v13, v20;
	v10 =	vadd.f32 v15, v20  }
0xd5: {  	s29 =	sshra.s32 s26, $0x2;
	s26 =	sadd.s32 $0x200, s26;
	v13 =	vld [tilespmem:s12+$0x1A060];
	v18 =	vadd.f32 v18, v21;
	v15 =	vadd.f32 v19, v21  }
0xd6: {  	v19 =	vld [tilespmem:s29+$0x8070];
	[tilespmem:s12+$0x12000] =	vst v17;
	v4 =	vadd.f32 v4, v16  }
0xd7: {  	v17 =	vld [tilespmem:s29+$0x6000];
	[tilespmem:s12+$0x12010] =	vst v18;
	v3 =	vadd.f32 v3, v14  }
0xd8: {  	v18 =	vld [tilespmem:s29+$0x1A070];
	[tilespmem:s12+$0x12020] =	vst v4;
	v2 =	vadd.f32 v2, v12  }
0xd9: {  	v4 =	vld [tilespmem:s29+$0x6010];
	[tilespmem:s12+$0x12030] =	vst v3;
	v1 =	vadd.f32 v1, v8  }
0xda: {  	v3 =	vld [tilespmem:s29+$0x6020];
	[tilespmem:s12+$0x12040] =	vst v2;
	v0 =	vadd.f32 v0, v13  }
0xdb: {  	v2 =	vld [tilespmem:s29+$0x6030];
	[tilespmem:s12+$0x12050] =	vst v1;
	v19 =	vmul.f32 $1.131370830e+01, v19  }
0xdc: {  	v1 =	vld [tilespmem:s29+$0x6040];
	[tilespmem:s12+$0x12060] =	vst v0  }
0xdd: {  	v0 =	vld [tilespmem:s29+$0x6050];
	[tilespmem:s12+$0x14000] =	vst v10;
	v19 =	vadd.f32 v19, v18  }
0xde: {  	v11 =	vadd.f32 v11, v16;
	v10 =	vld [tilespmem:s29+$0x6060];
	[tilespmem:s12+$0x14010] =	vst v15  }
0xdf: {  	v9 =	vadd.f32 v9, v14;
	v15 =	vld [tilespmem:s29+$0x6070];
	[tilespmem:s29+$0x14070] =	vst v19  }
0xe0: {  	v7 =	vadd.f32 v7, v12;
	v16 =	vld [tilespmem:s29+$0x8000];
	[tilespmem:s12+$0x14020] =	vst v11  }
0xe1: {  	v6 =	vadd.f32 v6, v8;
	v11 =	vld [tilespmem:s29+$0x8010];
	[tilespmem:s12+$0x14030] =	vst v9  }
0xe2: {  	v5 =	vadd.f32 v5, v13;
	v9 =	vld [tilespmem:s29+$0x8020];
	[tilespmem:s12+$0x14040] =	vst v7  }
0xe3: {  	v7 =	vld [tilespmem:s29+$0x8030];
	[tilespmem:s12+$0x14050] =	vst v6  }
0xe4: {  	v6 =	vld [tilespmem:s29+$0x8040];
	[tilespmem:s12+$0x14060] =	vst v5  }
0xe5: {  	v13 =	vld [tilespmem:s29+$0x1A000]  }
0xe6: {  	v5 =	vmul.f32 $1.131370830e+01, v15;
	v14 =	vld [tilespmem:s29+$0x1A010]  }
0xe7: {  	v15 =	vmul.f32 $1.131370830e+01, v17;
	v17 =	vld [tilespmem:s29+$0x1A030]  }
0xe8: {  	v19 =	vld [tilespmem:s29+$0x1A050];
	v5 =	vadd.f32 v5, v18  }
0xe9: {  	v4 =	vmul.f32 $1.131370830e+01, v4;
	v18 =	vld [tilespmem:s29+$0x1A040]  }
0xea: {  	v2 =	vmul.f32 $1.131370830e+01, v2;
	[tilespmem:s29+$0x12070] =	vst v5;
	v5 =	vld [tilespmem:s29+$0x1A020];
	v15 =	vadd.f32 v15, v13  }
0xeb: {  	v0 =	vmul.f32 $1.131370830e+01, v0;
	v20 =	vld [tilespmem:s29+$0x1A060];
	v4 =	vadd.f32 v4, v14  }
0xec: {  	v1 =	vmul.f32 $1.131370830e+01, v1;
	v2 =	vadd.f32 v2, v17;
	[tilespmem:s29+$0x12000] =	vst v15  }
0xed: {  	v3 =	vmul.f32 $1.131370830e+01, v3;
	v0 =	vadd.f32 v0, v19;
	[tilespmem:s29+$0x12010] =	vst v4  }
0xee: {  	v1 =	vadd.f32 v1, v18;
	v4 =	vmul.f32 $1.131370830e+01, v10;
	[tilespmem:s29+$0x12030] =	vst v2  }
0xef: {  	v12 =	vld [tilespmem:s29+$0x8060];
	v2 =	vmul.f32 $1.131370830e+01, v11;
	[tilespmem:s29+$0x12050] =	vst v0;
	v3 =	vadd.f32 v3, v5  }
0xf0: {  	v8 =	vld [tilespmem:s29+$0x8050];
	v0 =	vmul.f32 $1.131370830e+01, v7;
	[tilespmem:s29+$0x12040] =	vst v1;
	v1 =	vadd.f32 v4, v20  }
0xf1: {  	v2 =	vadd.f32 v2, v14;
	[tilespmem:s29+$0x12020] =	vst v3;
	v3 =	vmul.f32 $1.131370830e+01, v16  }
0xf2: {  	v4 =	vmul.f32 $1.131370830e+01, v9;
	v0 =	vadd.f32 v0, v17;
	[tilespmem:s29+$0x12060] =	vst v1  }
0xf3: {  	v1 =	vmul.f32 $1.131370830e+01, v6;
	[tilespmem:s29+$0x14010] =	vst v2;
	v3 =	vadd.f32 v3, v13  }
0xf4: {  	v4 =	vadd.f32 v4, v5;
	v2 =	vmul.f32 $1.131370830e+01, v12;
	[tilespmem:s29+$0x14030] =	vst v0  }
0xf5: {  	v1 =	vadd.f32 v1, v18;
	[tilespmem:s29+$0x14000] =	vst v3;
	v3 =	vmul.f32 $1.131370830e+01, v8  }
0xf6: {  	[tilespmem:s29+$0x14020] =	vst v4;
	v0 =	vadd.f32 v2, v20  }
0xf7: {  	s26 =	sadd.s32 s15, s25;
	[tilespmem:s29+$0x14040] =	vst v1;
	v3 =	vadd.f32 v3, v19  }
0xf8: {  	s12 =	sshrl.u32 s26, $0x3;
	[tilespmem:s29+$0x14060] =	vst v0  }
0xf9: {  	s8 =	sadd.s32 s5, s8;
	s12 =	sadd.s32 s3, s12;
	[tilespmem:s29+$0x14050] =	vst v3  }
0xfa: {  	[hbm4b:s12+s4] =	stream.linear.scatter [tilespmem:s14], [sflag:$0x9], $0x2000, $0x38;
	[tilespmem:$0x1C000] =	vst v63  }
0xfb: {  	s26 =	sadd.s32 $0x400, s8  }
0xfc: {  	[tilespmem:s2], [sflag:$0x3] =	stream.indirect.gather [hbm4b:s1+s30], $0x80, s26, s30, $0xb8;
	[tilespmem:$0x1C000] =	vst v63  }
0xfd: {  	s26 =	sadd.s32 s16, s25  }
0xfe: {  	s12 =	sshrl.u32 s26, $0x3  }
0xff: {  	s12 =	sadd.s32 s3, s12  }
0x100: {  	[hbm4b:s12+s4] =	stream.linear.scatter [tilespmem:s20], [sflag:$0xA], $0x2000, $0x38;
	[tilespmem:$0x1C000] =	vst v63  }
0x101: {  	s26 =	sadd.s32 $0x480, s8  }
0x102: {  	[tilespmem:s0], [sflag:$0x4] =	stream.indirect.gather [hbm4b:s1+s30], $0x80, s26, s30, $0xb8;
	[tilespmem:$0x1C000] =	vst v63  }
0x103: {  	_ =	swait.ge [sflag:s21], $0x2000  }
0x104: {  	[sflag:s21] =	ssyncset.done $0x0  }
0x105: {  	s12 =	simm.s32 @!p0 $0xB;
	[sflag:s21] =	ssyncadd.s32 $0xFFFFE000  }
0x106: {  	_ =	swait.ge @!p0 [sflag:s12], $0x2000  }
0x107: {  	[sflag:s12] =	ssyncset.done @!p0 $0x0  }
0x108: {  	[sflag:s12] =	ssyncadd.s32 @!p0 $0xFFFFE000;
	s12 =	simm.s32 @!p0 $0x6  }
0x109: {  	_ =	swait.ge @!p0 [sflag:s12], $0x2000  }
0x10a: {  	s26 =	simm.s32 @!p0 $0xC;
	[sflag:s12] =	ssyncset.done @!p0 $0x0  }
0x10b: {  	s26 =	simm.s32 @p0 $0x6;
	[sflag:s12] =	ssyncadd.s32 @!p0 $0xFFFFE000  }
0x10c: {  	_ =	swait.ge [sflag:s26], $0x2000  }
0x10d: {  	[sflag:s26] =	ssyncset.done $0x0  }
0x10e: {  	s12 =	simm.s32 $0x0;
	[sflag:s26] =	ssyncadd.s32 $0xFFFFE000  }
0x10f: {  	v0 =	vld [tilespmem:s12+$0xC070]  }
0x110: {  	v1 =	vld [tilespmem:s12+$0xA000]  }
0x111: {  	v2 =	vld [tilespmem:s12+$0x1A070]  }
0x112: {  	v3 =	vld [tilespmem:s12+$0xA010]  }
0x113: {  	v4 =	vld [tilespmem:s12+$0xA020]  }
0x114: {  	v5 =	vld [tilespmem:s12+$0xA030]  }
0x115: {  	v6 =	vld [tilespmem:s12+$0xA040]  }
0x116: {  	v7 =	vld [tilespmem:s12+$0xA050]  }
0x117: {  	v8 =	vld [tilespmem:s12+$0xA060]  }
0x118: {  	v9 =	vld [tilespmem:s12+$0xA070]  }
0x119: {  	v10 =	vld [tilespmem:s12+$0xC000]  }
0x11a: {  	v11 =	vld [tilespmem:s12+$0xC010]  }
0x11b: {  	v12 =	vld [tilespmem:s12+$0xC020]  }
0x11c: {  	v13 =	vld [tilespmem:s12+$0xC030]  }
0x11d: {  	v15 =	vld [tilespmem:s12+$0xC040];
	v0 =	vmul.f32 $1.131370830e+01, v0  }
0x11e: {  	v18 =	vld [tilespmem:s12+$0xC060]  }
0x11f: {  	v21 =	vld [tilespmem:s12+$0x1A000];
	v19 =	vmul.f32 $1.131370830e+01, v1;
	v20 =	vmul.f32 $1.131370830e+01, v3;
	v0 =	vadd.f32 v0, v2  }
0x120: {  	v17 =	vld [tilespmem:s12+$0xC050];
	v4 =	vmul.f32 $1.131370830e+01, v4;
	v3 =	vmul.f32 $1.131370830e+01, v5  }
0x121: {  	v22 =	vld [tilespmem:s12+$0x1A010];
	v1 =	vmul.f32 $1.131370830e+01, v7;
	[tilespmem:s12+$0x18070] =	vst v0;
	v0 =	vmul.f32 $1.131370830e+01, v9  }
0x122: {  	v16 =	vld [tilespmem:s12+$0x1A020];
	v5 =	vmul.f32 $1.131370830e+01, v10;
	v23 =	vmul.f32 $1.131370830e+01, v11  }
0x123: {  	v14 =	vld [tilespmem:s12+$0x1A030];
	v11 =	vmul.f32 $1.131370830e+01, v12;
	v7 =	vmul.f32 $1.131370830e+01, v15;
	v0 =	vadd.f32 v0, v2  }
0x124: {  	v12 =	vld [tilespmem:s12+$0x1A040];
	v10 =	vadd.f32 v5, v21;
	v5 =	vmul.f32 $1.131370830e+01, v18;
	v2 =	vmul.f32 $1.131370830e+01, v6  }
0x125: {  	v6 =	vmul.f32 $1.131370830e+01, v17;
	v17 =	vadd.f32 v19, v21;
	[tilespmem:s12+$0x16070] =	vst v0;
	v0 =	vmul.f32 $1.131370830e+01, v8;
	v8 =	vld [tilespmem:s12+$0x1A050]  }
0x126: {  	s29 =	simm.s32 $0x80;
	s26 =	simm.s32 $0x400;
	v18 =	vadd.f32 v20, v22;
	v15 =	vadd.f32 v23, v22;
	v9 =	vmul.f32 $1.131370830e+01, v13;
	v13 =	vld [tilespmem:s12+$0x1A060]  }
.LBB2_7:
0x127: {  	p0 =	sne.s32 s26, $0x7E00;
	v19 =	vld [tilespmem:s29+$0xC070];
	[tilespmem:s12+$0x16000] =	vst v17;
	v4 =	vadd.f32 v4, v16;
	v11 =	vadd.f32 v11, v16  }
0x128: {  	v16 =	vld [tilespmem:s29+$0xA000];
	[tilespmem:s12+$0x16010] =	vst v18;
	v3 =	vadd.f32 v3, v14;
	v9 =	vadd.f32 v9, v14  }
0x129: {  	v14 =	vld [tilespmem:s29+$0x1A070];
	[tilespmem:s12+$0x16020] =	vst v4;
	v2 =	vadd.f32 v2, v12;
	v7 =	vadd.f32 v7, v12  }
0x12a: {  	v4 =	vld [tilespmem:s29+$0xA010];
	[tilespmem:s12+$0x16030] =	vst v3;
	v1 =	vadd.f32 v1, v8;
	v6 =	vadd.f32 v6, v8  }
0x12b: {  	v3 =	vld [tilespmem:s29+$0xA020];
	[tilespmem:s12+$0x16040] =	vst v2;
	v0 =	vadd.f32 v0, v13;
	v5 =	vadd.f32 v5, v13  }
0x12c: {  	v2 =	vld [tilespmem:s29+$0xA030];
	v8 =	vmul.f32 $1.131370830e+01, v19;
	[tilespmem:s12+$0x16050] =	vst v1  }
0x12d: {  	v13 =	vmul.f32 $1.131370830e+01, v16;
	v1 =	vld [tilespmem:s29+$0xA040];
	[tilespmem:s12+$0x16060] =	vst v0  }
0x12e: {  	v0 =	vld [tilespmem:s29+$0xA050];
	v8 =	vadd.f32 v8, v14;
	[tilespmem:s12+$0x18000] =	vst v10  }
0x12f: {  	v18 =	vmul.f32 $1.131370830e+01, v4;
	v10 =	vld [tilespmem:s29+$0xA060];
	[tilespmem:s12+$0x18010] =	vst v15  }
0x130: {  	v4 =	vmul.f32 $1.131370830e+01, v3;
	v12 =	vld [tilespmem:s29+$0xA070];
	[tilespmem:s29+$0x18070] =	vst v8  }
0x131: {  	v3 =	vmul.f32 $1.131370830e+01, v2;
	v8 =	vld [tilespmem:s29+$0xC000];
	[tilespmem:s12+$0x18020] =	vst v11  }
0x132: {  	v2 =	vmul.f32 $1.131370830e+01, v1;
	v11 =	vld [tilespmem:s29+$0xC010];
	[tilespmem:s12+$0x18030] =	vst v9  }
0x133: {  	v1 =	vmul.f32 $1.131370830e+01, v0;
	v9 =	vld [tilespmem:s29+$0xC020];
	[tilespmem:s12+$0x18040] =	vst v7  }
0x134: {  	v0 =	vmul.f32 $1.131370830e+01, v10;
	v7 =	vld [tilespmem:s29+$0xC030];
	[tilespmem:s12+$0x18050] =	vst v6  }
0x135: {  	v6 =	vmul.f32 $1.131370830e+01, v12;
	v10 =	vld [tilespmem:s29+$0xC040];
	[tilespmem:s12+$0x18060] =	vst v5;
	s12 =	smov.u32 s29  }
0x136: {  	v15 =	vmul.f32 $1.131370830e+01, v8;
	v5 =	vld [tilespmem:s12+$0xC050]  }
0x137: {  	v6 =	vadd.f32 v6, v14;
	v19 =	vmul.f32 $1.131370830e+01, v11;
	v8 =	vld [tilespmem:s12+$0xC060]  }
0x138: {  	v20 =	vld [tilespmem:s12+$0x1A000];
	v11 =	vmul.f32 $1.131370830e+01, v9  }
0x139: {  	v21 =	vld [tilespmem:s12+$0x1A010];
	[tilespmem:s12+$0x16070] =	vst v6;
	v9 =	vmul.f32 $1.131370830e+01, v7  }
.Ltmp2:
0x13a: {  	v16 =	vld [tilespmem:s12+$0x1A020];
	v7 =	vmul.f32 $1.131370830e+01, v10;
	(pc) =	sbr.rel @p0 .LBB2_7-.Ltmp2, $4  }
0x13b: {  	v14 =	vld [tilespmem:s12+$0x1A030];
	v6 =	vmul.f32 $1.131370830e+01, v5  }
0x13c: {  	v12 =	vld [tilespmem:s12+$0x1A040];
	v5 =	vmul.f32 $1.131370830e+01, v8  }
0x13d: {  	v8 =	vld [tilespmem:s12+$0x1A050];
	v17 =	vadd.f32 v13, v20;
	v10 =	vadd.f32 v15, v20  }
0x13e: {  	s29 =	sshra.s32 s26, $0x2;
	s26 =	sadd.s32 $0x200, s26;
	v13 =	vld [tilespmem:s12+$0x1A060];
	v18 =	vadd.f32 v18, v21;
	v15 =	vadd.f32 v19, v21  }
0x13f: {  	v19 =	vld [tilespmem:s29+$0xC070];
	[tilespmem:s12+$0x16000] =	vst v17;
	v4 =	vadd.f32 v4, v16  }
0x140: {  	v17 =	vld [tilespmem:s29+$0xA000];
	[tilespmem:s12+$0x16010] =	vst v18;
	v3 =	vadd.f32 v3, v14  }
0x141: {  	v18 =	vld [tilespmem:s29+$0x1A070];
	[tilespmem:s12+$0x16020] =	vst v4;
	v2 =	vadd.f32 v2, v12  }
0x142: {  	v4 =	vld [tilespmem:s29+$0xA010];
	[tilespmem:s12+$0x16030] =	vst v3;
	v1 =	vadd.f32 v1, v8  }
0x143: {  	v3 =	vld [tilespmem:s29+$0xA020];
	[tilespmem:s12+$0x16040] =	vst v2;
	v0 =	vadd.f32 v0, v13  }
0x144: {  	v2 =	vld [tilespmem:s29+$0xA030];
	[tilespmem:s12+$0x16050] =	vst v1;
	v19 =	vmul.f32 $1.131370830e+01, v19  }
0x145: {  	v1 =	vld [tilespmem:s29+$0xA040];
	[tilespmem:s12+$0x16060] =	vst v0  }
0x146: {  	v0 =	vld [tilespmem:s29+$0xA050];
	[tilespmem:s12+$0x18000] =	vst v10;
	v19 =	vadd.f32 v19, v18  }
0x147: {  	v11 =	vadd.f32 v11, v16;
	v10 =	vld [tilespmem:s29+$0xA060];
	[tilespmem:s12+$0x18010] =	vst v15  }
0x148: {  	v9 =	vadd.f32 v9, v14;
	v15 =	vld [tilespmem:s29+$0xA070];
	[tilespmem:s29+$0x18070] =	vst v19  }
0x149: {  	v7 =	vadd.f32 v7, v12;
	v43 =	vld [tilespmem:s29+$0xC000];
	[tilespmem:s12+$0x18020] =	vst v11  }
0x14a: {  	v6 =	vadd.f32 v6, v8;
	v11 =	vld [tilespmem:s29+$0xC010];
	[tilespmem:s12+$0x18030] =	vst v9  }
0x14b: {  	v5 =	vadd.f32 v5, v13;
	v9 =	vld [tilespmem:s29+$0xC020];
	[tilespmem:s12+$0x18040] =	vst v7  }
0x14c: {  	v7 =	vld [tilespmem:s29+$0xC030];
	[tilespmem:s12+$0x18050] =	vst v6  }
0x14d: {  	v6 =	vld [tilespmem:s29+$0xC040];
	[tilespmem:s12+$0x18060] =	vst v5  }
0x14e: {  	v47 =	vld [tilespmem:s29+$0x1A000]  }
0x14f: {  	v48 =	vld [tilespmem:s29+$0x1A010]  }
0x150: {  	v44 =	vmul.f32 $1.131370830e+01, v15;
	v49 =	vld [tilespmem:s29+$0x1A020]  }
0x151: {  	v50 =	vmul.f32 $1.131370830e+01, v17;
	v51 =	vld [tilespmem:s29+$0x1A030]  }
0x152: {  	v4 =	vmul.f32 $1.131370830e+01, v4;
	v52 =	vld [tilespmem:s29+$0x1A040];
	v5 =	vadd.f32 v44, v18  }
0x153: {  	v3 =	vmul.f32 $1.131370830e+01, v3;
	v53 =	vld [tilespmem:s29+$0x1A050];
	v15 =	vadd.f32 v50, v47  }
0x154: {  	v2 =	vmul.f32 $1.131370830e+01, v2;
	v20 =	vld [tilespmem:s29+$0x1A060];
	[tilespmem:s29+$0x16070] =	vst v5;
	v4 =	vadd.f32 v4, v48  }
0x155: {  	v1 =	vmul.f32 $1.131370830e+01, v1;
	v3 =	vadd.f32 v3, v49;
	[tilespmem:s29+$0x16000] =	vst v15  }
0x156: {  	v0 =	vmul.f32 $1.131370830e+01, v0;
	v2 =	vadd.f32 v2, v51;
	[tilespmem:s29+$0x16010] =	vst v4  }
0x157: {  	v54 =	vmul.f32 $1.131370830e+01, v10;
	v1 =	vadd.f32 v1, v52;
	[tilespmem:s29+$0x16020] =	vst v3  }
0x158: {  	v55 =	vmul.f32 $1.131370830e+01, v43;
	v46 =	vld [tilespmem:s29+$0xC060];
	v0 =	vadd.f32 v0, v53;
	[tilespmem:s29+$0x16030] =	vst v2  }
0x159: {  	v45 =	vld [tilespmem:s29+$0xC050];
	v56 =	vmul.f32 $1.131370830e+01, v11;
	v57 =	vadd.f32 v54, v20;
	[tilespmem:s29+$0x16040] =	vst v1  }
0x15a: {  	v58 =	vmul.f32 $1.131370830e+01, v9;
	v3 =	vadd.f32 v55, v47;
	[tilespmem:s29+$0x16050] =	vst v0  }
0x15b: {  	v59 =	vmul.f32 $1.131370830e+01, v7;
	v2 =	vadd.f32 v56, v48;
	[tilespmem:s29+$0x16060] =	vst v57  }
0x15c: {  	v60 =	vmul.f32 $1.131370830e+01, v6;
	v4 =	vadd.f32 v58, v49;
	[tilespmem:s29+$0x18000] =	vst v3  }
0x15d: {  	v62 =	vmul.f32 $1.131370830e+01, v46;
	v0 =	vadd.f32 v59, v51;
	[tilespmem:s29+$0x18010] =	vst v2  }
0x15e: {  	p0 =	seq.s32 s24, $0x9;
	v61 =	vmul.f32 $1.131370830e+01, v45;
	v1 =	vadd.f32 v60, v52;
	[tilespmem:s29+$0x18020] =	vst v4  }
.Ltmp3:
0x15f: {  	v63 =	vadd.f32 v62, v20;
	[tilespmem:s29+$0x18030] =	vst v0;
	(pc) =	sbr.rel @p0 .LBB2_10-.Ltmp3, $4  }
0x160: {  	s26 =	sadd.s32 s17, s25;
	v3 =	vadd.f32 v61, v53;
	[tilespmem:s29+$0x18040] =	vst v1  }
0x161: {  	s12 =	sshrl.u32 s26, $0x3;
	[tilespmem:s29+$0x18060] =	vst v63  }
0x162: {  	s12 =	sadd.s32 s3, s12;
	[tilespmem:s29+$0x18050] =	vst v3  }
0x163: {  	[hbm4b:s12+s4] =	stream.linear.scatter [tilespmem:s22], [sflag:$0xB], $0x2000, $0x38;
	[tilespmem:$0x1C000] =	vst v63  }
0x164: {  	s12 =	sadd.s32 $0x500, s8;
	s26 =	simm.s32 $0xA000  }
0x165: {  	[tilespmem:s26], [sflag:$0x5] =	stream.indirect.gather [hbm4b:s1+s30], $0x80, s12, s30, $0xb8;
	[tilespmem:$0x1C000] =	vst v63  }
0x166: {  	s26 =	sadd.s32 s18, s25  }
.Ltmp4:
0x167: {  	s12 =	sshrl.u32 s26, $0x3;
	(pc) =	sbr.rel .LBB2_2-.Ltmp4, $4  }
0x168: {  	s12 =	sadd.s32 s3, s12  }
0x169: {  	[hbm4b:s12+s4] =	stream.linear.scatter [tilespmem:s23], [sflag:$0xC], $0x2000, $0x38;
	[tilespmem:$0x1C000] =	vst v63  }
0x16a: {  	s29 =	sadd.s32 $0x580, s8;
	s24 =	sadd.s32 $0x1, s24  }
0x16b: {  	[tilespmem:s7], [sflag:$0x6] =	stream.indirect.gather [hbm4b:s1+s30], $0x80, s29, s30, $0xb8;
	[tilespmem:$0x1C000] =	vst v63  }
.LBB2_10:
0x16c: {  	s8 =	simm.s32 $0x0;
	s12 =	rddreg [dreg:$0xc]  }
0x16d: {  	[hbm4b:s12+s8] =	stream.linear.scatter [tilespmem:s23], [sflag:$0xC], $0x2000, $0x38;
	[tilespmem:$0x1C000] =	vst v63  }
0x16e: {  	_ =	swait.ge [sflag:s6], $0x2000  }
0x16f: {  	[sflag:s6] =	ssyncset.done $0x0  }
0x170: {  	s25 =	simm.s32 $0x7;
	[sflag:s6] =	ssyncadd.s32 $0xFFFFE000  }
0x171: {  	_ =	swait.ge [sflag:s25], $0x2000  }
0x172: {  	[sflag:s25] =	ssyncset.done $0x0  }
0x173: {  	s8 =	simm.s32 $0x0;
	[sflag:s25] =	ssyncadd.s32 $0xFFFFE000  }
0x174: {  	v0 =	vld [tilespmem:s8+$0x2070]  }
0x175: {  	v1 =	vld [tilespmem:s8+$0x2000]  }
0x176: {  	v2 =	vld [tilespmem:s8+$0x1A070]  }
0x177: {  	v3 =	vld [tilespmem:s8+$0x2010]  }
0x178: {  	v4 =	vld [tilespmem:s8+$0x2020]  }
0x179: {  	v7 =	vld [tilespmem:s8+$0x2030]  }
0x17a: {  	v9 =	vld [tilespmem:s8+$0x2040]  }
0x17b: {  	v11 =	vld [tilespmem:s8+$0x2050]  }
0x17c: {  	v12 =	vld [tilespmem:s8+$0x2060];
	v0 =	vmul.f32 $1.131370830e+01, v0  }
0x17d: {  	v10 =	vld [tilespmem:s8+$0x1A000]  }
0x17e: {  	v13 =	vld [tilespmem:s8+$0x1A010];
	v0 =	vadd.f32 v2, v0  }
0x17f: {  	v8 =	vld [tilespmem:s8+$0x1A020]  }
0x180: {  	v6 =	vld [tilespmem:s8+$0x1A030];
	[tilespmem:s8+$0xE070] =	vst v0;
	v0 =	vmul.f32 $1.131370830e+01, v1  }
0x181: {  	v14 =	vmul.f32 $1.131370830e+01, v3;
	v5 =	vmul.f32 $1.131370830e+01, v4;
	v4 =	vld [tilespmem:s8+$0x1A040]  }
0x182: {  	v3 =	vmul.f32 $1.131370830e+01, v7;
	v7 =	vld [tilespmem:s8+$0x1A050];
	v2 =	vmul.f32 $1.131370830e+01, v9;
	v10 =	vadd.f32 v10, v0  }
0x183: {  	s24 =	simm.s32 $0x400;
	s12 =	simm.s32 $0x80;
	v9 =	vld [tilespmem:s8+$0x1A060];
	v1 =	vmul.f32 $1.131370830e+01, v11;
	v11 =	vadd.f32 v13, v14;
	v0 =	vmul.f32 $1.131370830e+01, v12  }
.LBB2_11:
0x184: {  	p0 =	sne.s32 s24, $0x7E00;
	v12 =	vld [tilespmem:s12+$0x2070];
	[tilespmem:s8+$0xE000] =	vst v10;
	v5 =	vadd.f32 v8, v5  }
0x185: {  	v8 =	vld [tilespmem:s12+$0x2000];
	[tilespmem:s8+$0xE010] =	vst v11;
	v3 =	vadd.f32 v6, v3  }
0x186: {  	v6 =	vld [tilespmem:s12+$0x1A070];
	[tilespmem:s8+$0xE020] =	vst v5;
	v2 =	vadd.f32 v4, v2  }
0x187: {  	v4 =	vld [tilespmem:s12+$0x2010];
	[tilespmem:s8+$0xE030] =	vst v3;
	v1 =	vadd.f32 v7, v1  }
0x188: {  	v3 =	vld [tilespmem:s12+$0x2020];
	[tilespmem:s8+$0xE040] =	vst v2;
	v0 =	vadd.f32 v9, v0  }
0x189: {  	v2 =	vld [tilespmem:s12+$0x2030];
	v5 =	vmul.f32 $1.131370830e+01, v12;
	[tilespmem:s8+$0xE050] =	vst v1  }
0x18a: {  	v7 =	vmul.f32 $1.131370830e+01, v8;
	v1 =	vld [tilespmem:s12+$0x2040];
	[tilespmem:s8+$0xE060] =	vst v0;
	s8 =	smov.u32 s12  }
0x18b: {  	v0 =	vld [tilespmem:s8+$0x2050];
	v6 =	vadd.f32 v6, v5  }
0x18c: {  	v9 =	vmul.f32 $1.131370830e+01, v4;
	v10 =	vld [tilespmem:s8+$0x2060]  }
0x18d: {  	v11 =	vld [tilespmem:s8+$0x1A000];
	v5 =	vmul.f32 $1.131370830e+01, v3;
	[tilespmem:s8+$0xE070] =	vst v6  }
0x18e: {  	v12 =	vld [tilespmem:s8+$0x1A010];
	v3 =	vmul.f32 $1.131370830e+01, v2  }
.Ltmp5:
0x18f: {  	v8 =	vld [tilespmem:s8+$0x1A020];
	v2 =	vmul.f32 $1.131370830e+01, v1;
	(pc) =	sbr.rel @p0 .LBB2_11-.Ltmp5, $4  }
0x190: {  	v6 =	vld [tilespmem:s8+$0x1A030];
	v1 =	vmul.f32 $1.131370830e+01, v0  }
0x191: {  	v4 =	vld [tilespmem:s8+$0x1A040];
	v0 =	vmul.f32 $1.131370830e+01, v10  }
0x192: {  	v10 =	vadd.f32 v11, v7;
	v7 =	vld [tilespmem:s8+$0x1A050]  }
0x193: {  	s12 =	sshra.s32 s24, $0x2;
	s24 =	sadd.s32 $0x200, s24;
	v11 =	vadd.f32 v12, v9;
	v9 =	vld [tilespmem:s8+$0x1A060]  }
0x194: {  	v12 =	vld [tilespmem:s12+$0x2070];
	[tilespmem:s8+$0xE000] =	vst v10;
	v5 =	vadd.f32 v8, v5  }
0x195: {  	v10 =	vld [tilespmem:s12+$0x2000];
	[tilespmem:s8+$0xE010] =	vst v11;
	v3 =	vadd.f32 v6, v3  }
0x196: {  	v8 =	vld [tilespmem:s12+$0x1A070];
	[tilespmem:s8+$0xE020] =	vst v5;
	v2 =	vadd.f32 v4, v2  }
0x197: {  	v5 =	vld [tilespmem:s12+$0x2010];
	[tilespmem:s8+$0xE030] =	vst v3;
	v1 =	vadd.f32 v7, v1  }
0x198: {  	v3 =	vld [tilespmem:s12+$0x2020];
	[tilespmem:s8+$0xE040] =	vst v2;
	v0 =	vadd.f32 v9, v0  }
0x199: {  	v2 =	vld [tilespmem:s12+$0x2030];
	[tilespmem:s8+$0xE050] =	vst v1  }
0x19a: {  	v4 =	vmul.f32 $1.131370830e+01, v12;
	v1 =	vld [tilespmem:s12+$0x2040];
	[tilespmem:s8+$0xE060] =	vst v0  }
0x19b: {  	v0 =	vld [tilespmem:s12+$0x2050]  }
0x19c: {  	v4 =	vadd.f32 v8, v4;
	v7 =	vld [tilespmem:s12+$0x1A000]  }
0x19d: {  	v8 =	vld [tilespmem:s12+$0x1A020]  }
0x19e: {  	[tilespmem:s12+$0xE070] =	vst v4;
	v4 =	vld [tilespmem:s12+$0x1A010]  }
0x19f: {  	v6 =	vld [tilespmem:s12+$0x2060]  }
0x1a0: {  	v9 =	vmul.f32 $1.131370830e+01, v10;
	v10 =	vld [tilespmem:s12+$0x1A030]  }
0x1a1: {  	v11 =	vld [tilespmem:s12+$0x1A040];
	v5 =	vmul.f32 $1.131370830e+01, v5;
	v3 =	vmul.f32 $1.131370830e+01, v3  }
0x1a2: {  	v7 =	vadd.f32 v7, v9;
	v9 =	vld [tilespmem:s12+$0x1A050]  }
0x1a3: {  	v2 =	vmul.f32 $1.131370830e+01, v2;
	v3 =	vadd.f32 v8, v3;
	v4 =	vadd.f32 v4, v5;
	v5 =	vld [tilespmem:s12+$0x1A060]  }
0x1a4: {  	v1 =	vmul.f32 $1.131370830e+01, v1;
	[tilespmem:s12+$0xE000] =	vst v7  }
0x1a5: {  	v0 =	vmul.f32 $1.131370830e+01, v0;
	v2 =	vadd.f32 v10, v2;
	[tilespmem:s12+$0xE020] =	vst v3  }
0x1a6: {  	v1 =	vadd.f32 v11, v1;
	[tilespmem:s12+$0xE010] =	vst v4;
	v4 =	vmul.f32 $1.131370830e+01, v6  }
0x1a7: {  	[tilespmem:s12+$0xE030] =	vst v2;
	v0 =	vadd.f32 v9, v0  }
0x1a8: {  	[tilespmem:s12+$0xE040] =	vst v1;
	v1 =	vadd.f32 v5, v4  }
0x1a9: {  	[tilespmem:s12+$0xE050] =	vst v0  }
0x1aa: {  	s24 =	simm.s32 $0x0;
	s26 =	rddreg [dreg:$0xd];
	s29 =	simm.s32 $0x2;
	[tilespmem:s12+$0xE060] =	vst v1  }
0x1ab: {  	[hbm4b:s26+s24] =	stream.linear.scatter [tilespmem:s9], [sflag:$0x7], $0x2000, $0x38;
	[tilespmem:$0x1C000] =	vst v63  }
0x1ac: {  	_ =	swait.ge [sflag:s29], $0x2000  }
0x1ad: {  	[sflag:s29] =	ssyncset.done $0x0  }
0x1ae: {  	s26 =	simm.s32 $0x8;
	[sflag:s29] =	ssyncadd.s32 $0xFFFFE000  }
0x1af: {  	_ =	swait.ge [sflag:s26], $0x2000  }
0x1b0: {  	[sflag:s26] =	ssyncset.done $0x0  }
0x1b1: {  	s8 =	simm.s32 $0x0;
	[sflag:s26] =	ssyncadd.s32 $0xFFFFE000  }
0x1b2: {  	v0 =	vld [tilespmem:s8+$0x4070]  }
0x1b3: {  	v1 =	vld [tilespmem:s8+$0x4000]  }
0x1b4: {  	v2 =	vld [tilespmem:s8+$0x1A070]  }
0x1b5: {  	v3 =	vld [tilespmem:s8+$0x4010]  }
0x1b6: {  	v4 =	vld [tilespmem:s8+$0x4020]  }
0x1b7: {  	v5 =	vld [tilespmem:s8+$0x4030]  }
0x1b8: {  	v6 =	vld [tilespmem:s8+$0x4040]  }
0x1b9: {  	v9 =	vld [tilespmem:s8+$0x4050]  }
0x1ba: {  	v10 =	vld [tilespmem:s8+$0x4060]  }
0x1bb: {  	v11 =	vld [tilespmem:s8+$0x1A000]  }
0x1bc: {  	v63 =	vld [tilespmem:s8+$0x1A010];
	v0 =	vmul.f32 $1.131370830e+01, v0  }
0x1bd: {  	v8 =	vld [tilespmem:s8+$0x1A020]  }
0x1be: {  	v7 =	vld [tilespmem:s8+$0x1A030];
	v13 =	vmul.f32 $1.131370830e+01, v1;
	v14 =	vmul.f32 $1.131370830e+01, v3;
	v0 =	vadd.f32 v2, v0  }
0x1bf: {  	v4 =	vmul.f32 $1.131370830e+01, v4;
	v3 =	vmul.f32 $1.131370830e+01, v5;
	v5 =	vld [tilespmem:s8+$0x1A040]  }
0x1c0: {  	v2 =	vmul.f32 $1.131370830e+01, v6;
	v6 =	vld [tilespmem:s8+$0x1A050];
	[tilespmem:s8+$0x10070] =	vst v0;
	v0 =	vmul.f32 $1.131370830e+01, v10;
	v10 =	vadd.f32 v11, v13  }
0x1c1: {  	s12 =	simm.s32 $0x80;
	s24 =	simm.s32 $0x400;
	v1 =	vmul.f32 $1.131370830e+01, v9;
	v9 =	vld [tilespmem:s8+$0x1A060];
	v11 =	vadd.f32 v63, v14  }
.LBB2_13:
0x1c2: {  	p0 =	sne.s32 s24, $0x7E00;
	v12 =	vld [tilespmem:s12+$0x4070];
	[tilespmem:s8+$0x10000] =	vst v10;
	v4 =	vadd.f32 v8, v4  }
0x1c3: {  	v8 =	vld [tilespmem:s12+$0x4000];
	[tilespmem:s8+$0x10010] =	vst v11;
	v3 =	vadd.f32 v7, v3  }
0x1c4: {  	v7 =	vld [tilespmem:s12+$0x1A070];
	[tilespmem:s8+$0x10020] =	vst v4;
	v2 =	vadd.f32 v5, v2  }
0x1c5: {  	v4 =	vld [tilespmem:s12+$0x4010];
	[tilespmem:s8+$0x10030] =	vst v3;
	v1 =	vadd.f32 v6, v1  }
0x1c6: {  	v3 =	vld [tilespmem:s12+$0x4020];
	[tilespmem:s8+$0x10040] =	vst v2;
	v0 =	vadd.f32 v9, v0  }
0x1c7: {  	v2 =	vld [tilespmem:s12+$0x4030];
	v5 =	vmul.f32 $1.131370830e+01, v12;
	[tilespmem:s8+$0x10050] =	vst v1  }
0x1c8: {  	v6 =	vmul.f32 $1.131370830e+01, v8;
	v1 =	vld [tilespmem:s12+$0x4040];
	[tilespmem:s8+$0x10060] =	vst v0;
	s8 =	smov.u32 s12  }
0x1c9: {  	v0 =	vld [tilespmem:s8+$0x4050];
	v5 =	vadd.f32 v7, v5  }
0x1ca: {  	v9 =	vmul.f32 $1.131370830e+01, v4;
	v10 =	vld [tilespmem:s8+$0x4060]  }
0x1cb: {  	v11 =	vld [tilespmem:s8+$0x1A000];
	v4 =	vmul.f32 $1.131370830e+01, v3;
	[tilespmem:s8+$0x10070] =	vst v5  }
0x1cc: {  	v12 =	vld [tilespmem:s8+$0x1A010];
	v3 =	vmul.f32 $1.131370830e+01, v2  }
.Ltmp6:
0x1cd: {  	v8 =	vld [tilespmem:s8+$0x1A020];
	v2 =	vmul.f32 $1.131370830e+01, v1;
	(pc) =	sbr.rel @p0 .LBB2_13-.Ltmp6, $4  }
0x1ce: {  	v7 =	vld [tilespmem:s8+$0x1A030];
	v1 =	vmul.f32 $1.131370830e+01, v0  }
0x1cf: {  	v5 =	vld [tilespmem:s8+$0x1A040];
	v0 =	vmul.f32 $1.131370830e+01, v10  }
0x1d0: {  	v10 =	vadd.f32 v11, v6;
	v6 =	vld [tilespmem:s8+$0x1A050]  }
0x1d1: {  	s12 =	sshra.s32 s24, $0x2;
	s24 =	sadd.s32 $0x200, s24;
	v11 =	vadd.f32 v12, v9;
	v9 =	vld [tilespmem:s8+$0x1A060]  }
0x1d2: {  	v12 =	vld [tilespmem:s12+$0x4070];
	[tilespmem:s8+$0x10000] =	vst v10;
	v4 =	vadd.f32 v8, v4  }
0x1d3: {  	v10 =	vld [tilespmem:s12+$0x4000];
	[tilespmem:s8+$0x10010] =	vst v11;
	v3 =	vadd.f32 v7, v3  }
0x1d4: {  	v8 =	vld [tilespmem:s12+$0x1A070];
	[tilespmem:s8+$0x10020] =	vst v4;
	v2 =	vadd.f32 v5, v2  }
0x1d5: {  	v4 =	vld [tilespmem:s12+$0x4010];
	[tilespmem:s8+$0x10030] =	vst v3;
	v1 =	vadd.f32 v6, v1  }
0x1d6: {  	v3 =	vld [tilespmem:s12+$0x4020];
	[tilespmem:s8+$0x10040] =	vst v2;
	v0 =	vadd.f32 v9, v0  }
0x1d7: {  	v2 =	vld [tilespmem:s12+$0x4030];
	[tilespmem:s8+$0x10050] =	vst v1  }
0x1d8: {  	v5 =	vmul.f32 $1.131370830e+01, v12;
	v1 =	vld [tilespmem:s12+$0x4040];
	[tilespmem:s8+$0x10060] =	vst v0  }
0x1d9: {  	v0 =	vld [tilespmem:s12+$0x4050]  }
0x1da: {  	v5 =	vadd.f32 v8, v5;
	v7 =	vld [tilespmem:s12+$0x1A000]  }
0x1db: {  	v8 =	vld [tilespmem:s12+$0x1A020]  }
0x1dc: {  	[tilespmem:s12+$0x10070] =	vst v5;
	v5 =	vld [tilespmem:s12+$0x1A010]  }
0x1dd: {  	v6 =	vld [tilespmem:s12+$0x4060]  }
0x1de: {  	v9 =	vmul.f32 $1.131370830e+01, v10;
	v10 =	vld [tilespmem:s12+$0x1A030]  }
0x1df: {  	v11 =	vld [tilespmem:s12+$0x1A040];
	v4 =	vmul.f32 $1.131370830e+01, v4;
	v3 =	vmul.f32 $1.131370830e+01, v3  }
0x1e0: {  	v7 =	vadd.f32 v7, v9;
	v9 =	vld [tilespmem:s12+$0x1A050]  }
0x1e1: {  	v2 =	vmul.f32 $1.131370830e+01, v2;
	v3 =	vadd.f32 v8, v3;
	v4 =	vadd.f32 v5, v4;
	v5 =	vld [tilespmem:s12+$0x1A060]  }
0x1e2: {  	v1 =	vmul.f32 $1.131370830e+01, v1;
	[tilespmem:s12+$0x10000] =	vst v7  }
0x1e3: {  	v0 =	vmul.f32 $1.131370830e+01, v0;
	v2 =	vadd.f32 v10, v2;
	[tilespmem:s12+$0x10020] =	vst v3  }
0x1e4: {  	v1 =	vadd.f32 v11, v1;
	[tilespmem:s12+$0x10010] =	vst v4;
	v4 =	vmul.f32 $1.131370830e+01, v6  }
0x1e5: {  	[tilespmem:s12+$0x10030] =	vst v2;
	v0 =	vadd.f32 v9, v0  }
0x1e6: {  	[tilespmem:s12+$0x10040] =	vst v1;
	v1 =	vadd.f32 v5, v4  }
0x1e7: {  	[tilespmem:s12+$0x10050] =	vst v0  }
0x1e8: {  	s24 =	rddreg [dreg:$0xe];
	[tilespmem:s12+$0x10060] =	vst v1;
	s12 =	simm.s32 $0x0  }
0x1e9: {  	[hbm4b:s24+s12] =	stream.linear.scatter [tilespmem:s10], [sflag:$0x8], $0x2000, $0x38;
	[tilespmem:$0x1C000] =	vst v63  }
0x1ea: {  	_ =	swait.ge [sflag:s11], $0x2000  }
0x1eb: {  	[sflag:s11] =	ssyncset.done $0x0  }
0x1ec: {  	s29 =	simm.s32 $0x9;
	[sflag:s11] =	ssyncadd.s32 $0xFFFFE000  }
0x1ed: {  	_ =	swait.ge [sflag:s29], $0x2000  }
0x1ee: {  	[sflag:s29] =	ssyncset.done $0x0  }
0x1ef: {  	s8 =	simm.s32 $0x0;
	[sflag:s29] =	ssyncadd.s32 $0xFFFFE000  }
0x1f0: {  	v0 =	vld [tilespmem:s8+$0x6070]  }
0x1f1: {  	v1 =	vld [tilespmem:s8+$0x6000]  }
0x1f2: {  	v2 =	vld [tilespmem:s8+$0x1A070]  }
0x1f3: {  	v3 =	vld [tilespmem:s8+$0x6010]  }
0x1f4: {  	v4 =	vld [tilespmem:s8+$0x6020]  }
0x1f5: {  	v5 =	vld [tilespmem:s8+$0x6030]  }
0x1f6: {  	v6 =	vld [tilespmem:s8+$0x6040]  }
0x1f7: {  	v9 =	vld [tilespmem:s8+$0x6050]  }
0x1f8: {  	v10 =	vld [tilespmem:s8+$0x6060]  }
0x1f9: {  	v11 =	vld [tilespmem:s8+$0x1A000]  }
0x1fa: {  	v63 =	vld [tilespmem:s8+$0x1A010];
	v0 =	vmul.f32 $1.131370830e+01, v0  }
0x1fb: {  	v8 =	vld [tilespmem:s8+$0x1A020]  }
0x1fc: {  	v7 =	vld [tilespmem:s8+$0x1A030];
	v13 =	vmul.f32 $1.131370830e+01, v1;
	v14 =	vmul.f32 $1.131370830e+01, v3;
	v0 =	vadd.f32 v2, v0  }
0x1fd: {  	v4 =	vmul.f32 $1.131370830e+01, v4;
	v3 =	vmul.f32 $1.131370830e+01, v5;
	v5 =	vld [tilespmem:s8+$0x1A040]  }
0x1fe: {  	v2 =	vmul.f32 $1.131370830e+01, v6;
	v6 =	vld [tilespmem:s8+$0x1A050];
	[tilespmem:s8+$0x12070] =	vst v0;
	v0 =	vmul.f32 $1.131370830e+01, v10;
	v10 =	vadd.f32 v11, v13  }
0x1ff: {  	s12 =	simm.s32 $0x80;
	s24 =	simm.s32 $0x400;
	v1 =	vmul.f32 $1.131370830e+01, v9;
	v9 =	vld [tilespmem:s8+$0x1A060];
	v11 =	vadd.f32 v63, v14  }
.LBB2_15:
0x200: {  	p0 =	sne.s32 s24, $0x7E00;
	v12 =	vld [tilespmem:s12+$0x6070];
	[tilespmem:s8+$0x12000] =	vst v10;
	v4 =	vadd.f32 v8, v4  }
0x201: {  	v8 =	vld [tilespmem:s12+$0x6000];
	[tilespmem:s8+$0x12010] =	vst v11;
	v3 =	vadd.f32 v7, v3  }
0x202: {  	v7 =	vld [tilespmem:s12+$0x1A070];
	[tilespmem:s8+$0x12020] =	vst v4;
	v2 =	vadd.f32 v5, v2  }
0x203: {  	v4 =	vld [tilespmem:s12+$0x6010];
	[tilespmem:s8+$0x12030] =	vst v3;
	v1 =	vadd.f32 v6, v1  }
0x204: {  	v3 =	vld [tilespmem:s12+$0x6020];
	[tilespmem:s8+$0x12040] =	vst v2;
	v0 =	vadd.f32 v9, v0  }
0x205: {  	v2 =	vld [tilespmem:s12+$0x6030];
	v5 =	vmul.f32 $1.131370830e+01, v12;
	[tilespmem:s8+$0x12050] =	vst v1  }
0x206: {  	v6 =	vmul.f32 $1.131370830e+01, v8;
	v1 =	vld [tilespmem:s12+$0x6040];
	[tilespmem:s8+$0x12060] =	vst v0;
	s8 =	smov.u32 s12  }
0x207: {  	v0 =	vld [tilespmem:s8+$0x6050];
	v5 =	vadd.f32 v7, v5  }
0x208: {  	v9 =	vmul.f32 $1.131370830e+01, v4;
	v10 =	vld [tilespmem:s8+$0x6060]  }
0x209: {  	v11 =	vld [tilespmem:s8+$0x1A000];
	v4 =	vmul.f32 $1.131370830e+01, v3;
	[tilespmem:s8+$0x12070] =	vst v5  }
0x20a: {  	v12 =	vld [tilespmem:s8+$0x1A010];
	v3 =	vmul.f32 $1.131370830e+01, v2  }
.Ltmp7:
0x20b: {  	v8 =	vld [tilespmem:s8+$0x1A020];
	v2 =	vmul.f32 $1.131370830e+01, v1;
	(pc) =	sbr.rel @p0 .LBB2_15-.Ltmp7, $4  }
0x20c: {  	v7 =	vld [tilespmem:s8+$0x1A030];
	v1 =	vmul.f32 $1.131370830e+01, v0  }
0x20d: {  	v5 =	vld [tilespmem:s8+$0x1A040];
	v0 =	vmul.f32 $1.131370830e+01, v10  }
0x20e: {  	v10 =	vadd.f32 v11, v6;
	v6 =	vld [tilespmem:s8+$0x1A050]  }
0x20f: {  	s12 =	sshra.s32 s24, $0x2;
	s24 =	sadd.s32 $0x200, s24;
	v11 =	vadd.f32 v12, v9;
	v9 =	vld [tilespmem:s8+$0x1A060]  }
0x210: {  	v12 =	vld [tilespmem:s12+$0x6070];
	[tilespmem:s8+$0x12000] =	vst v10;
	v4 =	vadd.f32 v8, v4  }
0x211: {  	v10 =	vld [tilespmem:s12+$0x6000];
	[tilespmem:s8+$0x12010] =	vst v11;
	v3 =	vadd.f32 v7, v3  }
0x212: {  	v8 =	vld [tilespmem:s12+$0x1A070];
	[tilespmem:s8+$0x12020] =	vst v4;
	v2 =	vadd.f32 v5, v2  }
0x213: {  	v4 =	vld [tilespmem:s12+$0x6010];
	[tilespmem:s8+$0x12030] =	vst v3;
	v1 =	vadd.f32 v6, v1  }
0x214: {  	v3 =	vld [tilespmem:s12+$0x6020];
	[tilespmem:s8+$0x12040] =	vst v2;
	v0 =	vadd.f32 v9, v0  }
0x215: {  	v2 =	vld [tilespmem:s12+$0x6030];
	[tilespmem:s8+$0x12050] =	vst v1  }
0x216: {  	v5 =	vmul.f32 $1.131370830e+01, v12;
	v1 =	vld [tilespmem:s12+$0x6040];
	[tilespmem:s8+$0x12060] =	vst v0  }
0x217: {  	v0 =	vld [tilespmem:s12+$0x6050]  }
0x218: {  	v5 =	vadd.f32 v8, v5;
	v7 =	vld [tilespmem:s12+$0x1A000]  }
0x219: {  	v8 =	vld [tilespmem:s12+$0x1A020]  }
0x21a: {  	[tilespmem:s12+$0x12070] =	vst v5;
	v5 =	vld [tilespmem:s12+$0x1A010]  }
0x21b: {  	v6 =	vld [tilespmem:s12+$0x6060]  }
0x21c: {  	v9 =	vmul.f32 $1.131370830e+01, v10;
	v10 =	vld [tilespmem:s12+$0x1A030]  }
0x21d: {  	v11 =	vld [tilespmem:s12+$0x1A040];
	v4 =	vmul.f32 $1.131370830e+01, v4;
	v3 =	vmul.f32 $1.131370830e+01, v3  }
0x21e: {  	v7 =	vadd.f32 v7, v9;
	v9 =	vld [tilespmem:s12+$0x1A050]  }
0x21f: {  	v2 =	vmul.f32 $1.131370830e+01, v2;
	v3 =	vadd.f32 v8, v3;
	v4 =	vadd.f32 v5, v4;
	v5 =	vld [tilespmem:s12+$0x1A060]  }
0x220: {  	v1 =	vmul.f32 $1.131370830e+01, v1;
	[tilespmem:s12+$0x12000] =	vst v7  }
0x221: {  	v0 =	vmul.f32 $1.131370830e+01, v0;
	v2 =	vadd.f32 v10, v2;
	[tilespmem:s12+$0x12020] =	vst v3  }
0x222: {  	v1 =	vadd.f32 v11, v1;
	[tilespmem:s12+$0x12010] =	vst v4;
	v4 =	vmul.f32 $1.131370830e+01, v6  }
0x223: {  	[tilespmem:s12+$0x12030] =	vst v2;
	v0 =	vadd.f32 v9, v0  }
0x224: {  	[tilespmem:s12+$0x12040] =	vst v1;
	v1 =	vadd.f32 v5, v4  }
0x225: {  	[tilespmem:s12+$0x12050] =	vst v0  }
0x226: {  	s24 =	simm.s32 $0x0;
	s29 =	rddreg [dreg:$0xf];
	[tilespmem:s12+$0x12060] =	vst v1  }
0x227: {  	[hbm4b:s29+s24] =	stream.linear.scatter [tilespmem:s14], [sflag:$0x9], $0x2000, $0x38;
	[tilespmem:$0x1C000] =	vst v63  }
0x228: {  	s24 =	simm.s32 $0x4  }
0x229: {  	_ =	swait.ge [sflag:s24], $0x2000  }
0x22a: {  	[sflag:s24] =	ssyncset.done $0x0  }
0x22b: {  	s29 =	simm.s32 $0xA;
	[sflag:s24] =	ssyncadd.s32 $0xFFFFE000  }
0x22c: {  	_ =	swait.ge [sflag:s29], $0x2000  }
0x22d: {  	[sflag:s29] =	ssyncset.done $0x0  }
0x22e: {  	s8 =	simm.s32 $0x0;
	[sflag:s29] =	ssyncadd.s32 $0xFFFFE000  }
0x22f: {  	v0 =	vld [tilespmem:s8+$0x8070]  }
0x230: {  	v1 =	vld [tilespmem:s8+$0x8000]  }
0x231: {  	v2 =	vld [tilespmem:s8+$0x1A070]  }
0x232: {  	v3 =	vld [tilespmem:s8+$0x8010]  }
0x233: {  	v4 =	vld [tilespmem:s8+$0x8020]  }
0x234: {  	v5 =	vld [tilespmem:s8+$0x8030]  }
0x235: {  	v6 =	vld [tilespmem:s8+$0x8040]  }
0x236: {  	v9 =	vld [tilespmem:s8+$0x8050]  }
0x237: {  	v10 =	vld [tilespmem:s8+$0x8060]  }
0x238: {  	v11 =	vld [tilespmem:s8+$0x1A000]  }
0x239: {  	v63 =	vld [tilespmem:s8+$0x1A010];
	v0 =	vmul.f32 $1.131370830e+01, v0  }
0x23a: {  	v8 =	vld [tilespmem:s8+$0x1A020]  }
0x23b: {  	v7 =	vld [tilespmem:s8+$0x1A030];
	v13 =	vmul.f32 $1.131370830e+01, v1;
	v14 =	vmul.f32 $1.131370830e+01, v3;
	v0 =	vadd.f32 v2, v0  }
0x23c: {  	v4 =	vmul.f32 $1.131370830e+01, v4;
	v3 =	vmul.f32 $1.131370830e+01, v5;
	v5 =	vld [tilespmem:s8+$0x1A040]  }
0x23d: {  	v2 =	vmul.f32 $1.131370830e+01, v6;
	v6 =	vld [tilespmem:s8+$0x1A050];
	[tilespmem:s8+$0x14070] =	vst v0;
	v0 =	vmul.f32 $1.131370830e+01, v10;
	v10 =	vadd.f32 v11, v13  }
0x23e: {  	s12 =	simm.s32 $0x80;
	s24 =	simm.s32 $0x400;
	v1 =	vmul.f32 $1.131370830e+01, v9;
	v9 =	vld [tilespmem:s8+$0x1A060];
	v11 =	vadd.f32 v63, v14  }
.LBB2_17:
0x23f: {  	p0 =	sne.s32 s24, $0x7E00;
	v12 =	vld [tilespmem:s12+$0x8070];
	[tilespmem:s8+$0x14000] =	vst v10;
	v4 =	vadd.f32 v8, v4  }
0x240: {  	v8 =	vld [tilespmem:s12+$0x8000];
	[tilespmem:s8+$0x14010] =	vst v11;
	v3 =	vadd.f32 v7, v3  }
0x241: {  	v7 =	vld [tilespmem:s12+$0x1A070];
	[tilespmem:s8+$0x14020] =	vst v4;
	v2 =	vadd.f32 v5, v2  }
0x242: {  	v4 =	vld [tilespmem:s12+$0x8010];
	[tilespmem:s8+$0x14030] =	vst v3;
	v1 =	vadd.f32 v6, v1  }
0x243: {  	v3 =	vld [tilespmem:s12+$0x8020];
	[tilespmem:s8+$0x14040] =	vst v2;
	v0 =	vadd.f32 v9, v0  }
0x244: {  	v2 =	vld [tilespmem:s12+$0x8030];
	v5 =	vmul.f32 $1.131370830e+01, v12;
	[tilespmem:s8+$0x14050] =	vst v1  }
0x245: {  	v6 =	vmul.f32 $1.131370830e+01, v8;
	v1 =	vld [tilespmem:s12+$0x8040];
	[tilespmem:s8+$0x14060] =	vst v0;
	s8 =	smov.u32 s12  }
0x246: {  	v0 =	vld [tilespmem:s8+$0x8050];
	v5 =	vadd.f32 v7, v5  }
0x247: {  	v9 =	vmul.f32 $1.131370830e+01, v4;
	v10 =	vld [tilespmem:s8+$0x8060]  }
0x248: {  	v11 =	vld [tilespmem:s8+$0x1A000];
	v4 =	vmul.f32 $1.131370830e+01, v3;
	[tilespmem:s8+$0x14070] =	vst v5  }
0x249: {  	v12 =	vld [tilespmem:s8+$0x1A010];
	v3 =	vmul.f32 $1.131370830e+01, v2  }
.Ltmp8:
0x24a: {  	v8 =	vld [tilespmem:s8+$0x1A020];
	v2 =	vmul.f32 $1.131370830e+01, v1;
	(pc) =	sbr.rel @p0 .LBB2_17-.Ltmp8, $4  }
0x24b: {  	v7 =	vld [tilespmem:s8+$0x1A030];
	v1 =	vmul.f32 $1.131370830e+01, v0  }
0x24c: {  	v5 =	vld [tilespmem:s8+$0x1A040];
	v0 =	vmul.f32 $1.131370830e+01, v10  }
0x24d: {  	v10 =	vadd.f32 v11, v6;
	v6 =	vld [tilespmem:s8+$0x1A050]  }
0x24e: {  	s12 =	sshra.s32 s24, $0x2;
	s24 =	sadd.s32 $0x200, s24;
	v11 =	vadd.f32 v12, v9;
	v9 =	vld [tilespmem:s8+$0x1A060]  }
0x24f: {  	v12 =	vld [tilespmem:s12+$0x8070];
	[tilespmem:s8+$0x14000] =	vst v10;
	v4 =	vadd.f32 v8, v4  }
0x250: {  	v10 =	vld [tilespmem:s12+$0x8000];
	[tilespmem:s8+$0x14010] =	vst v11;
	v3 =	vadd.f32 v7, v3  }
0x251: {  	v52 =	vld [tilespmem:s12+$0x1A070];
	[tilespmem:s8+$0x14020] =	vst v4;
	v2 =	vadd.f32 v5, v2  }
0x252: {  	v4 =	vld [tilespmem:s12+$0x8010];
	[tilespmem:s8+$0x14030] =	vst v3;
	v1 =	vadd.f32 v6, v1  }
0x253: {  	v3 =	vld [tilespmem:s12+$0x8020];
	[tilespmem:s8+$0x14040] =	vst v2;
	v0 =	vadd.f32 v9, v0  }
0x254: {  	v2 =	vld [tilespmem:s12+$0x8030];
	[tilespmem:s8+$0x14050] =	vst v1  }
0x255: {  	v1 =	vld [tilespmem:s12+$0x8040];
	[tilespmem:s8+$0x14060] =	vst v0  }
0x256: {  	v0 =	vld [tilespmem:s12+$0x8050]  }
0x257: {  	v54 =	vld [tilespmem:s12+$0x8060]  }
0x258: {  	v55 =	vld [tilespmem:s12+$0x1A000]  }
0x259: {  	v56 =	vld [tilespmem:s12+$0x1A010]  }
0x25a: {  	v53 =	vmul.f32 $1.131370830e+01, v12;
	v57 =	vld [tilespmem:s12+$0x1A020]  }
0x25b: {  	v58 =	vmul.f32 $1.131370830e+01, v10;
	v59 =	vld [tilespmem:s12+$0x1A030]  }
0x25c: {  	v5 =	vadd.f32 v52, v53;
	v11 =	vld [tilespmem:s12+$0x1A040];
	v4 =	vmul.f32 $1.131370830e+01, v4  }
0x25d: {  	v60 =	vld [tilespmem:s12+$0x1A050];
	v3 =	vmul.f32 $1.131370830e+01, v3;
	v7 =	vadd.f32 v55, v58  }
0x25e: {  	v61 =	vld [tilespmem:s12+$0x1A060];
	[tilespmem:s12+$0x14070] =	vst v5;
	v2 =	vmul.f32 $1.131370830e+01, v2;
	v4 =	vadd.f32 v56, v4  }
0x25f: {  	v1 =	vmul.f32 $1.131370830e+01, v1;
	v3 =	vadd.f32 v57, v3;
	[tilespmem:s12+$0x14000] =	vst v7  }
0x260: {  	v0 =	vmul.f32 $1.131370830e+01, v0;
	v2 =	vadd.f32 v59, v2;
	[tilespmem:s12+$0x14010] =	vst v4  }
0x261: {  	v62 =	vmul.f32 $1.131370830e+01, v54;
	v1 =	vadd.f32 v11, v1;
	[tilespmem:s12+$0x14020] =	vst v3  }
0x262: {  	[tilespmem:s12+$0x14030] =	vst v2;
	v0 =	vadd.f32 v60, v0  }
0x263: {  	v63 =	vadd.f32 v61, v62;
	[tilespmem:s12+$0x14040] =	vst v1  }
0x264: {  	[tilespmem:s12+$0x14050] =	vst v0  }
0x265: {  	s29 =	rddreg [dreg:$0x10];
	[tilespmem:s12+$0x14060] =	vst v63;
	s12 =	simm.s32 $0xB  }
0x266: {  	[hbm4b:s29+s4] =	stream.linear.scatter [tilespmem:s20], [sflag:$0xA], $0x2000, $0x38;
	[tilespmem:$0x1C000] =	vst v63  }
0x267: {  	_ =	swait.ge [sflag:s12], $0x2000  }
0x268: {  	[sflag:s12] =	ssyncset.done $0x0  }
0x269: {  	s24 =	simm.s32 $0xC;
	[sflag:s12] =	ssyncadd.s32 $0xFFFFE000  }
0x26a: {  	_ =	swait.ge [sflag:s24], $0x2000  }
0x26b: {  	[sflag:s24] =	ssyncset.done $0x0  }
0x26c: {  	[sflag:s24] =	ssyncadd.s32 $0xFFFFE000  }
0x26d: {  	_ =	swait.ge [sflag:s25], $0x2000  }
0x26e: {  	[sflag:s25] =	ssyncset.done $0x0  }
0x26f: {  	[sflag:s25] =	ssyncadd.s32 $0xFFFFE000  }
0x270: {  	_ =	swait.ge [sflag:s26], $0x2000  }
0x271: {  	[sflag:s26] =	ssyncset.done $0x0  }
0x272: {  	s25 =	simm.s32 $0x9;
	[sflag:s26] =	ssyncadd.s32 $0xFFFFE000  }
0x273: {  	_ =	swait.ge [sflag:s25], $0x2000  }
0x274: {  	[sflag:s25] =	ssyncset.done $0x0  }
0x275: {  	s26 =	simm.s32 $0xA;
	[sflag:s25] =	ssyncadd.s32 $0xFFFFE000  }
0x276: {  	_ =	swait.ge [sflag:s26], $0x2000  }
0x277: {  	s24 =	rddreg [dreg:$0x12]  }
0x278: {  	s29 =	rddreg [dreg:$0x11];
	s24 =	sadd.s32 $0x1, s24  }
0x279: {  	p0 =	sne.s32 s24, s29  }
.Ltmp9:
0x27a: {  	_ = 	snop;
	(pc) =	sbr.rel @p0 .LBB2_1-.Ltmp9, $3  }
0x27b: {  	_ =	sdelay $0x1  }
0x27c: {  	[sflag:s26] =	ssyncset.done $0x0  }
0x27d: {  	[sflag:s26] =	ssyncadd.s32 $0xFFFFE000  }
0x27e: {  	_ =	sfence.sel $0x180000  }
0x27f: {  	[bflag:$0x0] =	sbarrier.arrive $0xFFFF  }
0x280: {  	_ =	strace $0x90000047  }
0x281: {  	s0 =	stileid.u32;
	[bflag:$0x2] =	sbarrier.arrive $0xFFFF  }
0x282: {  	p0 =	sne.s32 s0, $0x0;
	s0 =	rddreg [dreg:$0x4]  }
0x283: {  	s0 =	sadd.s32 @!p0 $0x100000, s0  }
0x284: {  	[sflag:s0] =	ssyncadd.tile.s32 @!p0 $0x1;
	_ =	shalt  }
.Lfunc_end2:
_tile_overlayer_lowered:
.L_overlay_start_2:
0x285: {  	(tag) =	ssettag $0x2  }
0x286: {  	s0 =	rddreg [dreg:$0x0];
	s2 =	stileid.u32  }
0x287: {  	s1 =	rddreg [dreg:$0x1];
	p0 =	sne.s32 s2, $0x0  }
0x288: {  	s3 =	rddreg [dreg:$0x2];
	[bflag:$0x3] =	sbarrier.arrive $0xFFFF;
	s2 =	simm.s32 @!p0 $0x1C0D  }
0x289: {  	[timem:s3], [sflag:s2] =	dma.local @!p0 [hbm:s0], s1  }
0x28a: {  	s0 =	simm.s32 @!p0 $0xD  }
0x28b: {  	_ =	swait.ge @!p0 [sflag:s0], s1  }
0x28c: {  	s1 =	ssub.s32 @!p0 $0x0, s1;
	[sflag:s0] =	ssyncset.done @!p0 $0x0  }
0x28d: {  	[sflag:s0] =	ssyncadd.s32 @!p0 s1  }
0x28e: {  	[bflag:$0x3] =	sbarrier.arrive $0xFFFF  }
0x28f: {  	_ =	shalt  }

</sc_bundles>
